<compile_context>
chip_gen: v7x
topology: tpu7x:2x2x1
jax: 0.10.2.dev20260603
libtpu: 0.0.44.dev20260713+nightly
codegen_flags: <defaults>
</compile_context>

<pallas_src>
import jax
import jax.numpy as jnp
from jax import lax
from jax.experimental import pallas as pl
from jax.experimental.pallas import tpu as pltpu
from jax.experimental.pallas import tpu_sc as plsc

_ORDER = 50
_B = 4096
_L = 200
_BB = 1024
_NW = 32
_BPW = _B // _NW
_LANES = 16
_NN = 100000
_ALIGN = (_NN // 128) * 128
_NPAD = _ALIGN + 128
_CHUNK = 6272
_TAILC = _ALIGN - 15 * _CHUNK


def _softplus(x):
    return jnp.maximum(x, 0.0) + jnp.log1p(jnp.exp(-jnp.abs(x)))


def _sc_body(src_hbm, dst_hbm, emb_hbm, tail_hbm, z_hbm,
             tstage, idx_s, idx_d, gs, gd, z_v,
             e0, e1, e2, e3, e4, e5, e6, e7, sem_s, sem_d):
    esh = (e0, e1, e2, e3, e4, e5, e6, e7)
    sid = lax.axis_index("s")
    base = (sid * 2 + lax.axis_index("c")) * _BPW
    pltpu.sync_copy(src_hbm.at[pl.ds(base, _BPW)], idx_s)
    pltpu.sync_copy(dst_hbm.at[pl.ds(base, _BPW)], idx_d)

    j0 = sid * _CHUNK

    @pl.when(sid < 15)
    def _():
        for c in range(8):
            pltpu.async_copy(emb_hbm.at[c, pl.ds(j0, _CHUNK)],
                             esh[c].at[pl.ds(j0, _CHUNK)], sem_s)
        for c in range(8):
            pltpu.make_async_copy(emb_hbm.at[c, pl.ds(j0, _CHUNK)],
                                  esh[c].at[pl.ds(j0, _CHUNK)], sem_s).wait()

    @pl.when(sid == 15)
    def _():
        cp1 = pltpu.async_copy(tail_hbm, tstage, sem_d)
        for c in range(8):
            pltpu.async_copy(emb_hbm.at[c, pl.ds(15 * _CHUNK, _TAILC)],
                             esh[c].at[pl.ds(15 * _CHUNK, _TAILC)], sem_s)
        cp1.wait()
        for c in range(8):
            pltpu.async_copy(tstage.at[c], esh[c].at[pl.ds(_ALIGN, 128)], sem_d)
        for c in range(8):
            pltpu.make_async_copy(emb_hbm.at[c, pl.ds(15 * _CHUNK, _TAILC)],
                                  esh[c].at[pl.ds(15 * _CHUNK, _TAILC)],
                                  sem_s).wait()
            pltpu.make_async_copy(tstage.at[c], esh[c].at[pl.ds(_ALIGN, 128)],
                                  sem_d).wait()

    plsc.subcore_barrier()

    copies = []
    for c in range(8):
        copies.append(pltpu.async_copy(esh[c].at[idx_s], gs.at[c], sem_s))
        copies.append(pltpu.async_copy(esh[c].at[idx_d], gd.at[c], sem_d))
    for cp in copies:
        cp.wait()

    for k in range(_BPW // _LANES):
        sl = pl.ds(k * _LANES, _LANES)
        acc = gs[0, sl] * gd[0, sl]
        for c in range(1, 8):
            acc = acc + gs[c, sl] * gd[c, sl]
        z_v[sl] = acc
    pltpu.sync_copy(z_v, z_hbm.at[pl.ds(base, _BPW)])


def _sc_dot(src, dst, embT, emb_tail):
    mesh = plsc.VectorSubcoreMesh(core_axis_name="c", subcore_axis_name="s")
    return pl.kernel(
        _sc_body,
        out_type=jax.ShapeDtypeStruct((_B,), jnp.float32),
        mesh=mesh,
        scratch_types=[
            pltpu.VMEM((8, 128), jnp.float32),
            pltpu.VMEM((_BPW,), jnp.int32),
            pltpu.VMEM((_BPW,), jnp.int32),
            pltpu.VMEM((8, _BPW), jnp.float32),
            pltpu.VMEM((8, _BPW), jnp.float32),
            pltpu.VMEM((_BPW,), jnp.float32),
            *[pltpu.VMEM_SHARED((_NPAD,), jnp.float32) for _ in range(8)],
            pltpu.SemaphoreType.DMA,
            pltpu.SemaphoreType.DMA,
        ],
    )(src, dst, embT, emb_tail)


def _tc_body(tT_ref, xT_ref, t_ref, wa_ref, ba_ref, wb_ref, bb_ref,
             out_ref, m_ref, tri_ref):
    step = pl.program_id(0)

    @pl.when(step == 0)
    def _():
        mask = (tT_ref[...] < t_ref[...][None, :]).astype(jnp.float32)
        counts = jnp.sum(mask, axis=0)
        m_ref[0] = jnp.max(counts)
        li = lax.broadcasted_iota(jnp.int32, (_L, _L), 0)
        ki = lax.broadcasted_iota(jnp.int32, (_L, _L), 1)
        tri_ref[...] = (ki <= li).astype(jnp.bfloat16)

    @pl.when(step > 0)
    def _():
        b0 = (step - 1) * _BB
        tp = tT_ref[:, pl.ds(b0, _BB)]
        tt = t_ref[pl.ds(b0, _BB)]
        dt = tt[None, :] - tp
        mask = dt > 0.0
        maskf = mask.astype(jnp.bfloat16)
        macc = jax.lax.dot(tri_ref[...], maskf,
                           preferred_element_type=jnp.float32)
        keep = mask & (macc > m_ref[0] - _ORDER)

        wa0, wa1, wa2 = wa_ref[0, 0], wa_ref[0, 1], wa_ref[0, 2]
        wb0, wb1, wb2 = wb_ref[0, 0], wb_ref[0, 1], wb_ref[0, 2]
        x0 = xT_ref[0, :, :]
        x1 = xT_ref[1, :, :]
        x2 = xT_ref[2, :, :]
        a_lin = x0 * wa0 + x1 * wa1 + x2 * wa2 + ba_ref[0]
        b_lin = x0 * wb0 + x1 * wb1 + x2 * wb2 + bb_ref[0]
        alphas = jnp.log1p(jnp.exp(a_lin))
        betas = jnp.log1p(jnp.exp(b_lin))
        terms = jnp.where(keep, alphas * jnp.exp(-betas * dt), 0.0)
        out_ref[...] = jnp.sum(terms, axis=0)


def _tc_dense(tT, xT, t, wa, ba, wb, bb):
    grid = (_B // _BB + 1,)
    return pl.pallas_call(
        _tc_body,
        grid=grid,
        in_specs=[
            pl.BlockSpec((_L, _B), lambda i: (0, 0)),
            pl.BlockSpec((3, _L, _BB), lambda i: (0, 0, jnp.maximum(i - 1, 0))),
            pl.BlockSpec((_B,), lambda i: (0,)),
            pl.BlockSpec(memory_space=pltpu.SMEM),
            pl.BlockSpec(memory_space=pltpu.SMEM),
            pl.BlockSpec(memory_space=pltpu.SMEM),
            pl.BlockSpec(memory_space=pltpu.SMEM),
        ],
        out_specs=pl.BlockSpec((_BB,), lambda i: (jnp.maximum(i - 1, 0),)),
        out_shape=jax.ShapeDtypeStruct((_B,), jnp.float32),
        scratch_shapes=[pltpu.SMEM((1,), jnp.float32),
                        pltpu.VMEM((_L, _L), jnp.bfloat16)],
    )(tT, xT, t, wa, ba, wb, bb)


def _combine_body(z_ref, incr_ref, out_ref):
    out_ref[...] = _softplus(z_ref[...]) + incr_ref[...]


def _combine(z, incr):
    return pl.pallas_call(
        _combine_body,
        out_shape=jax.ShapeDtypeStruct((_B,), jnp.float32),
    )(z, incr)


def kernel(src, dst, t, x_pad, t_pad, emb, W_alpha, b_alpha, W_beta, b_beta):
    xT = jnp.transpose(x_pad, (2, 1, 0))
    tT = jnp.transpose(t_pad, (1, 0))
    embT = jnp.transpose(emb, (1, 0))
    emb_tail = jnp.pad(embT[:, _ALIGN:], ((0, 0), (0, 128 - (_NN - _ALIGN))))
    z = _sc_dot(src.astype(jnp.int32), dst.astype(jnp.int32), embT, emb_tail)
    incr = _tc_dense(tT, xT, t, W_alpha, b_alpha, W_beta, b_beta)
    return _combine(z, incr)

# --- scband reference (transcript-rebuilt; emitter-appended) ---
"""Pipeline reference for scband-hawkes-75076028334599 (READ-ONLY COPY).

The authoritative reference and input builder live on the scoring server;
editing this copy changes nothing except your own understanding.
"""

import jax, jax.numpy as jnp
import numpy as np

N_NODES = 100000
N_COMP = 8
N_FEAT = 3
ORDER = 50
B = 4096
L = 200


def setup_inputs(seed: int = 0) -> dict:
    key = jax.random.key(seed)
    ks = jax.random.split(key, 10)
    src = jax.random.randint(ks[0], (B,), 0, N_NODES, dtype=jnp.int32).astype(jnp.int64) if jax.config.jax_enable_x64 else jax.random.randint(ks[0], (B,), 0, N_NODES)
    dst = jax.random.randint(ks[1], (B,), 0, N_NODES)
    t = jax.random.uniform(ks[2], (B,), dtype=jnp.float32)
    x_pad = jax.random.normal(ks[3], (B, L, N_FEAT), dtype=jnp.float32)
    t_pad = jax.random.uniform(ks[4], (B, L), dtype=jnp.float32)
    # Learned parameters
    emb = 0.1 * jax.random.normal(ks[5], (N_NODES, N_COMP), dtype=jnp.float32)  # Poisson base-rate node embeddings
    W_alpha = 0.1 * jax.random.normal(ks[6], (1, N_FEAT), dtype=jnp.float32)
    b_alpha = jnp.zeros((1,), dtype=jnp.float32)
    W_beta = 0.1 * jax.random.normal(ks[7], (1, N_FEAT), dtype=jnp.float32)
    b_beta = jnp.zeros((1,), dtype=jnp.float32)
    return {"src": src, "dst": dst, "t": t, "x_pad": x_pad, "t_pad": t_pad,
            "emb": emb, "W_alpha": W_alpha, "b_alpha": b_alpha,
            "W_beta": W_beta, "b_beta": b_beta}


def _get_time_mask(t, t_pad):
    mask = t_pad < t[:, None]
    mask_acc = jnp.cumsum(mask.astype(jnp.int32), axis=1)
    ranks = jnp.max(mask_acc) - mask_acc  # global max, faithful to torch .max()
    mask_ranks = ranks < ORDER
    return mask & mask_ranks


def _forward(t, x_pad, t_pad, emb, W_alpha, b_alpha, W_beta, b_beta, src, dst):
    # Poisson base rate (low-rank node-embedding model)
    z_src = jnp.take(emb, src, axis=0)
    z_dst = jnp.take(emb, dst, axis=0)
    hr = jax.nn.softplus(jnp.sum(z_src * z_dst, axis=-1))  # [B]
    # Hawkes increment
    betas = jax.nn.softplus(x_pad @ W_beta.T + b_beta).reshape(t_pad.shape)
    alphas = jax.nn.softplus(x_pad @ W_alpha.T + b_alpha).reshape(t_pad.shape)
    delta_t = (t[:, None] - t_pad).reshape(t_pad.shape)
    mask = _get_time_mask(t, t_pad)
    kernel = jnp.exp(-(betas * delta_t))
    terms = jnp.where(mask, alphas * kernel, 0.0)
    incr = jnp.sum(mask.astype(terms.dtype) * terms, axis=1)
    return hr + incr


def reference(src, dst, t, x_pad, t_pad, emb, W_alpha, b_alpha, W_beta, b_beta):
    return _forward(t, x_pad, t_pad, emb, W_alpha, b_alpha, W_beta, b_beta, src, dst)

if __name__ == "__main__":
    import jax
    _d = setup_inputs()
    print(jax.jit(kernel)(*tuple(_d.values())))

</pallas_src>

<mosaic_0001>
#map = affine_map<(d0, d1) -> (0)>
#map1 = affine_map<(d0, d1) -> (0, 0)>
module attributes {stable_mosaic.version = 14 : i64} {
  func.func @_sc_body(%arg0: i32, %arg1: i32, %arg2: memref<4096xi32, #tpu.memory_space<hbm>>, %arg3: memref<4096xi32, #tpu.memory_space<hbm>>, %arg4: memref<8x100000xf32, #tpu.memory_space<hbm>>, %arg5: memref<8x128xf32, #tpu.memory_space<hbm>>, %arg6: memref<4096xf32, #tpu.memory_space<hbm>>, %arg7: memref<8x128xf32, #tpu.memory_space<vmem>>, %arg8: memref<128xi32, #tpu.memory_space<vmem>>, %arg9: memref<128xi32, #tpu.memory_space<vmem>>, %arg10: memref<8x128xf32, #tpu.memory_space<vmem>>, %arg11: memref<8x128xf32, #tpu.memory_space<vmem>>, %arg12: memref<128xf32, #tpu.memory_space<vmem>>, %arg13: memref<100096xf32, #tpu.memory_space<vmem_shared>>, %arg14: memref<100096xf32, #tpu.memory_space<vmem_shared>>, %arg15: memref<100096xf32, #tpu.memory_space<vmem_shared>>, %arg16: memref<100096xf32, #tpu.memory_space<vmem_shared>>, %arg17: memref<100096xf32, #tpu.memory_space<vmem_shared>>, %arg18: memref<100096xf32, #tpu.memory_space<vmem_shared>>, %arg19: memref<100096xf32, #tpu.memory_space<vmem_shared>>, %arg20: memref<100096xf32, #tpu.memory_space<vmem_shared>>, %arg21: memref<!tpu.dma_semaphore, #tpu.memory_space<semaphore_mem>>, %arg22: memref<!tpu.dma_semaphore, #tpu.memory_space<semaphore_mem>>) attributes {dimension_semantics = [#tpu.dimension_semantics<core_parallel>, #tpu.dimension_semantics<subcore_parallel>], iteration_bounds = array<i64: 2, 16>, scalar_prefetch = 0 : i64, scratch_operands = 16 : i64, tpu.core_type = #tpu.core_type<sc_vector_subcore>, window_params = [{transform_indices = #map}, {transform_indices = #map}, {transform_indices = #map1}, {transform_indices = #map1}, {transform_indices = #map}]} {
    %mul3A = arith.constant 2 : i32
    %mul3A_0 = arith.muli %arg1, %mul3A : i32
    %add3A = arith.addi %mul3A_0, %arg0 : i32
    %mul3A_1 = arith.constant 128 : i32
    %mul3A_2 = arith.muli %add3A, %mul3A_1 : i32
    "tpu.region"() ({
      %run_scoped3A = tpu.sem_alloc : memref<!tpu.dma_semaphore, #tpu.memory_space<semaphore_mem>>
      %dma_start3A_991 = tpu.memref_slice %arg2[%mul3A_2] : memref<4096xi32, #tpu.memory_space<hbm>> -> memref<128xi32, #tpu.memory_space<hbm>>
      %dma_start3A_992 = tpu.memref_slice %arg2[%mul3A_2] : memref<4096xi32, #tpu.memory_space<hbm>> -> memref<128xi32, #tpu.memory_space<hbm>>
      tpu.enqueue_dma source(%dma_start3A_992 : memref<128xi32, #tpu.memory_space<hbm>>) target(%arg8 : memref<128xi32, #tpu.memory_space<vmem>>) target_semaphore(%run_scoped3A : memref<!tpu.dma_semaphore, #tpu.memory_space<semaphore_mem>>)
      %dma_wait3A_993 = tpu.memref_slice %arg2[%mul3A_2] : memref<4096xi32, #tpu.memory_space<hbm>> -> memref<128xi32, #tpu.memory_space<hbm>>
      %dma_wait3A_994 = tpu.memref_slice %arg2[%mul3A_2] : memref<4096xi32, #tpu.memory_space<hbm>> -> memref<128xi32, #tpu.memory_space<hbm>>
      tpu.wait_dma2 semaphore(%run_scoped3A : memref<!tpu.dma_semaphore, #tpu.memory_space<semaphore_mem>>) src(%dma_wait3A_994 : memref<128xi32, #tpu.memory_space<hbm>>) dst(%arg8 : memref<128xi32, #tpu.memory_space<vmem>>)
      tpu.yield
    }) : () -> ()
    "tpu.region"() ({
      %run_scoped3A = tpu.sem_alloc : memref<!tpu.dma_semaphore, #tpu.memory_space<semaphore_mem>>
      %dma_start3A_991 = tpu.memref_slice %arg3[%mul3A_2] : memref<4096xi32, #tpu.memory_space<hbm>> -> memref<128xi32, #tpu.memory_space<hbm>>
      %dma_start3A_992 = tpu.memref_slice %arg3[%mul3A_2] : memref<4096xi32, #tpu.memory_space<hbm>> -> memref<128xi32, #tpu.memory_space<hbm>>
      tpu.enqueue_dma source(%dma_start3A_992 : memref<128xi32, #tpu.memory_space<hbm>>) target(%arg9 : memref<128xi32, #tpu.memory_space<vmem>>) target_semaphore(%run_scoped3A : memref<!tpu.dma_semaphore, #tpu.memory_space<semaphore_mem>>)
      %dma_wait3A_993 = tpu.memref_slice %arg3[%mul3A_2] : memref<4096xi32, #tpu.memory_space<hbm>> -> memref<128xi32, #tpu.memory_space<hbm>>
      %dma_wait3A_994 = tpu.memref_slice %arg3[%mul3A_2] : memref<4096xi32, #tpu.memory_space<hbm>> -> memref<128xi32, #tpu.memory_space<hbm>>
      tpu.wait_dma2 semaphore(%run_scoped3A : memref<!tpu.dma_semaphore, #tpu.memory_space<semaphore_mem>>) src(%dma_wait3A_994 : memref<128xi32, #tpu.memory_space<hbm>>) dst(%arg9 : memref<128xi32, #tpu.memory_space<vmem>>)
      tpu.yield
    }) : () -> ()
    %mul3A_3 = arith.constant 6272 : i32
    %mul3A_4 = arith.muli %arg1, %mul3A_3 : i32
    %lt3A = arith.constant 15 : i32
    %lt3A_5 = arith.cmpi slt, %arg1, %lt3A : i32
    %convert_element_type3A = arith.extui %lt3A_5 : i1 to i32
    %cond3A = arith.constant 0 : i32
    %cond3A_6 = arith.cmpi ne, %convert_element_type3A, %cond3A : i32
    scf.if %cond3A_6 {
      %dma_start3A_991 = arith.constant 0 : i32
      %dma_start3A_992 = tpu.memref_slice %arg13[%mul3A_4] : memref<100096xf32, #tpu.memory_space<vmem_shared>> -> memref<6272xf32, #tpu.memory_space<vmem_shared>>
      %dma_start3A_993 = tpu.memref_slice %arg4[%dma_start3A_991, %mul3A_4] : memref<8x100000xf32, #tpu.memory_space<hbm>> -> memref<1x6272xf32, #tpu.memory_space<hbm>>
      %dma_start3A_994 = tpu.memref_squeeze %dma_start3A_993 : memref<1x6272xf32, #tpu.memory_space<hbm>> -> memref<6272xf32, #tpu.memory_space<hbm>>
      tpu.enqueue_dma source(%dma_start3A_994 : memref<6272xf32, #tpu.memory_space<hbm>>) target(%dma_start3A_992 : memref<6272xf32, #tpu.memory_space<vmem_shared>>) target_semaphore(%arg21 : memref<!tpu.dma_semaphore, #tpu.memory_space<semaphore_mem>>)
      %dma_start3A_995 = arith.constant 1 : i32
      %dma_start3A_996 = tpu.memref_slice %arg14[%mul3A_4] : memref<100096xf32, #tpu.memory_space<vmem_shared>> -> memref<6272xf32, #tpu.memory_space<vmem_shared>>
      %dma_start3A_997 = tpu.memref_slice %arg4[%dma_start3A_995, %mul3A_4] : memref<8x100000xf32, #tpu.memory_space<hbm>> -> memref<1x6272xf32, #tpu.memory_space<hbm>>
      %dma_start3A_998 = tpu.memref_squeeze %dma_start3A_997 : memref<1x6272xf32, #tpu.memory_space<hbm>> -> memref<6272xf32, #tpu.memory_space<hbm>>
      tpu.enqueue_dma source(%dma_start3A_998 : memref<6272xf32, #tpu.memory_space<hbm>>) target(%dma_start3A_996 : memref<6272xf32, #tpu.memory_space<vmem_shared>>) target_semaphore(%arg21 : memref<!tpu.dma_semaphore, #tpu.memory_space<semaphore_mem>>)
      %dma_start3A_999 = arith.constant 2 : i32
      %dma_start3A_1000 = tpu.memref_slice %arg15[%mul3A_4] : memref<100096xf32, #tpu.memory_space<vmem_shared>> -> memref<6272xf32, #tpu.memory_space<vmem_shared>>
      %dma_start3A_1001 = tpu.memref_slice %arg4[%dma_start3A_999, %mul3A_4] : memref<8x100000xf32, #tpu.memory_space<hbm>> -> memref<1x6272xf32, #tpu.memory_space<hbm>>
      %dma_start3A_1002 = tpu.memref_squeeze %dma_start3A_1001 : memref<1x6272xf32, #tpu.memory_space<hbm>> -> memref<6272xf32, #tpu.memory_space<hbm>>
      tpu.enqueue_dma source(%dma_start3A_1002 : memref<6272xf32, #tpu.memory_space<hbm>>) target(%dma_start3A_1000 : memref<6272xf32, #tpu.memory_space<vmem_shared>>) target_semaphore(%arg21 : memref<!tpu.dma_semaphore, #tpu.memory_space<semaphore_mem>>)
      %dma_start3A_1003 = arith.constant 3 : i32
      %dma_start3A_1004 = tpu.memref_slice %arg16[%mul3A_4] : memref<100096xf32, #tpu.memory_space<vmem_shared>> -> memref<6272xf32, #tpu.memory_space<vmem_shared>>
      %dma_start3A_1005 = tpu.memref_slice %arg4[%dma_start3A_1003, %mul3A_4] : memref<8x100000xf32, #tpu.memory_space<hbm>> -> memref<1x6272xf32, #tpu.memory_space<hbm>>
      %dma_start3A_1006 = tpu.memref_squeeze %dma_start3A_1005 : memref<1x6272xf32, #tpu.memory_space<hbm>> -> memref<6272xf32, #tpu.memory_space<hbm>>
      tpu.enqueue_dma source(%dma_start3A_1006 : memref<6272xf32, #tpu.memory_space<hbm>>) target(%dma_start3A_1004 : memref<6272xf32, #tpu.memory_space<vmem_shared>>) target_semaphore(%arg21 : memref<!tpu.dma_semaphore, #tpu.memory_space<semaphore_mem>>)
      %dma_start3A_1007 = arith.constant 4 : i32
      %dma_start3A_1008 = tpu.memref_slice %arg17[%mul3A_4] : memref<100096xf32, #tpu.memory_space<vmem_shared>> -> memref<6272xf32, #tpu.memory_space<vmem_shared>>
      %dma_start3A_1009 = tpu.memref_slice %arg4[%dma_start3A_1007, %mul3A_4] : memref<8x100000xf32, #tpu.memory_space<hbm>> -> memref<1x6272xf32, #tpu.memory_space<hbm>>
      %dma_start3A_1010 = tpu.memref_squeeze %dma_start3A_1009 : memref<1x6272xf32, #tpu.memory_space<hbm>> -> memref<6272xf32, #tpu.memory_space<hbm>>
      tpu.enqueue_dma source(%dma_start3A_1010 : memref<6272xf32, #tpu.memory_space<hbm>>) target(%dma_start3A_1008 : memref<6272xf32, #tpu.memory_space<vmem_shared>>) target_semaphore(%arg21 : memref<!tpu.dma_semaphore, #tpu.memory_space<semaphore_mem>>)
      %dma_start3A_1011 = arith.constant 5 : i32
      %dma_start3A_1012 = tpu.memref_slice %arg18[%mul3A_4] : memref<100096xf32, #tpu.memory_space<vmem_shared>> -> memref<6272xf32, #tpu.memory_space<vmem_shared>>
      %dma_start3A_1013 = tpu.memref_slice %arg4[%dma_start3A_1011, %mul3A_4] : memref<8x100000xf32, #tpu.memory_space<hbm>> -> memref<1x6272xf32, #tpu.memory_space<hbm>>
      %dma_start3A_1014 = tpu.memref_squeeze %dma_start3A_1013 : memref<1x6272xf32, #tpu.memory_space<hbm>> -> memref<6272xf32, #tpu.memory_space<hbm>>
      tpu.enqueue_dma source(%dma_start3A_1014 : memref<6272xf32, #tpu.memory_space<hbm>>) target(%dma_start3A_1012 : memref<6272xf32, #tpu.memory_space<vmem_shared>>) target_semaphore(%arg21 : memref<!tpu.dma_semaphore, #tpu.memory_space<semaphore_mem>>)
      %dma_start3A_1015 = arith.constant 6 : i32
      %dma_start3A_1016 = tpu.memref_slice %arg19[%mul3A_4] : memref<100096xf32, #tpu.memory_space<vmem_shared>> -> memref<6272xf32, #tpu.memory_space<vmem_shared>>
      %dma_start3A_1017 = tpu.memref_slice %arg4[%dma_start3A_1015, %mul3A_4] : memref<8x100000xf32, #tpu.memory_space<hbm>> -> memref<1x6272xf32, #tpu.memory_space<hbm>>
      %dma_start3A_1018 = tpu.memref_squeeze %dma_start3A_1017 : memref<1x6272xf32, #tpu.memory_space<hbm>> -> memref<6272xf32, #tpu.memory_space<hbm>>
      tpu.enqueue_dma source(%dma_start3A_1018 : memref<6272xf32, #tpu.memory_space<hbm>>) target(%dma_start3A_1016 : memref<6272xf32, #tpu.memory_space<vmem_shared>>) target_semaphore(%arg21 : memref<!tpu.dma_semaphore, #tpu.memory_space<semaphore_mem>>)
      %dma_start3A_1019 = arith.constant 7 : i32
      %dma_start3A_1020 = tpu.memref_slice %arg20[%mul3A_4] : memref<100096xf32, #tpu.memory_space<vmem_shared>> -> memref<6272xf32, #tpu.memory_space<vmem_shared>>
      %dma_start3A_1021 = tpu.memref_slice %arg4[%dma_start3A_1019, %mul3A_4] : memref<8x100000xf32, #tpu.memory_space<hbm>> -> memref<1x6272xf32, #tpu.memory_space<hbm>>
      %dma_start3A_1022 = tpu.memref_squeeze %dma_start3A_1021 : memref<1x6272xf32, #tpu.memory_space<hbm>> -> memref<6272xf32, #tpu.memory_space<hbm>>
      tpu.enqueue_dma source(%dma_start3A_1022 : memref<6272xf32, #tpu.memory_space<hbm>>) target(%dma_start3A_1020 : memref<6272xf32, #tpu.memory_space<vmem_shared>>) target_semaphore(%arg21 : memref<!tpu.dma_semaphore, #tpu.memory_space<semaphore_mem>>)
      %dma_wait3A_1023 = arith.constant 0 : i32
      %dma_wait3A_1024 = tpu.memref_slice %arg13[%mul3A_4] : memref<100096xf32, #tpu.memory_space<vmem_shared>> -> memref<6272xf32, #tpu.memory_space<vmem_shared>>
      %dma_wait3A_1025 = tpu.memref_slice %arg4[%dma_wait3A_1023, %mul3A_4] : memref<8x100000xf32, #tpu.memory_space<hbm>> -> memref<1x6272xf32, #tpu.memory_space<hbm>>
      %dma_wait3A_1026 = tpu.memref_squeeze %dma_wait3A_1025 : memref<1x6272xf32, #tpu.memory_space<hbm>> -> memref<6272xf32, #tpu.memory_space<hbm>>
      tpu.wait_dma2 semaphore(%arg21 : memref<!tpu.dma_semaphore, #tpu.memory_space<semaphore_mem>>) src(%dma_wait3A_1026 : memref<6272xf32, #tpu.memory_space<hbm>>) dst(%dma_wait3A_1024 : memref<6272xf32, #tpu.memory_space<vmem_shared>>)
      %dma_wait3A_1027 = arith.constant 1 : i32
      %dma_wait3A_1028 = tpu.memref_slice %arg14[%mul3A_4] : memref<100096xf32, #tpu.memory_space<vmem_shared>> -> memref<6272xf32, #tpu.memory_space<vmem_shared>>
      %dma_wait3A_1029 = tpu.memref_slice %arg4[%dma_wait3A_1027, %mul3A_4] : memref<8x100000xf32, #tpu.memory_space<hbm>> -> memref<1x6272xf32, #tpu.memory_space<hbm>>
      %dma_wait3A_1030 = tpu.memref_squeeze %dma_wait3A_1029 : memref<1x6272xf32, #tpu.memory_space<hbm>> -> memref<6272xf32, #tpu.memory_space<hbm>>
      tpu.wait_dma2 semaphore(%arg21 : memref<!tpu.dma_semaphore, #tpu.memory_space<semaphore_mem>>) src(%dma_wait3A_1030 : memref<6272xf32, #tpu.memory_space<hbm>>) dst(%dma_wait3A_1028 : memref<6272xf32, #tpu.memory_space<vmem_shared>>)
      %dma_wait3A_1031 = arith.constant 2 : i32
      %dma_wait3A_1032 = tpu.memref_slice %arg15[%mul3A_4] : memref<100096xf32, #tpu.memory_space<vmem_shared>> -> memref<6272xf32, #tpu.memory_space<vmem_shared>>
      %dma_wait3A_1033 = tpu.memref_slice %arg4[%dma_wait3A_1031, %mul3A_4] : memref<8x100000xf32, #tpu.memory_space<hbm>> -> memref<1x6272xf32, #tpu.memory_space<hbm>>
      %dma_wait3A_1034 = tpu.memref_squeeze %dma_wait3A_1033 : memref<1x6272xf32, #tpu.memory_space<hbm>> -> memref<6272xf32, #tpu.memory_space<hbm>>
      tpu.wait_dma2 semaphore(%arg21 : memref<!tpu.dma_semaphore, #tpu.memory_space<semaphore_mem>>) src(%dma_wait3A_1034 : memref<6272xf32, #tpu.memory_space<hbm>>) dst(%dma_wait3A_1032 : memref<6272xf32, #tpu.memory_space<vmem_shared>>)
      %dma_wait3A_1035 = arith.constant 3 : i32
      %dma_wait3A_1036 = tpu.memref_slice %arg16[%mul3A_4] : memref<100096xf32, #tpu.memory_space<vmem_shared>> -> memref<6272xf32, #tpu.memory_space<vmem_shared>>
      %dma_wait3A_1037 = tpu.memref_slice %arg4[%dma_wait3A_1035, %mul3A_4] : memref<8x100000xf32, #tpu.memory_space<hbm>> -> memref<1x6272xf32, #tpu.memory_space<hbm>>
      %dma_wait3A_1038 = tpu.memref_squeeze %dma_wait3A_1037 : memref<1x6272xf32, #tpu.memory_space<hbm>> -> memref<6272xf32, #tpu.memory_space<hbm>>
      tpu.wait_dma2 semaphore(%arg21 : memref<!tpu.dma_semaphore, #tpu.memory_space<semaphore_mem>>) src(%dma_wait3A_1038 : memref<6272xf32, #tpu.memory_space<hbm>>) dst(%dma_wait3A_1036 : memref<6272xf32, #tpu.memory_space<vmem_shared>>)
      %dma_wait3A_1039 = arith.constant 4 : i32
      %dma_wait3A_1040 = tpu.memref_slice %arg17[%mul3A_4] : memref<100096xf32, #tpu.memory_space<vmem_shared>> -> memref<6272xf32, #tpu.memory_space<vmem_shared>>
      %dma_wait3A_1041 = tpu.memref_slice %arg4[%dma_wait3A_1039, %mul3A_4] : memref<8x100000xf32, #tpu.memory_space<hbm>> -> memref<1x6272xf32, #tpu.memory_space<hbm>>
      %dma_wait3A_1042 = tpu.memref_squeeze %dma_wait3A_1041 : memref<1x6272xf32, #tpu.memory_space<hbm>> -> memref<6272xf32, #tpu.memory_space<hbm>>
      tpu.wait_dma2 semaphore(%arg21 : memref<!tpu.dma_semaphore, #tpu.memory_space<semaphore_mem>>) src(%dma_wait3A_1042 : memref<6272xf32, #tpu.memory_space<hbm>>) dst(%dma_wait3A_1040 : memref<6272xf32, #tpu.memory_space<vmem_shared>>)
      %dma_wait3A_1043 = arith.constant 5 : i32
      %dma_wait3A_1044 = tpu.memref_slice %arg18[%mul3A_4] : memref<100096xf32, #tpu.memory_space<vmem_shared>> -> memref<6272xf32, #tpu.memory_space<vmem_shared>>
      %dma_wait3A_1045 = tpu.memref_slice %arg4[%dma_wait3A_1043, %mul3A_4] : memref<8x100000xf32, #tpu.memory_space<hbm>> -> memref<1x6272xf32, #tpu.memory_space<hbm>>
      %dma_wait3A_1046 = tpu.memref_squeeze %dma_wait3A_1045 : memref<1x6272xf32, #tpu.memory_space<hbm>> -> memref<6272xf32, #tpu.memory_space<hbm>>
      tpu.wait_dma2 semaphore(%arg21 : memref<!tpu.dma_semaphore, #tpu.memory_space<semaphore_mem>>) src(%dma_wait3A_1046 : memref<6272xf32, #tpu.memory_space<hbm>>) dst(%dma_wait3A_1044 : memref<6272xf32, #tpu.memory_space<vmem_shared>>)
      %dma_wait3A_1047 = arith.constant 6 : i32
      %dma_wait3A_1048 = tpu.memref_slice %arg19[%mul3A_4] : memref<100096xf32, #tpu.memory_space<vmem_shared>> -> memref<6272xf32, #tpu.memory_space<vmem_shared>>
      %dma_wait3A_1049 = tpu.memref_slice %arg4[%dma_wait3A_1047, %mul3A_4] : memref<8x100000xf32, #tpu.memory_space<hbm>> -> memref<1x6272xf32, #tpu.memory_space<hbm>>
      %dma_wait3A_1050 = tpu.memref_squeeze %dma_wait3A_1049 : memref<1x6272xf32, #tpu.memory_space<hbm>> -> memref<6272xf32, #tpu.memory_space<hbm>>
      tpu.wait_dma2 semaphore(%arg21 : memref<!tpu.dma_semaphore, #tpu.memory_space<semaphore_mem>>) src(%dma_wait3A_1050 : memref<6272xf32, #tpu.memory_space<hbm>>) dst(%dma_wait3A_1048 : memref<6272xf32, #tpu.memory_space<vmem_shared>>)
      %dma_wait3A_1051 = arith.constant 7 : i32
      %dma_wait3A_1052 = tpu.memref_slice %arg20[%mul3A_4] : memref<100096xf32, #tpu.memory_space<vmem_shared>> -> memref<6272xf32, #tpu.memory_space<vmem_shared>>
      %dma_wait3A_1053 = tpu.memref_slice %arg4[%dma_wait3A_1051, %mul3A_4] : memref<8x100000xf32, #tpu.memory_space<hbm>> -> memref<1x6272xf32, #tpu.memory_space<hbm>>
      %dma_wait3A_1054 = tpu.memref_squeeze %dma_wait3A_1053 : memref<1x6272xf32, #tpu.memory_space<hbm>> -> memref<6272xf32, #tpu.memory_space<hbm>>
      tpu.wait_dma2 semaphore(%arg21 : memref<!tpu.dma_semaphore, #tpu.memory_space<semaphore_mem>>) src(%dma_wait3A_1054 : memref<6272xf32, #tpu.memory_space<hbm>>) dst(%dma_wait3A_1052 : memref<6272xf32, #tpu.memory_space<vmem_shared>>)
    } else {
    }
    %eq3A = arith.constant 15 : i32
    %eq3A_7 = arith.cmpi eq, %arg1, %eq3A : i32
    %convert_element_type3A_8 = arith.extui %eq3A_7 : i1 to i32
    %cond3A_9 = arith.constant 0 : i32
    %cond3A_10 = arith.cmpi ne, %convert_element_type3A_8, %cond3A_9 : i32
    scf.if %cond3A_10 {
      tpu.enqueue_dma source(%arg5 : memref<8x128xf32, #tpu.memory_space<hbm>>) target(%arg7 : memref<8x128xf32, #tpu.memory_space<vmem>>) target_semaphore(%arg22 : memref<!tpu.dma_semaphore, #tpu.memory_space<semaphore_mem>>)
      %dma_start3A_991 = arith.constant 0 : i32
      %dma_start3A_992 = arith.constant 94080 : i32
      %dma_start3A_993 = tpu.memref_slice %arg13[%dma_start3A_992] : memref<100096xf32, #tpu.memory_space<vmem_shared>> -> memref<5888xf32, #tpu.memory_space<vmem_shared>>
      %dma_start3A_994 = arith.constant 94080 : i32
      %dma_start3A_995 = tpu.memref_slice %arg4[%dma_start3A_991, %dma_start3A_994] : memref<8x100000xf32, #tpu.memory_space<hbm>> -> memref<1x5888xf32, #tpu.memory_space<hbm>>
      %dma_start3A_996 = tpu.memref_squeeze %dma_start3A_995 : memref<1x5888xf32, #tpu.memory_space<hbm>> -> memref<5888xf32, #tpu.memory_space<hbm>>
      tpu.enqueue_dma source(%dma_start3A_996 : memref<5888xf32, #tpu.memory_space<hbm>>) target(%dma_start3A_993 : memref<5888xf32, #tpu.memory_space<vmem_shared>>) target_semaphore(%arg21 : memref<!tpu.dma_semaphore, #tpu.memory_space<semaphore_mem>>)
      %dma_start3A_997 = arith.constant 1 : i32
      %dma_start3A_998 = arith.constant 94080 : i32
      %dma_start3A_999 = tpu.memref_slice %arg14[%dma_start3A_998] : memref<100096xf32, #tpu.memory_space<vmem_shared>> -> memref<5888xf32, #tpu.memory_space<vmem_shared>>
      %dma_start3A_1000 = arith.constant 94080 : i32
      %dma_start3A_1001 = tpu.memref_slice %arg4[%dma_start3A_997, %dma_start3A_1000] : memref<8x100000xf32, #tpu.memory_space<hbm>> -> memref<1x5888xf32, #tpu.memory_space<hbm>>
      %dma_start3A_1002 = tpu.memref_squeeze %dma_start3A_1001 : memref<1x5888xf32, #tpu.memory_space<hbm>> -> memref<5888xf32, #tpu.memory_space<hbm>>
      tpu.enqueue_dma source(%dma_start3A_1002 : memref<5888xf32, #tpu.memory_space<hbm>>) target(%dma_start3A_999 : memref<5888xf32, #tpu.memory_space<vmem_shared>>) target_semaphore(%arg21 : memref<!tpu.dma_semaphore, #tpu.memory_space<semaphore_mem>>)
      %dma_start3A_1003 = arith.constant 2 : i32
      %dma_start3A_1004 = arith.constant 94080 : i32
      %dma_start3A_1005 = tpu.memref_slice %arg15[%dma_start3A_1004] : memref<100096xf32, #tpu.memory_space<vmem_shared>> -> memref<5888xf32, #tpu.memory_space<vmem_shared>>
      %dma_start3A_1006 = arith.constant 94080 : i32
      %dma_start3A_1007 = tpu.memref_slice %arg4[%dma_start3A_1003, %dma_start3A_1006] : memref<8x100000xf32, #tpu.memory_space<hbm>> -> memref<1x5888xf32, #tpu.memory_space<hbm>>
      %dma_start3A_1008 = tpu.memref_squeeze %dma_start3A_1007 : memref<1x5888xf32, #tpu.memory_space<hbm>> -> memref<5888xf32, #tpu.memory_space<hbm>>
      tpu.enqueue_dma source(%dma_start3A_1008 : memref<5888xf32, #tpu.memory_space<hbm>>) target(%dma_start3A_1005 : memref<5888xf32, #tpu.memory_space<vmem_shared>>) target_semaphore(%arg21 : memref<!tpu.dma_semaphore, #tpu.memory_space<semaphore_mem>>)
      %dma_start3A_1009 = arith.constant 3 : i32
      %dma_start3A_1010 = arith.constant 94080 : i32
      %dma_start3A_1011 = tpu.memref_slice %arg16[%dma_start3A_1010] : memref<100096xf32, #tpu.memory_space<vmem_shared>> -> memref<5888xf32, #tpu.memory_space<vmem_shared>>
      %dma_start3A_1012 = arith.constant 94080 : i32
      %dma_start3A_1013 = tpu.memref_slice %arg4[%dma_start3A_1009, %dma_start3A_1012] : memref<8x100000xf32, #tpu.memory_space<hbm>> -> memref<1x5888xf32, #tpu.memory_space<hbm>>
      %dma_start3A_1014 = tpu.memref_squeeze %dma_start3A_1013 : memref<1x5888xf32, #tpu.memory_space<hbm>> -> memref<5888xf32, #tpu.memory_space<hbm>>
      tpu.enqueue_dma source(%dma_start3A_1014 : memref<5888xf32, #tpu.memory_space<hbm>>) target(%dma_start3A_1011 : memref<5888xf32, #tpu.memory_space<vmem_shared>>) target_semaphore(%arg21 : memref<!tpu.dma_semaphore, #tpu.memory_space<semaphore_mem>>)
      %dma_start3A_1015 = arith.constant 4 : i32
      %dma_start3A_1016 = arith.constant 94080 : i32
      %dma_start3A_1017 = tpu.memref_slice %arg17[%dma_start3A_1016] : memref<100096xf32, #tpu.memory_space<vmem_shared>> -> memref<5888xf32, #tpu.memory_space<vmem_shared>>
      %dma_start3A_1018 = arith.constant 94080 : i32
      %dma_start3A_1019 = tpu.memref_slice %arg4[%dma_start3A_1015, %dma_start3A_1018] : memref<8x100000xf32, #tpu.memory_space<hbm>> -> memref<1x5888xf32, #tpu.memory_space<hbm>>
      %dma_start3A_1020 = tpu.memref_squeeze %dma_start3A_1019 : memref<1x5888xf32, #tpu.memory_space<hbm>> -> memref<5888xf32, #tpu.memory_space<hbm>>
      tpu.enqueue_dma source(%dma_start3A_1020 : memref<5888xf32, #tpu.memory_space<hbm>>) target(%dma_start3A_1017 : memref<5888xf32, #tpu.memory_space<vmem_shared>>) target_semaphore(%arg21 : memref<!tpu.dma_semaphore, #tpu.memory_space<semaphore_mem>>)
      %dma_start3A_1021 = arith.constant 5 : i32
      %dma_start3A_1022 = arith.constant 94080 : i32
      %dma_start3A_1023 = tpu.memref_slice %arg18[%dma_start3A_1022] : memref<100096xf32, #tpu.memory_space<vmem_shared>> -> memref<5888xf32, #tpu.memory_space<vmem_shared>>
      %dma_start3A_1024 = arith.constant 94080 : i32
      %dma_start3A_1025 = tpu.memref_slice %arg4[%dma_start3A_1021, %dma_start3A_1024] : memref<8x100000xf32, #tpu.memory_space<hbm>> -> memref<1x5888xf32, #tpu.memory_space<hbm>>
      %dma_start3A_1026 = tpu.memref_squeeze %dma_start3A_1025 : memref<1x5888xf32, #tpu.memory_space<hbm>> -> memref<5888xf32, #tpu.memory_space<hbm>>
      tpu.enqueue_dma source(%dma_start3A_1026 : memref<5888xf32, #tpu.memory_space<hbm>>) target(%dma_start3A_1023 : memref<5888xf32, #tpu.memory_space<vmem_shared>>) target_semaphore(%arg21 : memref<!tpu.dma_semaphore, #tpu.memory_space<semaphore_mem>>)
      %dma_start3A_1027 = arith.constant 6 : i32
      %dma_start3A_1028 = arith.constant 94080 : i32
      %dma_start3A_1029 = tpu.memref_slice %arg19[%dma_start3A_1028] : memref<100096xf32, #tpu.memory_space<vmem_shared>> -> memref<5888xf32, #tpu.memory_space<vmem_shared>>
      %dma_start3A_1030 = arith.constant 94080 : i32
      %dma_start3A_1031 = tpu.memref_slice %arg4[%dma_start3A_1027, %dma_start3A_1030] : memref<8x100000xf32, #tpu.memory_space<hbm>> -> memref<1x5888xf32, #tpu.memory_space<hbm>>
      %dma_start3A_1032 = tpu.memref_squeeze %dma_start3A_1031 : memref<1x5888xf32, #tpu.memory_space<hbm>> -> memref<5888xf32, #tpu.memory_space<hbm>>
      tpu.enqueue_dma source(%dma_start3A_1032 : memref<5888xf32, #tpu.memory_space<hbm>>) target(%dma_start3A_1029 : memref<5888xf32, #tpu.memory_space<vmem_shared>>) target_semaphore(%arg21 : memref<!tpu.dma_semaphore, #tpu.memory_space<semaphore_mem>>)
      %dma_start3A_1033 = arith.constant 7 : i32
      %dma_start3A_1034 = arith.constant 94080 : i32
      %dma_start3A_1035 = tpu.memref_slice %arg20[%dma_start3A_1034] : memref<100096xf32, #tpu.memory_space<vmem_shared>> -> memref<5888xf32, #tpu.memory_space<vmem_shared>>
      %dma_start3A_1036 = arith.constant 94080 : i32
      %dma_start3A_1037 = tpu.memref_slice %arg4[%dma_start3A_1033, %dma_start3A_1036] : memref<8x100000xf32, #tpu.memory_space<hbm>> -> memref<1x5888xf32, #tpu.memory_space<hbm>>
      %dma_start3A_1038 = tpu.memref_squeeze %dma_start3A_1037 : memref<1x5888xf32, #tpu.memory_space<hbm>> -> memref<5888xf32, #tpu.memory_space<hbm>>
      tpu.enqueue_dma source(%dma_start3A_1038 : memref<5888xf32, #tpu.memory_space<hbm>>) target(%dma_start3A_1035 : memref<5888xf32, #tpu.memory_space<vmem_shared>>) target_semaphore(%arg21 : memref<!tpu.dma_semaphore, #tpu.memory_space<semaphore_mem>>)
      tpu.wait_dma2 semaphore(%arg22 : memref<!tpu.dma_semaphore, #tpu.memory_space<semaphore_mem>>) src(%arg5 : memref<8x128xf32, #tpu.memory_space<hbm>>) dst(%arg7 : memref<8x128xf32, #tpu.memory_space<vmem>>)
      %dma_start3A_1039 = arith.constant 0 : i32
      %dma_start3A_1040 = arith.constant 0 : i32
      %dma_start3A_1041 = tpu.memref_slice %arg7[%dma_start3A_1039, %dma_start3A_1040] : memref<8x128xf32, #tpu.memory_space<vmem>> -> memref<1x128xf32, #tpu.memory_space<vmem>>
      %dma_start3A_1042 = tpu.memref_squeeze %dma_start3A_1041 : memref<1x128xf32, #tpu.memory_space<vmem>> -> memref<128xf32, #tpu.memory_space<vmem>>
      %dma_start3A_1043 = arith.constant 99968 : i32
      %dma_start3A_1044 = tpu.memref_slice %arg13[%dma_start3A_1043] : memref<100096xf32, #tpu.memory_space<vmem_shared>> -> memref<128xf32, #tpu.memory_space<vmem_shared>>
      %dma_start3A_1045 = arith.constant 99968 : i32
      %dma_start3A_1046 = tpu.memref_slice %arg13[%dma_start3A_1045] : memref<100096xf32, #tpu.memory_space<vmem_shared>> -> memref<128xf32, #tpu.memory_space<vmem_shared>>
      %dma_start3A_1047 = arith.constant 0 : i32
      %dma_start3A_1048 = tpu.memref_slice %arg7[%dma_start3A_1039, %dma_start3A_1047] : memref<8x128xf32, #tpu.memory_space<vmem>> -> memref<1x128xf32, #tpu.memory_space<vmem>>
      %dma_start3A_1049 = tpu.memref_squeeze %dma_start3A_1048 : memref<1x128xf32, #tpu.memory_space<vmem>> -> memref<128xf32, #tpu.memory_space<vmem>>
      tpu.enqueue_dma source(%dma_start3A_1049 : memref<128xf32, #tpu.memory_space<vmem>>) target(%dma_start3A_1046 : memref<128xf32, #tpu.memory_space<vmem_shared>>) target_semaphore(%arg22 : memref<!tpu.dma_semaphore, #tpu.memory_space<semaphore_mem>>)
      %dma_start3A_1050 = arith.constant 1 : i32
      %dma_start3A_1051 = arith.constant 0 : i32
      %dma_start3A_1052 = tpu.memref_slice %arg7[%dma_start3A_1050, %dma_start3A_1051] : memref<8x128xf32, #tpu.memory_space<vmem>> -> memref<1x128xf32, #tpu.memory_space<vmem>>
      %dma_start3A_1053 = tpu.memref_squeeze %dma_start3A_1052 : memref<1x128xf32, #tpu.memory_space<vmem>> -> memref<128xf32, #tpu.memory_space<vmem>>
      %dma_start3A_1054 = arith.constant 99968 : i32
      %dma_start3A_1055 = tpu.memref_slice %arg14[%dma_start3A_1054] : memref<100096xf32, #tpu.memory_space<vmem_shared>> -> memref<128xf32, #tpu.memory_space<vmem_shared>>
      %dma_start3A_1056 = arith.constant 99968 : i32
      %dma_start3A_1057 = tpu.memref_slice %arg14[%dma_start3A_1056] : memref<100096xf32, #tpu.memory_space<vmem_shared>> -> memref<128xf32, #tpu.memory_space<vmem_shared>>
      %dma_start3A_1058 = arith.constant 0 : i32
      %dma_start3A_1059 = tpu.memref_slice %arg7[%dma_start3A_1050, %dma_start3A_1058] : memref<8x128xf32, #tpu.memory_space<vmem>> -> memref<1x128xf32, #tpu.memory_space<vmem>>
      %dma_start3A_1060 = tpu.memref_squeeze %dma_start3A_1059 : memref<1x128xf32, #tpu.memory_space<vmem>> -> memref<128xf32, #tpu.memory_space<vmem>>
      tpu.enqueue_dma source(%dma_start3A_1060 : memref<128xf32, #tpu.memory_space<vmem>>) target(%dma_start3A_1057 : memref<128xf32, #tpu.memory_space<vmem_shared>>) target_semaphore(%arg22 : memref<!tpu.dma_semaphore, #tpu.memory_space<semaphore_mem>>)
      %dma_start3A_1061 = arith.constant 2 : i32
      %dma_start3A_1062 = arith.constant 0 : i32
      %dma_start3A_1063 = tpu.memref_slice %arg7[%dma_start3A_1061, %dma_start3A_1062] : memref<8x128xf32, #tpu.memory_space<vmem>> -> memref<1x128xf32, #tpu.memory_space<vmem>>
      %dma_start3A_1064 = tpu.memref_squeeze %dma_start3A_1063 : memref<1x128xf32, #tpu.memory_space<vmem>> -> memref<128xf32, #tpu.memory_space<vmem>>
      %dma_start3A_1065 = arith.constant 99968 : i32
      %dma_start3A_1066 = tpu.memref_slice %arg15[%dma_start3A_1065] : memref<100096xf32, #tpu.memory_space<vmem_shared>> -> memref<128xf32, #tpu.memory_space<vmem_shared>>
      %dma_start3A_1067 = arith.constant 99968 : i32
      %dma_start3A_1068 = tpu.memref_slice %arg15[%dma_start3A_1067] : memref<100096xf32, #tpu.memory_space<vmem_shared>> -> memref<128xf32, #tpu.memory_space<vmem_shared>>
      %dma_start3A_1069 = arith.constant 0 : i32
      %dma_start3A_1070 = tpu.memref_slice %arg7[%dma_start3A_1061, %dma_start3A_1069] : memref<8x128xf32, #tpu.memory_space<vmem>> -> memref<1x128xf32, #tpu.memory_space<vmem>>
      %dma_start3A_1071 = tpu.memref_squeeze %dma_start3A_1070 : memref<1x128xf32, #tpu.memory_space<vmem>> -> memref<128xf32, #tpu.memory_space<vmem>>
      tpu.enqueue_dma source(%dma_start3A_1071 : memref<128xf32, #tpu.memory_space<vmem>>) target(%dma_start3A_1068 : memref<128xf32, #tpu.memory_space<vmem_shared>>) target_semaphore(%arg22 : memref<!tpu.dma_semaphore, #tpu.memory_space<semaphore_mem>>)
      %dma_start3A_1072 = arith.constant 3 : i32
      %dma_start3A_1073 = arith.constant 0 : i32
      %dma_start3A_1074 = tpu.memref_slice %arg7[%dma_start3A_1072, %dma_start3A_1073] : memref<8x128xf32, #tpu.memory_space<vmem>> -> memref<1x128xf32, #tpu.memory_space<vmem>>
      %dma_start3A_1075 = tpu.memref_squeeze %dma_start3A_1074 : memref<1x128xf32, #tpu.memory_space<vmem>> -> memref<128xf32, #tpu.memory_space<vmem>>
      %dma_start3A_1076 = arith.constant 99968 : i32
      %dma_start3A_1077 = tpu.memref_slice %arg16[%dma_start3A_1076] : memref<100096xf32, #tpu.memory_space<vmem_shared>> -> memref<128xf32, #tpu.memory_space<vmem_shared>>
      %dma_start3A_1078 = arith.constant 99968 : i32
      %dma_start3A_1079 = tpu.memref_slice %arg16[%dma_start3A_1078] : memref<100096xf32, #tpu.memory_space<vmem_shared>> -> memref<128xf32, #tpu.memory_space<vmem_shared>>
      %dma_start3A_1080 = arith.constant 0 : i32
      %dma_start3A_1081 = tpu.memref_slice %arg7[%dma_start3A_1072, %dma_start3A_1080] : memref<8x128xf32, #tpu.memory_space<vmem>> -> memref<1x128xf32, #tpu.memory_space<vmem>>
      %dma_start3A_1082 = tpu.memref_squeeze %dma_start3A_1081 : memref<1x128xf32, #tpu.memory_space<vmem>> -> memref<128xf32, #tpu.memory_space<vmem>>
      tpu.enqueue_dma source(%dma_start3A_1082 : memref<128xf32, #tpu.memory_space<vmem>>) target(%dma_start3A_1079 : memref<128xf32, #tpu.memory_space<vmem_shared>>) target_semaphore(%arg22 : memref<!tpu.dma_semaphore, #tpu.memory_space<semaphore_mem>>)
      %dma_start3A_1083 = arith.constant 4 : i32
      %dma_start3A_1084 = arith.constant 0 : i32
      %dma_start3A_1085 = tpu.memref_slice %arg7[%dma_start3A_1083, %dma_start3A_1084] : memref<8x128xf32, #tpu.memory_space<vmem>> -> memref<1x128xf32, #tpu.memory_space<vmem>>
      %dma_start3A_1086 = tpu.memref_squeeze %dma_start3A_1085 : memref<1x128xf32, #tpu.memory_space<vmem>> -> memref<128xf32, #tpu.memory_space<vmem>>
      %dma_start3A_1087 = arith.constant 99968 : i32
      %dma_start3A_1088 = tpu.memref_slice %arg17[%dma_start3A_1087] : memref<100096xf32, #tpu.memory_space<vmem_shared>> -> memref<128xf32, #tpu.memory_space<vmem_shared>>
      %dma_start3A_1089 = arith.constant 99968 : i32
      %dma_start3A_1090 = tpu.memref_slice %arg17[%dma_start3A_1089] : memref<100096xf32, #tpu.memory_space<vmem_shared>> -> memref<128xf32, #tpu.memory_space<vmem_shared>>
      %dma_start3A_1091 = arith.constant 0 : i32
      %dma_start3A_1092 = tpu.memref_slice %arg7[%dma_start3A_1083, %dma_start3A_1091] : memref<8x128xf32, #tpu.memory_space<vmem>> -> memref<1x128xf32, #tpu.memory_space<vmem>>
      %dma_start3A_1093 = tpu.memref_squeeze %dma_start3A_1092 : memref<1x128xf32, #tpu.memory_space<vmem>> -> memref<128xf32, #tpu.memory_space<vmem>>
      tpu.enqueue_dma source(%dma_start3A_1093 : memref<128xf32, #tpu.memory_space<vmem>>) target(%dma_start3A_1090 : memref<128xf32, #tpu.memory_space<vmem_shared>>) target_semaphore(%arg22 : memref<!tpu.dma_semaphore, #tpu.memory_space<semaphore_mem>>)
      %dma_start3A_1094 = arith.constant 5 : i32
      %dma_start3A_1095 = arith.constant 0 : i32
      %dma_start3A_1096 = tpu.memref_slice %arg7[%dma_start3A_1094, %dma_start3A_1095] : memref<8x128xf32, #tpu.memory_space<vmem>> -> memref<1x128xf32, #tpu.memory_space<vmem>>
      %dma_start3A_1097 = tpu.memref_squeeze %dma_start3A_1096 : memref<1x128xf32, #tpu.memory_space<vmem>> -> memref<128xf32, #tpu.memory_space<vmem>>
      %dma_start3A_1098 = arith.constant 99968 : i32
      %dma_start3A_1099 = tpu.memref_slice %arg18[%dma_start3A_1098] : memref<100096xf32, #tpu.memory_space<vmem_shared>> -> memref<128xf32, #tpu.memory_space<vmem_shared>>
      %dma_start3A_1100 = arith.constant 99968 : i32
      %dma_start3A_1101 = tpu.memref_slice %arg18[%dma_start3A_1100] : memref<100096xf32, #tpu.memory_space<vmem_shared>> -> memref<128xf32, #tpu.memory_space<vmem_shared>>
      %dma_start3A_1102 = arith.constant 0 : i32
      %dma_start3A_1103 = tpu.memref_slice %arg7[%dma_start3A_1094, %dma_start3A_1102] : memref<8x128xf32, #tpu.memory_space<vmem>> -> memref<1x128xf32, #tpu.memory_space<vmem>>
      %dma_start3A_1104 = tpu.memref_squeeze %dma_start3A_1103 : memref<1x128xf32, #tpu.memory_space<vmem>> -> memref<128xf32, #tpu.memory_space<vmem>>
      tpu.enqueue_dma source(%dma_start3A_1104 : memref<128xf32, #tpu.memory_space<vmem>>) target(%dma_start3A_1101 : memref<128xf32, #tpu.memory_space<vmem_shared>>) target_semaphore(%arg22 : memref<!tpu.dma_semaphore, #tpu.memory_space<semaphore_mem>>)
      %dma_start3A_1105 = arith.constant 6 : i32
      %dma_start3A_1106 = arith.constant 0 : i32
      %dma_start3A_1107 = tpu.memref_slice %arg7[%dma_start3A_1105, %dma_start3A_1106] : memref<8x128xf32, #tpu.memory_space<vmem>> -> memref<1x128xf32, #tpu.memory_space<vmem>>
      %dma_start3A_1108 = tpu.memref_squeeze %dma_start3A_1107 : memref<1x128xf32, #tpu.memory_space<vmem>> -> memref<128xf32, #tpu.memory_space<vmem>>
      %dma_start3A_1109 = arith.constant 99968 : i32
      %dma_start3A_1110 = tpu.memref_slice %arg19[%dma_start3A_1109] : memref<100096xf32, #tpu.memory_space<vmem_shared>> -> memref<128xf32, #tpu.memory_space<vmem_shared>>
      %dma_start3A_1111 = arith.constant 99968 : i32
      %dma_start3A_1112 = tpu.memref_slice %arg19[%dma_start3A_1111] : memref<100096xf32, #tpu.memory_space<vmem_shared>> -> memref<128xf32, #tpu.memory_space<vmem_shared>>
      %dma_start3A_1113 = arith.constant 0 : i32
      %dma_start3A_1114 = tpu.memref_slice %arg7[%dma_start3A_1105, %dma_start3A_1113] : memref<8x128xf32, #tpu.memory_space<vmem>> -> memref<1x128xf32, #tpu.memory_space<vmem>>
      %dma_start3A_1115 = tpu.memref_squeeze %dma_start3A_1114 : memref<1x128xf32, #tpu.memory_space<vmem>> -> memref<128xf32, #tpu.memory_space<vmem>>
      tpu.enqueue_dma source(%dma_start3A_1115 : memref<128xf32, #tpu.memory_space<vmem>>) target(%dma_start3A_1112 : memref<128xf32, #tpu.memory_space<vmem_shared>>) target_semaphore(%arg22 : memref<!tpu.dma_semaphore, #tpu.memory_space<semaphore_mem>>)
      %dma_start3A_1116 = arith.constant 7 : i32
      %dma_start3A_1117 = arith.constant 0 : i32
      %dma_start3A_1118 = tpu.memref_slice %arg7[%dma_start3A_1116, %dma_start3A_1117] : memref<8x128xf32, #tpu.memory_space<vmem>> -> memref<1x128xf32, #tpu.memory_space<vmem>>
      %dma_start3A_1119 = tpu.memref_squeeze %dma_start3A_1118 : memref<1x128xf32, #tpu.memory_space<vmem>> -> memref<128xf32, #tpu.memory_space<vmem>>
      %dma_start3A_1120 = arith.constant 99968 : i32
      %dma_start3A_1121 = tpu.memref_slice %arg20[%dma_start3A_1120] : memref<100096xf32, #tpu.memory_space<vmem_shared>> -> memref<128xf32, #tpu.memory_space<vmem_shared>>
      %dma_start3A_1122 = arith.constant 99968 : i32
      %dma_start3A_1123 = tpu.memref_slice %arg20[%dma_start3A_1122] : memref<100096xf32, #tpu.memory_space<vmem_shared>> -> memref<128xf32, #tpu.memory_space<vmem_shared>>
      %dma_start3A_1124 = arith.constant 0 : i32
      %dma_start3A_1125 = tpu.memref_slice %arg7[%dma_start3A_1116, %dma_start3A_1124] : memref<8x128xf32, #tpu.memory_space<vmem>> -> memref<1x128xf32, #tpu.memory_space<vmem>>
      %dma_start3A_1126 = tpu.memref_squeeze %dma_start3A_1125 : memref<1x128xf32, #tpu.memory_space<vmem>> -> memref<128xf32, #tpu.memory_space<vmem>>
      tpu.enqueue_dma source(%dma_start3A_1126 : memref<128xf32, #tpu.memory_space<vmem>>) target(%dma_start3A_1123 : memref<128xf32, #tpu.memory_space<vmem_shared>>) target_semaphore(%arg22 : memref<!tpu.dma_semaphore, #tpu.memory_space<semaphore_mem>>)
      %dma_wait3A_1127 = arith.constant 0 : i32
      %dma_wait3A_1128 = arith.constant 94080 : i32
      %dma_wait3A_1129 = tpu.memref_slice %arg13[%dma_wait3A_1128] : memref<100096xf32, #tpu.memory_space<vmem_shared>> -> memref<5888xf32, #tpu.memory_space<vmem_shared>>
      %dma_wait3A_1130 = arith.constant 94080 : i32
      %dma_wait3A_1131 = tpu.memref_slice %arg4[%dma_wait3A_1127, %dma_wait3A_1130] : memref<8x100000xf32, #tpu.memory_space<hbm>> -> memref<1x5888xf32, #tpu.memory_space<hbm>>
      %dma_wait3A_1132 = tpu.memref_squeeze %dma_wait3A_1131 : memref<1x5888xf32, #tpu.memory_space<hbm>> -> memref<5888xf32, #tpu.memory_space<hbm>>
      tpu.wait_dma2 semaphore(%arg21 : memref<!tpu.dma_semaphore, #tpu.memory_space<semaphore_mem>>) src(%dma_wait3A_1132 : memref<5888xf32, #tpu.memory_space<hbm>>) dst(%dma_wait3A_1129 : memref<5888xf32, #tpu.memory_space<vmem_shared>>)
      %dma_wait3A_1133 = arith.constant 0 : i32
      %dma_wait3A_1134 = arith.constant 0 : i32
      %dma_wait3A_1135 = tpu.memref_slice %arg7[%dma_wait3A_1133, %dma_wait3A_1134] : memref<8x128xf32, #tpu.memory_space<vmem>> -> memref<1x128xf32, #tpu.memory_space<vmem>>
      %dma_wait3A_1136 = tpu.memref_squeeze %dma_wait3A_1135 : memref<1x128xf32, #tpu.memory_space<vmem>> -> memref<128xf32, #tpu.memory_space<vmem>>
      %dma_wait3A_1137 = arith.constant 99968 : i32
      %dma_wait3A_1138 = tpu.memref_slice %arg13[%dma_wait3A_1137] : memref<100096xf32, #tpu.memory_space<vmem_shared>> -> memref<128xf32, #tpu.memory_space<vmem_shared>>
      %dma_wait3A_1139 = arith.constant 99968 : i32
      %dma_wait3A_1140 = tpu.memref_slice %arg13[%dma_wait3A_1139] : memref<100096xf32, #tpu.memory_space<vmem_shared>> -> memref<128xf32, #tpu.memory_space<vmem_shared>>
      %dma_wait3A_1141 = arith.constant 0 : i32
      %dma_wait3A_1142 = tpu.memref_slice %arg7[%dma_wait3A_1133, %dma_wait3A_1141] : memref<8x128xf32, #tpu.memory_space<vmem>> -> memref<1x128xf32, #tpu.memory_space<vmem>>
      %dma_wait3A_1143 = tpu.memref_squeeze %dma_wait3A_1142 : memref<1x128xf32, #tpu.memory_space<vmem>> -> memref<128xf32, #tpu.memory_space<vmem>>
      tpu.wait_dma2 semaphore(%arg22 : memref<!tpu.dma_semaphore, #tpu.memory_space<semaphore_mem>>) src(%dma_wait3A_1143 : memref<128xf32, #tpu.memory_space<vmem>>) dst(%dma_wait3A_1140 : memref<128xf32, #tpu.memory_space<vmem_shared>>)
      %dma_wait3A_1144 = arith.constant 1 : i32
      %dma_wait3A_1145 = arith.constant 94080 : i32
      %dma_wait3A_1146 = tpu.memref_slice %arg14[%dma_wait3A_1145] : memref<100096xf32, #tpu.memory_space<vmem_shared>> -> memref<5888xf32, #tpu.memory_space<vmem_shared>>
      %dma_wait3A_1147 = arith.constant 94080 : i32
      %dma_wait3A_1148 = tpu.memref_slice %arg4[%dma_wait3A_1144, %dma_wait3A_1147] : memref<8x100000xf32, #tpu.memory_space<hbm>> -> memref<1x5888xf32, #tpu.memory_space<hbm>>
      %dma_wait3A_1149 = tpu.memref_squeeze %dma_wait3A_1148 : memref<1x5888xf32, #tpu.memory_space<hbm>> -> memref<5888xf32, #tpu.memory_space<hbm>>
      tpu.wait_dma2 semaphore(%arg21 : memref<!tpu.dma_semaphore, #tpu.memory_space<semaphore_mem>>) src(%dma_wait3A_1149 : memref<5888xf32, #tpu.memory_space<hbm>>) dst(%dma_wait3A_1146 : memref<5888xf32, #tpu.memory_space<vmem_shared>>)
      %dma_wait3A_1150 = arith.constant 1 : i32
      %dma_wait3A_1151 = arith.constant 0 : i32
      %dma_wait3A_1152 = tpu.memref_slice %arg7[%dma_wait3A_1150, %dma_wait3A_1151] : memref<8x128xf32, #tpu.memory_space<vmem>> -> memref<1x128xf32, #tpu.memory_space<vmem>>
      %dma_wait3A_1153 = tpu.memref_squeeze %dma_wait3A_1152 : memref<1x128xf32, #tpu.memory_space<vmem>> -> memref<128xf32, #tpu.memory_space<vmem>>
      %dma_wait3A_1154 = arith.constant 99968 : i32
      %dma_wait3A_1155 = tpu.memref_slice %arg14[%dma_wait3A_1154] : memref<100096xf32, #tpu.memory_space<vmem_shared>> -> memref<128xf32, #tpu.memory_space<vmem_shared>>
      %dma_wait3A_1156 = arith.constant 99968 : i32
      %dma_wait3A_1157 = tpu.memref_slice %arg14[%dma_wait3A_1156] : memref<100096xf32, #tpu.memory_space<vmem_shared>> -> memref<128xf32, #tpu.memory_space<vmem_shared>>
      %dma_wait3A_1158 = arith.constant 0 : i32
      %dma_wait3A_1159 = tpu.memref_slice %arg7[%dma_wait3A_1150, %dma_wait3A_1158] : memref<8x128xf32, #tpu.memory_space<vmem>> -> memref<1x128xf32, #tpu.memory_space<vmem>>
      %dma_wait3A_1160 = tpu.memref_squeeze %dma_wait3A_1159 : memref<1x128xf32, #tpu.memory_space<vmem>> -> memref<128xf32, #tpu.memory_space<vmem>>
      tpu.wait_dma2 semaphore(%arg22 : memref<!tpu.dma_semaphore, #tpu.memory_space<semaphore_mem>>) src(%dma_wait3A_1160 : memref<128xf32, #tpu.memory_space<vmem>>) dst(%dma_wait3A_1157 : memref<128xf32, #tpu.memory_space<vmem_shared>>)
      %dma_wait3A_1161 = arith.constant 2 : i32
      %dma_wait3A_1162 = arith.constant 94080 : i32
      %dma_wait3A_1163 = tpu.memref_slice %arg15[%dma_wait3A_1162] : memref<100096xf32, #tpu.memory_space<vmem_shared>> -> memref<5888xf32, #tpu.memory_space<vmem_shared>>
      %dma_wait3A_1164 = arith.constant 94080 : i32
      %dma_wait3A_1165 = tpu.memref_slice %arg4[%dma_wait3A_1161, %dma_wait3A_1164] : memref<8x100000xf32, #tpu.memory_space<hbm>> -> memref<1x5888xf32, #tpu.memory_space<hbm>>
      %dma_wait3A_1166 = tpu.memref_squeeze %dma_wait3A_1165 : memref<1x5888xf32, #tpu.memory_space<hbm>> -> memref<5888xf32, #tpu.memory_space<hbm>>
      tpu.wait_dma2 semaphore(%arg21 : memref<!tpu.dma_semaphore, #tpu.memory_space<semaphore_mem>>) src(%dma_wait3A_1166 : memref<5888xf32, #tpu.memory_space<hbm>>) dst(%dma_wait3A_1163 : memref<5888xf32, #tpu.memory_space<vmem_shared>>)
      %dma_wait3A_1167 = arith.constant 2 : i32
      %dma_wait3A_1168 = arith.constant 0 : i32
      %dma_wait3A_1169 = tpu.memref_slice %arg7[%dma_wait3A_1167, %dma_wait3A_1168] : memref<8x128xf32, #tpu.memory_space<vmem>> -> memref<1x128xf32, #tpu.memory_space<vmem>>
      %dma_wait3A_1170 = tpu.memref_squeeze %dma_wait3A_1169 : memref<1x128xf32, #tpu.memory_space<vmem>> -> memref<128xf32, #tpu.memory_space<vmem>>
      %dma_wait3A_1171 = arith.constant 99968 : i32
      %dma_wait3A_1172 = tpu.memref_slice %arg15[%dma_wait3A_1171] : memref<100096xf32, #tpu.memory_space<vmem_shared>> -> memref<128xf32, #tpu.memory_space<vmem_shared>>
      %dma_wait3A_1173 = arith.constant 99968 : i32
      %dma_wait3A_1174 = tpu.memref_slice %arg15[%dma_wait3A_1173] : memref<100096xf32, #tpu.memory_space<vmem_shared>> -> memref<128xf32, #tpu.memory_space<vmem_shared>>
      %dma_wait3A_1175 = arith.constant 0 : i32
      %dma_wait3A_1176 = tpu.memref_slice %arg7[%dma_wait3A_1167, %dma_wait3A_1175] : memref<8x128xf32, #tpu.memory_space<vmem>> -> memref<1x128xf32, #tpu.memory_space<vmem>>
      %dma_wait3A_1177 = tpu.memref_squeeze %dma_wait3A_1176 : memref<1x128xf32, #tpu.memory_space<vmem>> -> memref<128xf32, #tpu.memory_space<vmem>>
      tpu.wait_dma2 semaphore(%arg22 : memref<!tpu.dma_semaphore, #tpu.memory_space<semaphore_mem>>) src(%dma_wait3A_1177 : memref<128xf32, #tpu.memory_space<vmem>>) dst(%dma_wait3A_1174 : memref<128xf32, #tpu.memory_space<vmem_shared>>)
      %dma_wait3A_1178 = arith.constant 3 : i32
      %dma_wait3A_1179 = arith.constant 94080 : i32
      %dma_wait3A_1180 = tpu.memref_slice %arg16[%dma_wait3A_1179] : memref<100096xf32, #tpu.memory_space<vmem_shared>> -> memref<5888xf32, #tpu.memory_space<vmem_shared>>
      %dma_wait3A_1181 = arith.constant 94080 : i32
      %dma_wait3A_1182 = tpu.memref_slice %arg4[%dma_wait3A_1178, %dma_wait3A_1181] : memref<8x100000xf32, #tpu.memory_space<hbm>> -> memref<1x5888xf32, #tpu.memory_space<hbm>>
      %dma_wait3A_1183 = tpu.memref_squeeze %dma_wait3A_1182 : memref<1x5888xf32, #tpu.memory_space<hbm>> -> memref<5888xf32, #tpu.memory_space<hbm>>
      tpu.wait_dma2 semaphore(%arg21 : memref<!tpu.dma_semaphore, #tpu.memory_space<semaphore_mem>>) src(%dma_wait3A_1183 : memref<5888xf32, #tpu.memory_space<hbm>>) dst(%dma_wait3A_1180 : memref<5888xf32, #tpu.memory_space<vmem_shared>>)
      %dma_wait3A_1184 = arith.constant 3 : i32
      %dma_wait3A_1185 = arith.constant 0 : i32
      %dma_wait3A_1186 = tpu.memref_slice %arg7[%dma_wait3A_1184, %dma_wait3A_1185] : memref<8x128xf32, #tpu.memory_space<vmem>> -> memref<1x128xf32, #tpu.memory_space<vmem>>
      %dma_wait3A_1187 = tpu.memref_squeeze %dma_wait3A_1186 : memref<1x128xf32, #tpu.memory_space<vmem>> -> memref<128xf32, #tpu.memory_space<vmem>>
      %dma_wait3A_1188 = arith.constant 99968 : i32
      %dma_wait3A_1189 = tpu.memref_slice %arg16[%dma_wait3A_1188] : memref<100096xf32, #tpu.memory_space<vmem_shared>> -> memref<128xf32, #tpu.memory_space<vmem_shared>>
      %dma_wait3A_1190 = arith.constant 99968 : i32
      %dma_wait3A_1191 = tpu.memref_slice %arg16[%dma_wait3A_1190] : memref<100096xf32, #tpu.memory_space<vmem_shared>> -> memref<128xf32, #tpu.memory_space<vmem_shared>>
      %dma_wait3A_1192 = arith.constant 0 : i32
      %dma_wait3A_1193 = tpu.memref_slice %arg7[%dma_wait3A_1184, %dma_wait3A_1192] : memref<8x128xf32, #tpu.memory_space<vmem>> -> memref<1x128xf32, #tpu.memory_space<vmem>>
      %dma_wait3A_1194 = tpu.memref_squeeze %dma_wait3A_1193 : memref<1x128xf32, #tpu.memory_space<vmem>> -> memref<128xf32, #tpu.memory_space<vmem>>
      tpu.wait_dma2 semaphore(%arg22 : memref<!tpu.dma_semaphore, #tpu.memory_space<semaphore_mem>>) src(%dma_wait3A_1194 : memref<128xf32, #tpu.memory_space<vmem>>) dst(%dma_wait3A_1191 : memref<128xf32, #tpu.memory_space<vmem_shared>>)
      %dma_wait3A_1195 = arith.constant 4 : i32
      %dma_wait3A_1196 = arith.constant 94080 : i32
      %dma_wait3A_1197 = tpu.memref_slice %arg17[%dma_wait3A_1196] : memref<100096xf32, #tpu.memory_space<vmem_shared>> -> memref<5888xf32, #tpu.memory_space<vmem_shared>>
      %dma_wait3A_1198 = arith.constant 94080 : i32
      %dma_wait3A_1199 = tpu.memref_slice %arg4[%dma_wait3A_1195, %dma_wait3A_1198] : memref<8x100000xf32, #tpu.memory_space<hbm>> -> memref<1x5888xf32, #tpu.memory_space<hbm>>
      %dma_wait3A_1200 = tpu.memref_squeeze %dma_wait3A_1199 : memref<1x5888xf32, #tpu.memory_space<hbm>> -> memref<5888xf32, #tpu.memory_space<hbm>>
      tpu.wait_dma2 semaphore(%arg21 : memref<!tpu.dma_semaphore, #tpu.memory_space<semaphore_mem>>) src(%dma_wait3A_1200 : memref<5888xf32, #tpu.memory_space<hbm>>) dst(%dma_wait3A_1197 : memref<5888xf32, #tpu.memory_space<vmem_shared>>)
      %dma_wait3A_1201 = arith.constant 4 : i32
      %dma_wait3A_1202 = arith.constant 0 : i32
      %dma_wait3A_1203 = tpu.memref_slice %arg7[%dma_wait3A_1201, %dma_wait3A_1202] : memref<8x128xf32, #tpu.memory_space<vmem>> -> memref<1x128xf32, #tpu.memory_space<vmem>>
      %dma_wait3A_1204 = tpu.memref_squeeze %dma_wait3A_1203 : memref<1x128xf32, #tpu.memory_space<vmem>> -> memref<128xf32, #tpu.memory_space<vmem>>
      %dma_wait3A_1205 = arith.constant 99968 : i32
      %dma_wait3A_1206 = tpu.memref_slice %arg17[%dma_wait3A_1205] : memref<100096xf32, #tpu.memory_space<vmem_shared>> -> memref<128xf32, #tpu.memory_space<vmem_shared>>
      %dma_wait3A_1207 = arith.constant 99968 : i32
      %dma_wait3A_1208 = tpu.memref_slice %arg17[%dma_wait3A_1207] : memref<100096xf32, #tpu.memory_space<vmem_shared>> -> memref<128xf32, #tpu.memory_space<vmem_shared>>
      %dma_wait3A_1209 = arith.constant 0 : i32
      %dma_wait3A_1210 = tpu.memref_slice %arg7[%dma_wait3A_1201, %dma_wait3A_1209] : memref<8x128xf32, #tpu.memory_space<vmem>> -> memref<1x128xf32, #tpu.memory_space<vmem>>
      %dma_wait3A_1211 = tpu.memref_squeeze %dma_wait3A_1210 : memref<1x128xf32, #tpu.memory_space<vmem>> -> memref<128xf32, #tpu.memory_space<vmem>>
      tpu.wait_dma2 semaphore(%arg22 : memref<!tpu.dma_semaphore, #tpu.memory_space<semaphore_mem>>) src(%dma_wait3A_1211 : memref<128xf32, #tpu.memory_space<vmem>>) dst(%dma_wait3A_1208 : memref<128xf32, #tpu.memory_space<vmem_shared>>)
      %dma_wait3A_1212 = arith.constant 5 : i32
      %dma_wait3A_1213 = arith.constant 94080 : i32
      %dma_wait3A_1214 = tpu.memref_slice %arg18[%dma_wait3A_1213] : memref<100096xf32, #tpu.memory_space<vmem_shared>> -> memref<5888xf32, #tpu.memory_space<vmem_shared>>
      %dma_wait3A_1215 = arith.constant 94080 : i32
      %dma_wait3A_1216 = tpu.memref_slice %arg4[%dma_wait3A_1212, %dma_wait3A_1215] : memref<8x100000xf32, #tpu.memory_space<hbm>> -> memref<1x5888xf32, #tpu.memory_space<hbm>>
      %dma_wait3A_1217 = tpu.memref_squeeze %dma_wait3A_1216 : memref<1x5888xf32, #tpu.memory_space<hbm>> -> memref<5888xf32, #tpu.memory_space<hbm>>
      tpu.wait_dma2 semaphore(%arg21 : memref<!tpu.dma_semaphore, #tpu.memory_space<semaphore_mem>>) src(%dma_wait3A_1217 : memref<5888xf32, #tpu.memory_space<hbm>>) dst(%dma_wait3A_1214 : memref<5888xf32, #tpu.memory_space<vmem_shared>>)
      %dma_wait3A_1218 = arith.constant 5 : i32
      %dma_wait3A_1219 = arith.constant 0 : i32
      %dma_wait3A_1220 = tpu.memref_slice %arg7[%dma_wait3A_1218, %dma_wait3A_1219] : memref<8x128xf32, #tpu.memory_space<vmem>> -> memref<1x128xf32, #tpu.memory_space<vmem>>
      %dma_wait3A_1221 = tpu.memref_squeeze %dma_wait3A_1220 : memref<1x128xf32, #tpu.memory_space<vmem>> -> memref<128xf32, #tpu.memory_space<vmem>>
      %dma_wait3A_1222 = arith.constant 99968 : i32
      %dma_wait3A_1223 = tpu.memref_slice %arg18[%dma_wait3A_1222] : memref<100096xf32, #tpu.memory_space<vmem_shared>> -> memref<128xf32, #tpu.memory_space<vmem_shared>>
      %dma_wait3A_1224 = arith.constant 99968 : i32
      %dma_wait3A_1225 = tpu.memref_slice %arg18[%dma_wait3A_1224] : memref<100096xf32, #tpu.memory_space<vmem_shared>> -> memref<128xf32, #tpu.memory_space<vmem_shared>>
      %dma_wait3A_1226 = arith.constant 0 : i32
      %dma_wait3A_1227 = tpu.memref_slice %arg7[%dma_wait3A_1218, %dma_wait3A_1226] : memref<8x128xf32, #tpu.memory_space<vmem>> -> memref<1x128xf32, #tpu.memory_space<vmem>>
      %dma_wait3A_1228 = tpu.memref_squeeze %dma_wait3A_1227 : memref<1x128xf32, #tpu.memory_space<vmem>> -> memref<128xf32, #tpu.memory_space<vmem>>
      tpu.wait_dma2 semaphore(%arg22 : memref<!tpu.dma_semaphore, #tpu.memory_space<semaphore_mem>>) src(%dma_wait3A_1228 : memref<128xf32, #tpu.memory_space<vmem>>) dst(%dma_wait3A_1225 : memref<128xf32, #tpu.memory_space<vmem_shared>>)
      %dma_wait3A_1229 = arith.constant 6 : i32
      %dma_wait3A_1230 = arith.constant 94080 : i32
      %dma_wait3A_1231 = tpu.memref_slice %arg19[%dma_wait3A_1230] : memref<100096xf32, #tpu.memory_space<vmem_shared>> -> memref<5888xf32, #tpu.memory_space<vmem_shared>>
      %dma_wait3A_1232 = arith.constant 94080 : i32
      %dma_wait3A_1233 = tpu.memref_slice %arg4[%dma_wait3A_1229, %dma_wait3A_1232] : memref<8x100000xf32, #tpu.memory_space<hbm>> -> memref<1x5888xf32, #tpu.memory_space<hbm>>
      %dma_wait3A_1234 = tpu.memref_squeeze %dma_wait3A_1233 : memref<1x5888xf32, #tpu.memory_space<hbm>> -> memref<5888xf32, #tpu.memory_space<hbm>>
      tpu.wait_dma2 semaphore(%arg21 : memref<!tpu.dma_semaphore, #tpu.memory_space<semaphore_mem>>) src(%dma_wait3A_1234 : memref<5888xf32, #tpu.memory_space<hbm>>) dst(%dma_wait3A_1231 : memref<5888xf32, #tpu.memory_space<vmem_shared>>)
      %dma_wait3A_1235 = arith.constant 6 : i32
      %dma_wait3A_1236 = arith.constant 0 : i32
      %dma_wait3A_1237 = tpu.memref_slice %arg7[%dma_wait3A_1235, %dma_wait3A_1236] : memref<8x128xf32, #tpu.memory_space<vmem>> -> memref<1x128xf32, #tpu.memory_space<vmem>>
      %dma_wait3A_1238 = tpu.memref_squeeze %dma_wait3A_1237 : memref<1x128xf32, #tpu.memory_space<vmem>> -> memref<128xf32, #tpu.memory_space<vmem>>
      %dma_wait3A_1239 = arith.constant 99968 : i32
      %dma_wait3A_1240 = tpu.memref_slice %arg19[%dma_wait3A_1239] : memref<100096xf32, #tpu.memory_space<vmem_shared>> -> memref<128xf32, #tpu.memory_space<vmem_shared>>
      %dma_wait3A_1241 = arith.constant 99968 : i32
      %dma_wait3A_1242 = tpu.memref_slice %arg19[%dma_wait3A_1241] : memref<100096xf32, #tpu.memory_space<vmem_shared>> -> memref<128xf32, #tpu.memory_space<vmem_shared>>
      %dma_wait3A_1243 = arith.constant 0 : i32
      %dma_wait3A_1244 = tpu.memref_slice %arg7[%dma_wait3A_1235, %dma_wait3A_1243] : memref<8x128xf32, #tpu.memory_space<vmem>> -> memref<1x128xf32, #tpu.memory_space<vmem>>
      %dma_wait3A_1245 = tpu.memref_squeeze %dma_wait3A_1244 : memref<1x128xf32, #tpu.memory_space<vmem>> -> memref<128xf32, #tpu.memory_space<vmem>>
      tpu.wait_dma2 semaphore(%arg22 : memref<!tpu.dma_semaphore, #tpu.memory_space<semaphore_mem>>) src(%dma_wait3A_1245 : memref<128xf32, #tpu.memory_space<vmem>>) dst(%dma_wait3A_1242 : memref<128xf32, #tpu.memory_space<vmem_shared>>)
      %dma_wait3A_1246 = arith.constant 7 : i32
      %dma_wait3A_1247 = arith.constant 94080 : i32
      %dma_wait3A_1248 = tpu.memref_slice %arg20[%dma_wait3A_1247] : memref<100096xf32, #tpu.memory_space<vmem_shared>> -> memref<5888xf32, #tpu.memory_space<vmem_shared>>
      %dma_wait3A_1249 = arith.constant 94080 : i32
      %dma_wait3A_1250 = tpu.memref_slice %arg4[%dma_wait3A_1246, %dma_wait3A_1249] : memref<8x100000xf32, #tpu.memory_space<hbm>> -> memref<1x5888xf32, #tpu.memory_space<hbm>>
      %dma_wait3A_1251 = tpu.memref_squeeze %dma_wait3A_1250 : memref<1x5888xf32, #tpu.memory_space<hbm>> -> memref<5888xf32, #tpu.memory_space<hbm>>
      tpu.wait_dma2 semaphore(%arg21 : memref<!tpu.dma_semaphore, #tpu.memory_space<semaphore_mem>>) src(%dma_wait3A_1251 : memref<5888xf32, #tpu.memory_space<hbm>>) dst(%dma_wait3A_1248 : memref<5888xf32, #tpu.memory_space<vmem_shared>>)
      %dma_wait3A_1252 = arith.constant 7 : i32
      %dma_wait3A_1253 = arith.constant 0 : i32
      %dma_wait3A_1254 = tpu.memref_slice %arg7[%dma_wait3A_1252, %dma_wait3A_1253] : memref<8x128xf32, #tpu.memory_space<vmem>> -> memref<1x128xf32, #tpu.memory_space<vmem>>
      %dma_wait3A_1255 = tpu.memref_squeeze %dma_wait3A_1254 : memref<1x128xf32, #tpu.memory_space<vmem>> -> memref<128xf32, #tpu.memory_space<vmem>>
      %dma_wait3A_1256 = arith.constant 99968 : i32
      %dma_wait3A_1257 = tpu.memref_slice %arg20[%dma_wait3A_1256] : memref<100096xf32, #tpu.memory_space<vmem_shared>> -> memref<128xf32, #tpu.memory_space<vmem_shared>>
      %dma_wait3A_1258 = arith.constant 99968 : i32
      %dma_wait3A_1259 = tpu.memref_slice %arg20[%dma_wait3A_1258] : memref<100096xf32, #tpu.memory_space<vmem_shared>> -> memref<128xf32, #tpu.memory_space<vmem_shared>>
      %dma_wait3A_1260 = arith.constant 0 : i32
      %dma_wait3A_1261 = tpu.memref_slice %arg7[%dma_wait3A_1252, %dma_wait3A_1260] : memref<8x128xf32, #tpu.memory_space<vmem>> -> memref<1x128xf32, #tpu.memory_space<vmem>>
      %dma_wait3A_1262 = tpu.memref_squeeze %dma_wait3A_1261 : memref<1x128xf32, #tpu.memory_space<vmem>> -> memref<128xf32, #tpu.memory_space<vmem>>
      tpu.wait_dma2 semaphore(%arg22 : memref<!tpu.dma_semaphore, #tpu.memory_space<semaphore_mem>>) src(%dma_wait3A_1262 : memref<128xf32, #tpu.memory_space<vmem>>) dst(%dma_wait3A_1259 : memref<128xf32, #tpu.memory_space<vmem_shared>>)
    } else {
    }
    %barrier3A = arith.constant 0 : index
    tpu.barrier barrier_id(%barrier3A)
    %dma_start3A = arith.constant 0 : i32
    %dma_start3A_11 = arith.constant 0 : i32
    %dma_start3A_12 = tpu.memref_slice %arg10[%dma_start3A, %dma_start3A_11] : memref<8x128xf32, #tpu.memory_space<vmem>> -> memref<1x128xf32, #tpu.memory_space<vmem>>
    %dma_start3A_13 = tpu.memref_squeeze %dma_start3A_12 : memref<1x128xf32, #tpu.memory_space<vmem>> -> memref<128xf32, #tpu.memory_space<vmem>>
    %dma_start3A_14 = arith.constant 0 : i32
    %dma_start3A_15 = tpu.memref_slice %arg13[%dma_start3A_14] : memref<100096xf32, #tpu.memory_space<vmem_shared>> -> memref<100096xf32, #tpu.memory_space<vmem_shared>>
    tpu.enqueue_indirect_dma source(%dma_start3A_15 : memref<100096xf32, #tpu.memory_space<vmem_shared>>) target(%dma_start3A_13 : memref<128xf32, #tpu.memory_space<vmem>>) offsets(%arg8 : memref<128xi32, #tpu.memory_space<vmem>>) semaphore(%arg21 : memref<!tpu.dma_semaphore, #tpu.memory_space<semaphore_mem>>)
    %dma_start3A_16 = arith.constant 0 : i32
    %dma_start3A_17 = arith.constant 0 : i32
    %dma_start3A_18 = tpu.memref_slice %arg11[%dma_start3A_16, %dma_start3A_17] : memref<8x128xf32, #tpu.memory_space<vmem>> -> memref<1x128xf32, #tpu.memory_space<vmem>>
    %dma_start3A_19 = tpu.memref_squeeze %dma_start3A_18 : memref<1x128xf32, #tpu.memory_space<vmem>> -> memref<128xf32, #tpu.memory_space<vmem>>
    %dma_start3A_20 = arith.constant 0 : i32
    %dma_start3A_21 = tpu.memref_slice %arg13[%dma_start3A_20] : memref<100096xf32, #tpu.memory_space<vmem_shared>> -> memref<100096xf32, #tpu.memory_space<vmem_shared>>
    tpu.enqueue_indirect_dma source(%dma_start3A_21 : memref<100096xf32, #tpu.memory_space<vmem_shared>>) target(%dma_start3A_19 : memref<128xf32, #tpu.memory_space<vmem>>) offsets(%arg9 : memref<128xi32, #tpu.memory_space<vmem>>) semaphore(%arg22 : memref<!tpu.dma_semaphore, #tpu.memory_space<semaphore_mem>>)
    %dma_start3A_22 = arith.constant 1 : i32
    %dma_start3A_23 = arith.constant 0 : i32
    %dma_start3A_24 = tpu.memref_slice %arg10[%dma_start3A_22, %dma_start3A_23] : memref<8x128xf32, #tpu.memory_space<vmem>> -> memref<1x128xf32, #tpu.memory_space<vmem>>
    %dma_start3A_25 = tpu.memref_squeeze %dma_start3A_24 : memref<1x128xf32, #tpu.memory_space<vmem>> -> memref<128xf32, #tpu.memory_space<vmem>>
    %dma_start3A_26 = arith.constant 0 : i32
    %dma_start3A_27 = tpu.memref_slice %arg14[%dma_start3A_26] : memref<100096xf32, #tpu.memory_space<vmem_shared>> -> memref<100096xf32, #tpu.memory_space<vmem_shared>>
    tpu.enqueue_indirect_dma source(%dma_start3A_27 : memref<100096xf32, #tpu.memory_space<vmem_shared>>) target(%dma_start3A_25 : memref<128xf32, #tpu.memory_space<vmem>>) offsets(%arg8 : memref<128xi32, #tpu.memory_space<vmem>>) semaphore(%arg21 : memref<!tpu.dma_semaphore, #tpu.memory_space<semaphore_mem>>)
    %dma_start3A_28 = arith.constant 1 : i32
    %dma_start3A_29 = arith.constant 0 : i32
    %dma_start3A_30 = tpu.memref_slice %arg11[%dma_start3A_28, %dma_start3A_29] : memref<8x128xf32, #tpu.memory_space<vmem>> -> memref<1x128xf32, #tpu.memory_space<vmem>>
    %dma_start3A_31 = tpu.memref_squeeze %dma_start3A_30 : memref<1x128xf32, #tpu.memory_space<vmem>> -> memref<128xf32, #tpu.memory_space<vmem>>
    %dma_start3A_32 = arith.constant 0 : i32
    %dma_start3A_33 = tpu.memref_slice %arg14[%dma_start3A_32] : memref<100096xf32, #tpu.memory_space<vmem_shared>> -> memref<100096xf32, #tpu.memory_space<vmem_shared>>
    tpu.enqueue_indirect_dma source(%dma_start3A_33 : memref<100096xf32, #tpu.memory_space<vmem_shared>>) target(%dma_start3A_31 : memref<128xf32, #tpu.memory_space<vmem>>) offsets(%arg9 : memref<128xi32, #tpu.memory_space<vmem>>) semaphore(%arg22 : memref<!tpu.dma_semaphore, #tpu.memory_space<semaphore_mem>>)
    %dma_start3A_34 = arith.constant 2 : i32
    %dma_start3A_35 = arith.constant 0 : i32
    %dma_start3A_36 = tpu.memref_slice %arg10[%dma_start3A_34, %dma_start3A_35] : memref<8x128xf32, #tpu.memory_space<vmem>> -> memref<1x128xf32, #tpu.memory_space<vmem>>
    %dma_start3A_37 = tpu.memref_squeeze %dma_start3A_36 : memref<1x128xf32, #tpu.memory_space<vmem>> -> memref<128xf32, #tpu.memory_space<vmem>>
    %dma_start3A_38 = arith.constant 0 : i32
    %dma_start3A_39 = tpu.memref_slice %arg15[%dma_start3A_38] : memref<100096xf32, #tpu.memory_space<vmem_shared>> -> memref<100096xf32, #tpu.memory_space<vmem_shared>>
    tpu.enqueue_indirect_dma source(%dma_start3A_39 : memref<100096xf32, #tpu.memory_space<vmem_shared>>) target(%dma_start3A_37 : memref<128xf32, #tpu.memory_space<vmem>>) offsets(%arg8 : memref<128xi32, #tpu.memory_space<vmem>>) semaphore(%arg21 : memref<!tpu.dma_semaphore, #tpu.memory_space<semaphore_mem>>)
    %dma_start3A_40 = arith.constant 2 : i32
    %dma_start3A_41 = arith.constant 0 : i32
    %dma_start3A_42 = tpu.memref_slice %arg11[%dma_start3A_40, %dma_start3A_41] : memref<8x128xf32, #tpu.memory_space<vmem>> -> memref<1x128xf32, #tpu.memory_space<vmem>>
    %dma_start3A_43 = tpu.memref_squeeze %dma_start3A_42 : memref<1x128xf32, #tpu.memory_space<vmem>> -> memref<128xf32, #tpu.memory_space<vmem>>
    %dma_start3A_44 = arith.constant 0 : i32
    %dma_start3A_45 = tpu.memref_slice %arg15[%dma_start3A_44] : memref<100096xf32, #tpu.memory_space<vmem_shared>> -> memref<100096xf32, #tpu.memory_space<vmem_shared>>
    tpu.enqueue_indirect_dma source(%dma_start3A_45 : memref<100096xf32, #tpu.memory_space<vmem_shared>>) target(%dma_start3A_43 : memref<128xf32, #tpu.memory_space<vmem>>) offsets(%arg9 : memref<128xi32, #tpu.memory_space<vmem>>) semaphore(%arg22 : memref<!tpu.dma_semaphore, #tpu.memory_space<semaphore_mem>>)
    %dma_start3A_46 = arith.constant 3 : i32
    %dma_start3A_47 = arith.constant 0 : i32
    %dma_start3A_48 = tpu.memref_slice %arg10[%dma_start3A_46, %dma_start3A_47] : memref<8x128xf32, #tpu.memory_space<vmem>> -> memref<1x128xf32, #tpu.memory_space<vmem>>
    %dma_start3A_49 = tpu.memref_squeeze %dma_start3A_48 : memref<1x128xf32, #tpu.memory_space<vmem>> -> memref<128xf32, #tpu.memory_space<vmem>>
    %dma_start3A_50 = arith.constant 0 : i32
    %dma_start3A_51 = tpu.memref_slice %arg16[%dma_start3A_50] : memref<100096xf32, #tpu.memory_space<vmem_shared>> -> memref<100096xf32, #tpu.memory_space<vmem_shared>>
    tpu.enqueue_indirect_dma source(%dma_start3A_51 : memref<100096xf32, #tpu.memory_space<vmem_shared>>) target(%dma_start3A_49 : memref<128xf32, #tpu.memory_space<vmem>>) offsets(%arg8 : memref<128xi32, #tpu.memory_space<vmem>>) semaphore(%arg21 : memref<!tpu.dma_semaphore, #tpu.memory_space<semaphore_mem>>)
    %dma_start3A_52 = arith.constant 3 : i32
    %dma_start3A_53 = arith.constant 0 : i32
    %dma_start3A_54 = tpu.memref_slice %arg11[%dma_start3A_52, %dma_start3A_53] : memref<8x128xf32, #tpu.memory_space<vmem>> -> memref<1x128xf32, #tpu.memory_space<vmem>>
    %dma_start3A_55 = tpu.memref_squeeze %dma_start3A_54 : memref<1x128xf32, #tpu.memory_space<vmem>> -> memref<128xf32, #tpu.memory_space<vmem>>
    %dma_start3A_56 = arith.constant 0 : i32
    %dma_start3A_57 = tpu.memref_slice %arg16[%dma_start3A_56] : memref<100096xf32, #tpu.memory_space<vmem_shared>> -> memref<100096xf32, #tpu.memory_space<vmem_shared>>
    tpu.enqueue_indirect_dma source(%dma_start3A_57 : memref<100096xf32, #tpu.memory_space<vmem_shared>>) target(%dma_start3A_55 : memref<128xf32, #tpu.memory_space<vmem>>) offsets(%arg9 : memref<128xi32, #tpu.memory_space<vmem>>) semaphore(%arg22 : memref<!tpu.dma_semaphore, #tpu.memory_space<semaphore_mem>>)
    %dma_start3A_58 = arith.constant 4 : i32
    %dma_start3A_59 = arith.constant 0 : i32
    %dma_start3A_60 = tpu.memref_slice %arg10[%dma_start3A_58, %dma_start3A_59] : memref<8x128xf32, #tpu.memory_space<vmem>> -> memref<1x128xf32, #tpu.memory_space<vmem>>
    %dma_start3A_61 = tpu.memref_squeeze %dma_start3A_60 : memref<1x128xf32, #tpu.memory_space<vmem>> -> memref<128xf32, #tpu.memory_space<vmem>>
    %dma_start3A_62 = arith.constant 0 : i32
    %dma_start3A_63 = tpu.memref_slice %arg17[%dma_start3A_62] : memref<100096xf32, #tpu.memory_space<vmem_shared>> -> memref<100096xf32, #tpu.memory_space<vmem_shared>>
    tpu.enqueue_indirect_dma source(%dma_start3A_63 : memref<100096xf32, #tpu.memory_space<vmem_shared>>) target(%dma_start3A_61 : memref<128xf32, #tpu.memory_space<vmem>>) offsets(%arg8 : memref<128xi32, #tpu.memory_space<vmem>>) semaphore(%arg21 : memref<!tpu.dma_semaphore, #tpu.memory_space<semaphore_mem>>)
    %dma_start3A_64 = arith.constant 4 : i32
    %dma_start3A_65 = arith.constant 0 : i32
    %dma_start3A_66 = tpu.memref_slice %arg11[%dma_start3A_64, %dma_start3A_65] : memref<8x128xf32, #tpu.memory_space<vmem>> -> memref<1x128xf32, #tpu.memory_space<vmem>>
    %dma_start3A_67 = tpu.memref_squeeze %dma_start3A_66 : memref<1x128xf32, #tpu.memory_space<vmem>> -> memref<128xf32, #tpu.memory_space<vmem>>
    %dma_start3A_68 = arith.constant 0 : i32
    %dma_start3A_69 = tpu.memref_slice %arg17[%dma_start3A_68] : memref<100096xf32, #tpu.memory_space<vmem_shared>> -> memref<100096xf32, #tpu.memory_space<vmem_shared>>
    tpu.enqueue_indirect_dma source(%dma_start3A_69 : memref<100096xf32, #tpu.memory_space<vmem_shared>>) target(%dma_start3A_67 : memref<128xf32, #tpu.memory_space<vmem>>) offsets(%arg9 : memref<128xi32, #tpu.memory_space<vmem>>) semaphore(%arg22 : memref<!tpu.dma_semaphore, #tpu.memory_space<semaphore_mem>>)
    %dma_start3A_70 = arith.constant 5 : i32
    %dma_start3A_71 = arith.constant 0 : i32
    %dma_start3A_72 = tpu.memref_slice %arg10[%dma_start3A_70, %dma_start3A_71] : memref<8x128xf32, #tpu.memory_space<vmem>> -> memref<1x128xf32, #tpu.memory_space<vmem>>
    %dma_start3A_73 = tpu.memref_squeeze %dma_start3A_72 : memref<1x128xf32, #tpu.memory_space<vmem>> -> memref<128xf32, #tpu.memory_space<vmem>>
    %dma_start3A_74 = arith.constant 0 : i32
    %dma_start3A_75 = tpu.memref_slice %arg18[%dma_start3A_74] : memref<100096xf32, #tpu.memory_space<vmem_shared>> -> memref<100096xf32, #tpu.memory_space<vmem_shared>>
    tpu.enqueue_indirect_dma source(%dma_start3A_75 : memref<100096xf32, #tpu.memory_space<vmem_shared>>) target(%dma_start3A_73 : memref<128xf32, #tpu.memory_space<vmem>>) offsets(%arg8 : memref<128xi32, #tpu.memory_space<vmem>>) semaphore(%arg21 : memref<!tpu.dma_semaphore, #tpu.memory_space<semaphore_mem>>)
    %dma_start3A_76 = arith.constant 5 : i32
    %dma_start3A_77 = arith.constant 0 : i32
    %dma_start3A_78 = tpu.memref_slice %arg11[%dma_start3A_76, %dma_start3A_77] : memref<8x128xf32, #tpu.memory_space<vmem>> -> memref<1x128xf32, #tpu.memory_space<vmem>>
    %dma_start3A_79 = tpu.memref_squeeze %dma_start3A_78 : memref<1x128xf32, #tpu.memory_space<vmem>> -> memref<128xf32, #tpu.memory_space<vmem>>
    %dma_start3A_80 = arith.constant 0 : i32
    %dma_start3A_81 = tpu.memref_slice %arg18[%dma_start3A_80] : memref<100096xf32, #tpu.memory_space<vmem_shared>> -> memref<100096xf32, #tpu.memory_space<vmem_shared>>
    tpu.enqueue_indirect_dma source(%dma_start3A_81 : memref<100096xf32, #tpu.memory_space<vmem_shared>>) target(%dma_start3A_79 : memref<128xf32, #tpu.memory_space<vmem>>) offsets(%arg9 : memref<128xi32, #tpu.memory_space<vmem>>) semaphore(%arg22 : memref<!tpu.dma_semaphore, #tpu.memory_space<semaphore_mem>>)
    %dma_start3A_82 = arith.constant 6 : i32
    %dma_start3A_83 = arith.constant 0 : i32
    %dma_start3A_84 = tpu.memref_slice %arg10[%dma_start3A_82, %dma_start3A_83] : memref<8x128xf32, #tpu.memory_space<vmem>> -> memref<1x128xf32, #tpu.memory_space<vmem>>
    %dma_start3A_85 = tpu.memref_squeeze %dma_start3A_84 : memref<1x128xf32, #tpu.memory_space<vmem>> -> memref<128xf32, #tpu.memory_space<vmem>>
    %dma_start3A_86 = arith.constant 0 : i32
    %dma_start3A_87 = tpu.memref_slice %arg19[%dma_start3A_86] : memref<100096xf32, #tpu.memory_space<vmem_shared>> -> memref<100096xf32, #tpu.memory_space<vmem_shared>>
    tpu.enqueue_indirect_dma source(%dma_start3A_87 : memref<100096xf32, #tpu.memory_space<vmem_shared>>) target(%dma_start3A_85 : memref<128xf32, #tpu.memory_space<vmem>>) offsets(%arg8 : memref<128xi32, #tpu.memory_space<vmem>>) semaphore(%arg21 : memref<!tpu.dma_semaphore, #tpu.memory_space<semaphore_mem>>)
    %dma_start3A_88 = arith.constant 6 : i32
    %dma_start3A_89 = arith.constant 0 : i32
    %dma_start3A_90 = tpu.memref_slice %arg11[%dma_start3A_88, %dma_start3A_89] : memref<8x128xf32, #tpu.memory_space<vmem>> -> memref<1x128xf32, #tpu.memory_space<vmem>>
    %dma_start3A_91 = tpu.memref_squeeze %dma_start3A_90 : memref<1x128xf32, #tpu.memory_space<vmem>> -> memref<128xf32, #tpu.memory_space<vmem>>
    %dma_start3A_92 = arith.constant 0 : i32
    %dma_start3A_93 = tpu.memref_slice %arg19[%dma_start3A_92] : memref<100096xf32, #tpu.memory_space<vmem_shared>> -> memref<100096xf32, #tpu.memory_space<vmem_shared>>
    tpu.enqueue_indirect_dma source(%dma_start3A_93 : memref<100096xf32, #tpu.memory_space<vmem_shared>>) target(%dma_start3A_91 : memref<128xf32, #tpu.memory_space<vmem>>) offsets(%arg9 : memref<128xi32, #tpu.memory_space<vmem>>) semaphore(%arg22 : memref<!tpu.dma_semaphore, #tpu.memory_space<semaphore_mem>>)
    %dma_start3A_94 = arith.constant 7 : i32
    %dma_start3A_95 = arith.constant 0 : i32
    %dma_start3A_96 = tpu.memref_slice %arg10[%dma_start3A_94, %dma_start3A_95] : memref<8x128xf32, #tpu.memory_space<vmem>> -> memref<1x128xf32, #tpu.memory_space<vmem>>
    %dma_start3A_97 = tpu.memref_squeeze %dma_start3A_96 : memref<1x128xf32, #tpu.memory_space<vmem>> -> memref<128xf32, #tpu.memory_space<vmem>>
    %dma_start3A_98 = arith.constant 0 : i32
    %dma_start3A_99 = tpu.memref_slice %arg20[%dma_start3A_98] : memref<100096xf32, #tpu.memory_space<vmem_shared>> -> memref<100096xf32, #tpu.memory_space<vmem_shared>>
    tpu.enqueue_indirect_dma source(%dma_start3A_99 : memref<100096xf32, #tpu.memory_space<vmem_shared>>) target(%dma_start3A_97 : memref<128xf32, #tpu.memory_space<vmem>>) offsets(%arg8 : memref<128xi32, #tpu.memory_space<vmem>>) semaphore(%arg21 : memref<!tpu.dma_semaphore, #tpu.memory_space<semaphore_mem>>)
    %dma_start3A_100 = arith.constant 7 : i32
    %dma_start3A_101 = arith.constant 0 : i32
    %dma_start3A_102 = tpu.memref_slice %arg11[%dma_start3A_100, %dma_start3A_101] : memref<8x128xf32, #tpu.memory_space<vmem>> -> memref<1x128xf32, #tpu.memory_space<vmem>>
    %dma_start3A_103 = tpu.memref_squeeze %dma_start3A_102 : memref<1x128xf32, #tpu.memory_space<vmem>> -> memref<128xf32, #tpu.memory_space<vmem>>
    %dma_start3A_104 = arith.constant 0 : i32
    %dma_start3A_105 = tpu.memref_slice %arg20[%dma_start3A_104] : memref<100096xf32, #tpu.memory_space<vmem_shared>> -> memref<100096xf32, #tpu.memory_space<vmem_shared>>
    tpu.enqueue_indirect_dma source(%dma_start3A_105 : memref<100096xf32, #tpu.memory_space<vmem_shared>>) target(%dma_start3A_103 : memref<128xf32, #tpu.memory_space<vmem>>) offsets(%arg9 : memref<128xi32, #tpu.memory_space<vmem>>) semaphore(%arg22 : memref<!tpu.dma_semaphore, #tpu.memory_space<semaphore_mem>>)
    %dma_wait3A = arith.constant 0 : i32
    %dma_wait3A_106 = arith.constant 0 : i32
    %dma_wait3A_107 = tpu.memref_slice %arg10[%dma_wait3A, %dma_wait3A_106] : memref<8x128xf32, #tpu.memory_space<vmem>> -> memref<1x128xf32, #tpu.memory_space<vmem>>
    %dma_wait3A_108 = tpu.memref_squeeze %dma_wait3A_107 : memref<1x128xf32, #tpu.memory_space<vmem>> -> memref<128xf32, #tpu.memory_space<vmem>>
    %dma_wait3A_109 = arith.constant 0 : i32
    %dma_wait3A_110 = tpu.memref_slice %arg13[%dma_wait3A_109] : memref<100096xf32, #tpu.memory_space<vmem_shared>> -> memref<100096xf32, #tpu.memory_space<vmem_shared>>
    tpu.wait_indirect_dma semaphore(%arg21 : memref<!tpu.dma_semaphore, #tpu.memory_space<semaphore_mem>>) src(%dma_wait3A_110 : memref<100096xf32, #tpu.memory_space<vmem_shared>>) dst(%dma_wait3A_108 : memref<128xf32, #tpu.memory_space<vmem>>)
    %dma_wait3A_111 = arith.constant 0 : i32
    %dma_wait3A_112 = arith.constant 0 : i32
    %dma_wait3A_113 = tpu.memref_slice %arg11[%dma_wait3A_111, %dma_wait3A_112] : memref<8x128xf32, #tpu.memory_space<vmem>> -> memref<1x128xf32, #tpu.memory_space<vmem>>
    %dma_wait3A_114 = tpu.memref_squeeze %dma_wait3A_113 : memref<1x128xf32, #tpu.memory_space<vmem>> -> memref<128xf32, #tpu.memory_space<vmem>>
    %dma_wait3A_115 = arith.constant 0 : i32
    %dma_wait3A_116 = tpu.memref_slice %arg13[%dma_wait3A_115] : memref<100096xf32, #tpu.memory_space<vmem_shared>> -> memref<100096xf32, #tpu.memory_space<vmem_shared>>
    tpu.wait_indirect_dma semaphore(%arg22 : memref<!tpu.dma_semaphore, #tpu.memory_space<semaphore_mem>>) src(%dma_wait3A_116 : memref<100096xf32, #tpu.memory_space<vmem_shared>>) dst(%dma_wait3A_114 : memref<128xf32, #tpu.memory_space<vmem>>)
    %dma_wait3A_117 = arith.constant 1 : i32
    %dma_wait3A_118 = arith.constant 0 : i32
    %dma_wait3A_119 = tpu.memref_slice %arg10[%dma_wait3A_117, %dma_wait3A_118] : memref<8x128xf32, #tpu.memory_space<vmem>> -> memref<1x128xf32, #tpu.memory_space<vmem>>
    %dma_wait3A_120 = tpu.memref_squeeze %dma_wait3A_119 : memref<1x128xf32, #tpu.memory_space<vmem>> -> memref<128xf32, #tpu.memory_space<vmem>>
    %dma_wait3A_121 = arith.constant 0 : i32
    %dma_wait3A_122 = tpu.memref_slice %arg14[%dma_wait3A_121] : memref<100096xf32, #tpu.memory_space<vmem_shared>> -> memref<100096xf32, #tpu.memory_space<vmem_shared>>
    tpu.wait_indirect_dma semaphore(%arg21 : memref<!tpu.dma_semaphore, #tpu.memory_space<semaphore_mem>>) src(%dma_wait3A_122 : memref<100096xf32, #tpu.memory_space<vmem_shared>>) dst(%dma_wait3A_120 : memref<128xf32, #tpu.memory_space<vmem>>)
    %dma_wait3A_123 = arith.constant 1 : i32
    %dma_wait3A_124 = arith.constant 0 : i32
    %dma_wait3A_125 = tpu.memref_slice %arg11[%dma_wait3A_123, %dma_wait3A_124] : memref<8x128xf32, #tpu.memory_space<vmem>> -> memref<1x128xf32, #tpu.memory_space<vmem>>
    %dma_wait3A_126 = tpu.memref_squeeze %dma_wait3A_125 : memref<1x128xf32, #tpu.memory_space<vmem>> -> memref<128xf32, #tpu.memory_space<vmem>>
    %dma_wait3A_127 = arith.constant 0 : i32
    %dma_wait3A_128 = tpu.memref_slice %arg14[%dma_wait3A_127] : memref<100096xf32, #tpu.memory_space<vmem_shared>> -> memref<100096xf32, #tpu.memory_space<vmem_shared>>
    tpu.wait_indirect_dma semaphore(%arg22 : memref<!tpu.dma_semaphore, #tpu.memory_space<semaphore_mem>>) src(%dma_wait3A_128 : memref<100096xf32, #tpu.memory_space<vmem_shared>>) dst(%dma_wait3A_126 : memref<128xf32, #tpu.memory_space<vmem>>)
    %dma_wait3A_129 = arith.constant 2 : i32
    %dma_wait3A_130 = arith.constant 0 : i32
    %dma_wait3A_131 = tpu.memref_slice %arg10[%dma_wait3A_129, %dma_wait3A_130] : memref<8x128xf32, #tpu.memory_space<vmem>> -> memref<1x128xf32, #tpu.memory_space<vmem>>
    %dma_wait3A_132 = tpu.memref_squeeze %dma_wait3A_131 : memref<1x128xf32, #tpu.memory_space<vmem>> -> memref<128xf32, #tpu.memory_space<vmem>>
    %dma_wait3A_133 = arith.constant 0 : i32
    %dma_wait3A_134 = tpu.memref_slice %arg15[%dma_wait3A_133] : memref<100096xf32, #tpu.memory_space<vmem_shared>> -> memref<100096xf32, #tpu.memory_space<vmem_shared>>
    tpu.wait_indirect_dma semaphore(%arg21 : memref<!tpu.dma_semaphore, #tpu.memory_space<semaphore_mem>>) src(%dma_wait3A_134 : memref<100096xf32, #tpu.memory_space<vmem_shared>>) dst(%dma_wait3A_132 : memref<128xf32, #tpu.memory_space<vmem>>)
    %dma_wait3A_135 = arith.constant 2 : i32
    %dma_wait3A_136 = arith.constant 0 : i32
    %dma_wait3A_137 = tpu.memref_slice %arg11[%dma_wait3A_135, %dma_wait3A_136] : memref<8x128xf32, #tpu.memory_space<vmem>> -> memref<1x128xf32, #tpu.memory_space<vmem>>
    %dma_wait3A_138 = tpu.memref_squeeze %dma_wait3A_137 : memref<1x128xf32, #tpu.memory_space<vmem>> -> memref<128xf32, #tpu.memory_space<vmem>>
    %dma_wait3A_139 = arith.constant 0 : i32
    %dma_wait3A_140 = tpu.memref_slice %arg15[%dma_wait3A_139] : memref<100096xf32, #tpu.memory_space<vmem_shared>> -> memref<100096xf32, #tpu.memory_space<vmem_shared>>
    tpu.wait_indirect_dma semaphore(%arg22 : memref<!tpu.dma_semaphore, #tpu.memory_space<semaphore_mem>>) src(%dma_wait3A_140 : memref<100096xf32, #tpu.memory_space<vmem_shared>>) dst(%dma_wait3A_138 : memref<128xf32, #tpu.memory_space<vmem>>)
    %dma_wait3A_141 = arith.constant 3 : i32
    %dma_wait3A_142 = arith.constant 0 : i32
    %dma_wait3A_143 = tpu.memref_slice %arg10[%dma_wait3A_141, %dma_wait3A_142] : memref<8x128xf32, #tpu.memory_space<vmem>> -> memref<1x128xf32, #tpu.memory_space<vmem>>
    %dma_wait3A_144 = tpu.memref_squeeze %dma_wait3A_143 : memref<1x128xf32, #tpu.memory_space<vmem>> -> memref<128xf32, #tpu.memory_space<vmem>>
    %dma_wait3A_145 = arith.constant 0 : i32
    %dma_wait3A_146 = tpu.memref_slice %arg16[%dma_wait3A_145] : memref<100096xf32, #tpu.memory_space<vmem_shared>> -> memref<100096xf32, #tpu.memory_space<vmem_shared>>
    tpu.wait_indirect_dma semaphore(%arg21 : memref<!tpu.dma_semaphore, #tpu.memory_space<semaphore_mem>>) src(%dma_wait3A_146 : memref<100096xf32, #tpu.memory_space<vmem_shared>>) dst(%dma_wait3A_144 : memref<128xf32, #tpu.memory_space<vmem>>)
    %dma_wait3A_147 = arith.constant 3 : i32
    %dma_wait3A_148 = arith.constant 0 : i32
    %dma_wait3A_149 = tpu.memref_slice %arg11[%dma_wait3A_147, %dma_wait3A_148] : memref<8x128xf32, #tpu.memory_space<vmem>> -> memref<1x128xf32, #tpu.memory_space<vmem>>
    %dma_wait3A_150 = tpu.memref_squeeze %dma_wait3A_149 : memref<1x128xf32, #tpu.memory_space<vmem>> -> memref<128xf32, #tpu.memory_space<vmem>>
    %dma_wait3A_151 = arith.constant 0 : i32
    %dma_wait3A_152 = tpu.memref_slice %arg16[%dma_wait3A_151] : memref<100096xf32, #tpu.memory_space<vmem_shared>> -> memref<100096xf32, #tpu.memory_space<vmem_shared>>
    tpu.wait_indirect_dma semaphore(%arg22 : memref<!tpu.dma_semaphore, #tpu.memory_space<semaphore_mem>>) src(%dma_wait3A_152 : memref<100096xf32, #tpu.memory_space<vmem_shared>>) dst(%dma_wait3A_150 : memref<128xf32, #tpu.memory_space<vmem>>)
    %dma_wait3A_153 = arith.constant 4 : i32
    %dma_wait3A_154 = arith.constant 0 : i32
    %dma_wait3A_155 = tpu.memref_slice %arg10[%dma_wait3A_153, %dma_wait3A_154] : memref<8x128xf32, #tpu.memory_space<vmem>> -> memref<1x128xf32, #tpu.memory_space<vmem>>
    %dma_wait3A_156 = tpu.memref_squeeze %dma_wait3A_155 : memref<1x128xf32, #tpu.memory_space<vmem>> -> memref<128xf32, #tpu.memory_space<vmem>>
    %dma_wait3A_157 = arith.constant 0 : i32
    %dma_wait3A_158 = tpu.memref_slice %arg17[%dma_wait3A_157] : memref<100096xf32, #tpu.memory_space<vmem_shared>> -> memref<100096xf32, #tpu.memory_space<vmem_shared>>
    tpu.wait_indirect_dma semaphore(%arg21 : memref<!tpu.dma_semaphore, #tpu.memory_space<semaphore_mem>>) src(%dma_wait3A_158 : memref<100096xf32, #tpu.memory_space<vmem_shared>>) dst(%dma_wait3A_156 : memref<128xf32, #tpu.memory_space<vmem>>)
    %dma_wait3A_159 = arith.constant 4 : i32
    %dma_wait3A_160 = arith.constant 0 : i32
    %dma_wait3A_161 = tpu.memref_slice %arg11[%dma_wait3A_159, %dma_wait3A_160] : memref<8x128xf32, #tpu.memory_space<vmem>> -> memref<1x128xf32, #tpu.memory_space<vmem>>
    %dma_wait3A_162 = tpu.memref_squeeze %dma_wait3A_161 : memref<1x128xf32, #tpu.memory_space<vmem>> -> memref<128xf32, #tpu.memory_space<vmem>>
    %dma_wait3A_163 = arith.constant 0 : i32
    %dma_wait3A_164 = tpu.memref_slice %arg17[%dma_wait3A_163] : memref<100096xf32, #tpu.memory_space<vmem_shared>> -> memref<100096xf32, #tpu.memory_space<vmem_shared>>
    tpu.wait_indirect_dma semaphore(%arg22 : memref<!tpu.dma_semaphore, #tpu.memory_space<semaphore_mem>>) src(%dma_wait3A_164 : memref<100096xf32, #tpu.memory_space<vmem_shared>>) dst(%dma_wait3A_162 : memref<128xf32, #tpu.memory_space<vmem>>)
    %dma_wait3A_165 = arith.constant 5 : i32
    %dma_wait3A_166 = arith.constant 0 : i32
    %dma_wait3A_167 = tpu.memref_slice %arg10[%dma_wait3A_165, %dma_wait3A_166] : memref<8x128xf32, #tpu.memory_space<vmem>> -> memref<1x128xf32, #tpu.memory_space<vmem>>
    %dma_wait3A_168 = tpu.memref_squeeze %dma_wait3A_167 : memref<1x128xf32, #tpu.memory_space<vmem>> -> memref<128xf32, #tpu.memory_space<vmem>>
    %dma_wait3A_169 = arith.constant 0 : i32
    %dma_wait3A_170 = tpu.memref_slice %arg18[%dma_wait3A_169] : memref<100096xf32, #tpu.memory_space<vmem_shared>> -> memref<100096xf32, #tpu.memory_space<vmem_shared>>
    tpu.wait_indirect_dma semaphore(%arg21 : memref<!tpu.dma_semaphore, #tpu.memory_space<semaphore_mem>>) src(%dma_wait3A_170 : memref<100096xf32, #tpu.memory_space<vmem_shared>>) dst(%dma_wait3A_168 : memref<128xf32, #tpu.memory_space<vmem>>)
    %dma_wait3A_171 = arith.constant 5 : i32
    %dma_wait3A_172 = arith.constant 0 : i32
    %dma_wait3A_173 = tpu.memref_slice %arg11[%dma_wait3A_171, %dma_wait3A_172] : memref<8x128xf32, #tpu.memory_space<vmem>> -> memref<1x128xf32, #tpu.memory_space<vmem>>
    %dma_wait3A_174 = tpu.memref_squeeze %dma_wait3A_173 : memref<1x128xf32, #tpu.memory_space<vmem>> -> memref<128xf32, #tpu.memory_space<vmem>>
    %dma_wait3A_175 = arith.constant 0 : i32
    %dma_wait3A_176 = tpu.memref_slice %arg18[%dma_wait3A_175] : memref<100096xf32, #tpu.memory_space<vmem_shared>> -> memref<100096xf32, #tpu.memory_space<vmem_shared>>
    tpu.wait_indirect_dma semaphore(%arg22 : memref<!tpu.dma_semaphore, #tpu.memory_space<semaphore_mem>>) src(%dma_wait3A_176 : memref<100096xf32, #tpu.memory_space<vmem_shared>>) dst(%dma_wait3A_174 : memref<128xf32, #tpu.memory_space<vmem>>)
    %dma_wait3A_177 = arith.constant 6 : i32
    %dma_wait3A_178 = arith.constant 0 : i32
    %dma_wait3A_179 = tpu.memref_slice %arg10[%dma_wait3A_177, %dma_wait3A_178] : memref<8x128xf32, #tpu.memory_space<vmem>> -> memref<1x128xf32, #tpu.memory_space<vmem>>
    %dma_wait3A_180 = tpu.memref_squeeze %dma_wait3A_179 : memref<1x128xf32, #tpu.memory_space<vmem>> -> memref<128xf32, #tpu.memory_space<vmem>>
    %dma_wait3A_181 = arith.constant 0 : i32
    %dma_wait3A_182 = tpu.memref_slice %arg19[%dma_wait3A_181] : memref<100096xf32, #tpu.memory_space<vmem_shared>> -> memref<100096xf32, #tpu.memory_space<vmem_shared>>
    tpu.wait_indirect_dma semaphore(%arg21 : memref<!tpu.dma_semaphore, #tpu.memory_space<semaphore_mem>>) src(%dma_wait3A_182 : memref<100096xf32, #tpu.memory_space<vmem_shared>>) dst(%dma_wait3A_180 : memref<128xf32, #tpu.memory_space<vmem>>)
    %dma_wait3A_183 = arith.constant 6 : i32
    %dma_wait3A_184 = arith.constant 0 : i32
    %dma_wait3A_185 = tpu.memref_slice %arg11[%dma_wait3A_183, %dma_wait3A_184] : memref<8x128xf32, #tpu.memory_space<vmem>> -> memref<1x128xf32, #tpu.memory_space<vmem>>
    %dma_wait3A_186 = tpu.memref_squeeze %dma_wait3A_185 : memref<1x128xf32, #tpu.memory_space<vmem>> -> memref<128xf32, #tpu.memory_space<vmem>>
    %dma_wait3A_187 = arith.constant 0 : i32
    %dma_wait3A_188 = tpu.memref_slice %arg19[%dma_wait3A_187] : memref<100096xf32, #tpu.memory_space<vmem_shared>> -> memref<100096xf32, #tpu.memory_space<vmem_shared>>
    tpu.wait_indirect_dma semaphore(%arg22 : memref<!tpu.dma_semaphore, #tpu.memory_space<semaphore_mem>>) src(%dma_wait3A_188 : memref<100096xf32, #tpu.memory_space<vmem_shared>>) dst(%dma_wait3A_186 : memref<128xf32, #tpu.memory_space<vmem>>)
    %dma_wait3A_189 = arith.constant 7 : i32
    %dma_wait3A_190 = arith.constant 0 : i32
    %dma_wait3A_191 = tpu.memref_slice %arg10[%dma_wait3A_189, %dma_wait3A_190] : memref<8x128xf32, #tpu.memory_space<vmem>> -> memref<1x128xf32, #tpu.memory_space<vmem>>
    %dma_wait3A_192 = tpu.memref_squeeze %dma_wait3A_191 : memref<1x128xf32, #tpu.memory_space<vmem>> -> memref<128xf32, #tpu.memory_space<vmem>>
    %dma_wait3A_193 = arith.constant 0 : i32
    %dma_wait3A_194 = tpu.memref_slice %arg20[%dma_wait3A_193] : memref<100096xf32, #tpu.memory_space<vmem_shared>> -> memref<100096xf32, #tpu.memory_space<vmem_shared>>
    tpu.wait_indirect_dma semaphore(%arg21 : memref<!tpu.dma_semaphore, #tpu.memory_space<semaphore_mem>>) src(%dma_wait3A_194 : memref<100096xf32, #tpu.memory_space<vmem_shared>>) dst(%dma_wait3A_192 : memref<128xf32, #tpu.memory_space<vmem>>)
    %dma_wait3A_195 = arith.constant 7 : i32
    %dma_wait3A_196 = arith.constant 0 : i32
    %dma_wait3A_197 = tpu.memref_slice %arg11[%dma_wait3A_195, %dma_wait3A_196] : memref<8x128xf32, #tpu.memory_space<vmem>> -> memref<1x128xf32, #tpu.memory_space<vmem>>
    %dma_wait3A_198 = tpu.memref_squeeze %dma_wait3A_197 : memref<1x128xf32, #tpu.memory_space<vmem>> -> memref<128xf32, #tpu.memory_space<vmem>>
    %dma_wait3A_199 = arith.constant 0 : i32
    %dma_wait3A_200 = tpu.memref_slice %arg20[%dma_wait3A_199] : memref<100096xf32, #tpu.memory_space<vmem_shared>> -> memref<100096xf32, #tpu.memory_space<vmem_shared>>
    tpu.wait_indirect_dma semaphore(%arg22 : memref<!tpu.dma_semaphore, #tpu.memory_space<semaphore_mem>>) src(%dma_wait3A_200 : memref<100096xf32, #tpu.memory_space<vmem_shared>>) dst(%dma_wait3A_198 : memref<128xf32, #tpu.memory_space<vmem>>)
    %get3A = arith.constant 0 : i32
    %get3A_201 = arith.index_cast %get3A : i32 to index
    %get3A_202 = arith.constant 0 : index
    %get3A_203 = tpu.vector_load %arg10[%get3A_201, %get3A_202] {strides = array<i32>} : memref<8x128xf32, #tpu.memory_space<vmem>>, vector<1x16xf32>,
    %get3A_204 = vector.shape_cast %get3A_203 : vector<1x16xf32> to vector<16xf32>
    %get3A_205 = arith.constant 0 : i32
    %get3A_206 = arith.index_cast %get3A_205 : i32 to index
    %get3A_207 = arith.constant 0 : index
    %get3A_208 = tpu.vector_load %arg11[%get3A_206, %get3A_207] {strides = array<i32>} : memref<8x128xf32, #tpu.memory_space<vmem>>, vector<1x16xf32>,
    %get3A_209 = vector.shape_cast %get3A_208 : vector<1x16xf32> to vector<16xf32>
    %mul3A_210 = arith.mulf %get3A_204, %get3A_209 : vector<16xf32>
    %get3A_211 = arith.constant 1 : i32
    %get3A_212 = arith.index_cast %get3A_211 : i32 to index
    %get3A_213 = arith.constant 0 : index
    %get3A_214 = tpu.vector_load %arg10[%get3A_212, %get3A_213] {strides = array<i32>} : memref<8x128xf32, #tpu.memory_space<vmem>>, vector<1x16xf32>,
    %get3A_215 = vector.shape_cast %get3A_214 : vector<1x16xf32> to vector<16xf32>
    %get3A_216 = arith.constant 1 : i32
    %get3A_217 = arith.index_cast %get3A_216 : i32 to index
    %get3A_218 = arith.constant 0 : index
    %get3A_219 = tpu.vector_load %arg11[%get3A_217, %get3A_218] {strides = array<i32>} : memref<8x128xf32, #tpu.memory_space<vmem>>, vector<1x16xf32>,
    %get3A_220 = vector.shape_cast %get3A_219 : vector<1x16xf32> to vector<16xf32>
    %mul3A_221 = arith.mulf %get3A_215, %get3A_220 : vector<16xf32>
    %add3A_222 = arith.addf %mul3A_210, %mul3A_221 : vector<16xf32>
    %get3A_223 = arith.constant 2 : i32
    %get3A_224 = arith.index_cast %get3A_223 : i32 to index
    %get3A_225 = arith.constant 0 : index
    %get3A_226 = tpu.vector_load %arg10[%get3A_224, %get3A_225] {strides = array<i32>} : memref<8x128xf32, #tpu.memory_space<vmem>>, vector<1x16xf32>,
    %get3A_227 = vector.shape_cast %get3A_226 : vector<1x16xf32> to vector<16xf32>
    %get3A_228 = arith.constant 2 : i32
    %get3A_229 = arith.index_cast %get3A_228 : i32 to index
    %get3A_230 = arith.constant 0 : index
    %get3A_231 = tpu.vector_load %arg11[%get3A_229, %get3A_230] {strides = array<i32>} : memref<8x128xf32, #tpu.memory_space<vmem>>, vector<1x16xf32>,
    %get3A_232 = vector.shape_cast %get3A_231 : vector<1x16xf32> to vector<16xf32>
    %mul3A_233 = arith.mulf %get3A_227, %get3A_232 : vector<16xf32>
    %add3A_234 = arith.addf %add3A_222, %mul3A_233 : vector<16xf32>
    %get3A_235 = arith.constant 3 : i32
    %get3A_236 = arith.index_cast %get3A_235 : i32 to index
    %get3A_237 = arith.constant 0 : index
    %get3A_238 = tpu.vector_load %arg10[%get3A_236, %get3A_237] {strides = array<i32>} : memref<8x128xf32, #tpu.memory_space<vmem>>, vector<1x16xf32>,
    %get3A_239 = vector.shape_cast %get3A_238 : vector<1x16xf32> to vector<16xf32>
    %get3A_240 = arith.constant 3 : i32
    %get3A_241 = arith.index_cast %get3A_240 : i32 to index
    %get3A_242 = arith.constant 0 : index
    %get3A_243 = tpu.vector_load %arg11[%get3A_241, %get3A_242] {strides = array<i32>} : memref<8x128xf32, #tpu.memory_space<vmem>>, vector<1x16xf32>,
    %get3A_244 = vector.shape_cast %get3A_243 : vector<1x16xf32> to vector<16xf32>
    %mul3A_245 = arith.mulf %get3A_239, %get3A_244 : vector<16xf32>
    %add3A_246 = arith.addf %add3A_234, %mul3A_245 : vector<16xf32>
    %get3A_247 = arith.constant 4 : i32
    %get3A_248 = arith.index_cast %get3A_247 : i32 to index
    %get3A_249 = arith.constant 0 : index
    %get3A_250 = tpu.vector_load %arg10[%get3A_248, %get3A_249] {strides = array<i32>} : memref<8x128xf32, #tpu.memory_space<vmem>>, vector<1x16xf32>,
    %get3A_251 = vector.shape_cast %get3A_250 : vector<1x16xf32> to vector<16xf32>
    %get3A_252 = arith.constant 4 : i32
    %get3A_253 = arith.index_cast %get3A_252 : i32 to index
    %get3A_254 = arith.constant 0 : index
    %get3A_255 = tpu.vector_load %arg11[%get3A_253, %get3A_254] {strides = array<i32>} : memref<8x128xf32, #tpu.memory_space<vmem>>, vector<1x16xf32>,
    %get3A_256 = vector.shape_cast %get3A_255 : vector<1x16xf32> to vector<16xf32>
    %mul3A_257 = arith.mulf %get3A_251, %get3A_256 : vector<16xf32>
    %add3A_258 = arith.addf %add3A_246, %mul3A_257 : vector<16xf32>
    %get3A_259 = arith.constant 5 : i32
    %get3A_260 = arith.index_cast %get3A_259 : i32 to index
    %get3A_261 = arith.constant 0 : index
    %get3A_262 = tpu.vector_load %arg10[%get3A_260, %get3A_261] {strides = array<i32>} : memref<8x128xf32, #tpu.memory_space<vmem>>, vector<1x16xf32>,
    %get3A_263 = vector.shape_cast %get3A_262 : vector<1x16xf32> to vector<16xf32>
    %get3A_264 = arith.constant 5 : i32
    %get3A_265 = arith.index_cast %get3A_264 : i32 to index
    %get3A_266 = arith.constant 0 : index
    %get3A_267 = tpu.vector_load %arg11[%get3A_265, %get3A_266] {strides = array<i32>} : memref<8x128xf32, #tpu.memory_space<vmem>>, vector<1x16xf32>,
    %get3A_268 = vector.shape_cast %get3A_267 : vector<1x16xf32> to vector<16xf32>
    %mul3A_269 = arith.mulf %get3A_263, %get3A_268 : vector<16xf32>
    %add3A_270 = arith.addf %add3A_258, %mul3A_269 : vector<16xf32>
    %get3A_271 = arith.constant 6 : i32
    %get3A_272 = arith.index_cast %get3A_271 : i32 to index
    %get3A_273 = arith.constant 0 : index
    %get3A_274 = tpu.vector_load %arg10[%get3A_272, %get3A_273] {strides = array<i32>} : memref<8x128xf32, #tpu.memory_space<vmem>>, vector<1x16xf32>,
    %get3A_275 = vector.shape_cast %get3A_274 : vector<1x16xf32> to vector<16xf32>
    %get3A_276 = arith.constant 6 : i32
    %get3A_277 = arith.index_cast %get3A_276 : i32 to index
    %get3A_278 = arith.constant 0 : index
    %get3A_279 = tpu.vector_load %arg11[%get3A_277, %get3A_278] {strides = array<i32>} : memref<8x128xf32, #tpu.memory_space<vmem>>, vector<1x16xf32>,
    %get3A_280 = vector.shape_cast %get3A_279 : vector<1x16xf32> to vector<16xf32>
    %mul3A_281 = arith.mulf %get3A_275, %get3A_280 : vector<16xf32>
    %add3A_282 = arith.addf %add3A_270, %mul3A_281 : vector<16xf32>
    %get3A_283 = arith.constant 7 : i32
    %get3A_284 = arith.index_cast %get3A_283 : i32 to index
    %get3A_285 = arith.constant 0 : index
    %get3A_286 = tpu.vector_load %arg10[%get3A_284, %get3A_285] {strides = array<i32>} : memref<8x128xf32, #tpu.memory_space<vmem>>, vector<1x16xf32>,
    %get3A_287 = vector.shape_cast %get3A_286 : vector<1x16xf32> to vector<16xf32>
    %get3A_288 = arith.constant 7 : i32
    %get3A_289 = arith.index_cast %get3A_288 : i32 to index
    %get3A_290 = arith.constant 0 : index
    %get3A_291 = tpu.vector_load %arg11[%get3A_289, %get3A_290] {strides = array<i32>} : memref<8x128xf32, #tpu.memory_space<vmem>>, vector<1x16xf32>,
    %get3A_292 = vector.shape_cast %get3A_291 : vector<1x16xf32> to vector<16xf32>
    %mul3A_293 = arith.mulf %get3A_287, %get3A_292 : vector<16xf32>
    %add3A_294 = arith.addf %add3A_282, %mul3A_293 : vector<16xf32>
    %swap3A = arith.constant 0 : index
    %swap3A_295 = tpu.vector_load %arg12[%swap3A] {strides = array<i32>} : memref<128xf32, #tpu.memory_space<vmem>>, vector<16xf32>,
    %swap3A_296 = vector.shape_cast %swap3A_295 : vector<16xf32> to vector<16xf32>
    %swap3A_297 = vector.shape_cast %add3A_294 : vector<16xf32> to vector<16xf32>
    tpu.vector_store %arg12[%swap3A], %swap3A_297 {strides = array<i32>} : memref<128xf32, #tpu.memory_space<vmem>>, vector<16xf32>,
    %get3A_298 = arith.constant 0 : i32
    %get3A_299 = arith.index_cast %get3A_298 : i32 to index
    %get3A_300 = arith.constant 16 : index
    %get3A_301 = tpu.vector_load %arg10[%get3A_299, %get3A_300] {strides = array<i32>} : memref<8x128xf32, #tpu.memory_space<vmem>>, vector<1x16xf32>,
    %get3A_302 = vector.shape_cast %get3A_301 : vector<1x16xf32> to vector<16xf32>
    %get3A_303 = arith.constant 0 : i32
    %get3A_304 = arith.index_cast %get3A_303 : i32 to index
    %get3A_305 = arith.constant 16 : index
    %get3A_306 = tpu.vector_load %arg11[%get3A_304, %get3A_305] {strides = array<i32>} : memref<8x128xf32, #tpu.memory_space<vmem>>, vector<1x16xf32>,
    %get3A_307 = vector.shape_cast %get3A_306 : vector<1x16xf32> to vector<16xf32>
    %mul3A_308 = arith.mulf %get3A_302, %get3A_307 : vector<16xf32>
    %get3A_309 = arith.constant 1 : i32
    %get3A_310 = arith.index_cast %get3A_309 : i32 to index
    %get3A_311 = arith.constant 16 : index
    %get3A_312 = tpu.vector_load %arg10[%get3A_310, %get3A_311] {strides = array<i32>} : memref<8x128xf32, #tpu.memory_space<vmem>>, vector<1x16xf32>,
    %get3A_313 = vector.shape_cast %get3A_312 : vector<1x16xf32> to vector<16xf32>
    %get3A_314 = arith.constant 1 : i32
    %get3A_315 = arith.index_cast %get3A_314 : i32 to index
    %get3A_316 = arith.constant 16 : index
    %get3A_317 = tpu.vector_load %arg11[%get3A_315, %get3A_316] {strides = array<i32>} : memref<8x128xf32, #tpu.memory_space<vmem>>, vector<1x16xf32>,
    %get3A_318 = vector.shape_cast %get3A_317 : vector<1x16xf32> to vector<16xf32>
    %mul3A_319 = arith.mulf %get3A_313, %get3A_318 : vector<16xf32>
    %add3A_320 = arith.addf %mul3A_308, %mul3A_319 : vector<16xf32>
    %get3A_321 = arith.constant 2 : i32
    %get3A_322 = arith.index_cast %get3A_321 : i32 to index
    %get3A_323 = arith.constant 16 : index
    %get3A_324 = tpu.vector_load %arg10[%get3A_322, %get3A_323] {strides = array<i32>} : memref<8x128xf32, #tpu.memory_space<vmem>>, vector<1x16xf32>,
    %get3A_325 = vector.shape_cast %get3A_324 : vector<1x16xf32> to vector<16xf32>
    %get3A_326 = arith.constant 2 : i32
    %get3A_327 = arith.index_cast %get3A_326 : i32 to index
    %get3A_328 = arith.constant 16 : index
    %get3A_329 = tpu.vector_load %arg11[%get3A_327, %get3A_328] {strides = array<i32>} : memref<8x128xf32, #tpu.memory_space<vmem>>, vector<1x16xf32>,
    %get3A_330 = vector.shape_cast %get3A_329 : vector<1x16xf32> to vector<16xf32>
    %mul3A_331 = arith.mulf %get3A_325, %get3A_330 : vector<16xf32>
    %add3A_332 = arith.addf %add3A_320, %mul3A_331 : vector<16xf32>
    %get3A_333 = arith.constant 3 : i32
    %get3A_334 = arith.index_cast %get3A_333 : i32 to index
    %get3A_335 = arith.constant 16 : index
    %get3A_336 = tpu.vector_load %arg10[%get3A_334, %get3A_335] {strides = array<i32>} : memref<8x128xf32, #tpu.memory_space<vmem>>, vector<1x16xf32>,
    %get3A_337 = vector.shape_cast %get3A_336 : vector<1x16xf32> to vector<16xf32>
    %get3A_338 = arith.constant 3 : i32
    %get3A_339 = arith.index_cast %get3A_338 : i32 to index
    %get3A_340 = arith.constant 16 : index
    %get3A_341 = tpu.vector_load %arg11[%get3A_339, %get3A_340] {strides = array<i32>} : memref<8x128xf32, #tpu.memory_space<vmem>>, vector<1x16xf32>,
    %get3A_342 = vector.shape_cast %get3A_341 : vector<1x16xf32> to vector<16xf32>
    %mul3A_343 = arith.mulf %get3A_337, %get3A_342 : vector<16xf32>
    %add3A_344 = arith.addf %add3A_332, %mul3A_343 : vector<16xf32>
    %get3A_345 = arith.constant 4 : i32
    %get3A_346 = arith.index_cast %get3A_345 : i32 to index
    %get3A_347 = arith.constant 16 : index
    %get3A_348 = tpu.vector_load %arg10[%get3A_346, %get3A_347] {strides = array<i32>} : memref<8x128xf32, #tpu.memory_space<vmem>>, vector<1x16xf32>,
    %get3A_349 = vector.shape_cast %get3A_348 : vector<1x16xf32> to vector<16xf32>
    %get3A_350 = arith.constant 4 : i32
    %get3A_351 = arith.index_cast %get3A_350 : i32 to index
    %get3A_352 = arith.constant 16 : index
    %get3A_353 = tpu.vector_load %arg11[%get3A_351, %get3A_352] {strides = array<i32>} : memref<8x128xf32, #tpu.memory_space<vmem>>, vector<1x16xf32>,
    %get3A_354 = vector.shape_cast %get3A_353 : vector<1x16xf32> to vector<16xf32>
    %mul3A_355 = arith.mulf %get3A_349, %get3A_354 : vector<16xf32>
    %add3A_356 = arith.addf %add3A_344, %mul3A_355 : vector<16xf32>
    %get3A_357 = arith.constant 5 : i32
    %get3A_358 = arith.index_cast %get3A_357 : i32 to index
    %get3A_359 = arith.constant 16 : index
    %get3A_360 = tpu.vector_load %arg10[%get3A_358, %get3A_359] {strides = array<i32>} : memref<8x128xf32, #tpu.memory_space<vmem>>, vector<1x16xf32>,
    %get3A_361 = vector.shape_cast %get3A_360 : vector<1x16xf32> to vector<16xf32>
    %get3A_362 = arith.constant 5 : i32
    %get3A_363 = arith.index_cast %get3A_362 : i32 to index
    %get3A_364 = arith.constant 16 : index
    %get3A_365 = tpu.vector_load %arg11[%get3A_363, %get3A_364] {strides = array<i32>} : memref<8x128xf32, #tpu.memory_space<vmem>>, vector<1x16xf32>,
    %get3A_366 = vector.shape_cast %get3A_365 : vector<1x16xf32> to vector<16xf32>
    %mul3A_367 = arith.mulf %get3A_361, %get3A_366 : vector<16xf32>
    %add3A_368 = arith.addf %add3A_356, %mul3A_367 : vector<16xf32>
    %get3A_369 = arith.constant 6 : i32
    %get3A_370 = arith.index_cast %get3A_369 : i32 to index
    %get3A_371 = arith.constant 16 : index
    %get3A_372 = tpu.vector_load %arg10[%get3A_370, %get3A_371] {strides = array<i32>} : memref<8x128xf32, #tpu.memory_space<vmem>>, vector<1x16xf32>,
    %get3A_373 = vector.shape_cast %get3A_372 : vector<1x16xf32> to vector<16xf32>
    %get3A_374 = arith.constant 6 : i32
    %get3A_375 = arith.index_cast %get3A_374 : i32 to index
    %get3A_376 = arith.constant 16 : index
    %get3A_377 = tpu.vector_load %arg11[%get3A_375, %get3A_376] {strides = array<i32>} : memref<8x128xf32, #tpu.memory_space<vmem>>, vector<1x16xf32>,
    %get3A_378 = vector.shape_cast %get3A_377 : vector<1x16xf32> to vector<16xf32>
    %mul3A_379 = arith.mulf %get3A_373, %get3A_378 : vector<16xf32>
    %add3A_380 = arith.addf %add3A_368, %mul3A_379 : vector<16xf32>
    %get3A_381 = arith.constant 7 : i32
    %get3A_382 = arith.index_cast %get3A_381 : i32 to index
    %get3A_383 = arith.constant 16 : index
    %get3A_384 = tpu.vector_load %arg10[%get3A_382, %get3A_383] {strides = array<i32>} : memref<8x128xf32, #tpu.memory_space<vmem>>, vector<1x16xf32>,
    %get3A_385 = vector.shape_cast %get3A_384 : vector<1x16xf32> to vector<16xf32>
    %get3A_386 = arith.constant 7 : i32
    %get3A_387 = arith.index_cast %get3A_386 : i32 to index
    %get3A_388 = arith.constant 16 : index
    %get3A_389 = tpu.vector_load %arg11[%get3A_387, %get3A_388] {strides = array<i32>} : memref<8x128xf32, #tpu.memory_space<vmem>>, vector<1x16xf32>,
    %get3A_390 = vector.shape_cast %get3A_389 : vector<1x16xf32> to vector<16xf32>
    %mul3A_391 = arith.mulf %get3A_385, %get3A_390 : vector<16xf32>
    %add3A_392 = arith.addf %add3A_380, %mul3A_391 : vector<16xf32>
    %swap3A_393 = arith.constant 16 : index
    %swap3A_394 = tpu.vector_load %arg12[%swap3A_393] {strides = array<i32>} : memref<128xf32, #tpu.memory_space<vmem>>, vector<16xf32>,
    %swap3A_395 = vector.shape_cast %swap3A_394 : vector<16xf32> to vector<16xf32>
    %swap3A_396 = vector.shape_cast %add3A_392 : vector<16xf32> to vector<16xf32>
    tpu.vector_store %arg12[%swap3A_393], %swap3A_396 {strides = array<i32>} : memref<128xf32, #tpu.memory_space<vmem>>, vector<16xf32>,
    %get3A_397 = arith.constant 0 : i32
    %get3A_398 = arith.index_cast %get3A_397 : i32 to index
    %get3A_399 = arith.constant 32 : index
    %get3A_400 = tpu.vector_load %arg10[%get3A_398, %get3A_399] {strides = array<i32>} : memref<8x128xf32, #tpu.memory_space<vmem>>, vector<1x16xf32>,
    %get3A_401 = vector.shape_cast %get3A_400 : vector<1x16xf32> to vector<16xf32>
    %get3A_402 = arith.constant 0 : i32
    %get3A_403 = arith.index_cast %get3A_402 : i32 to index
    %get3A_404 = arith.constant 32 : index
    %get3A_405 = tpu.vector_load %arg11[%get3A_403, %get3A_404] {strides = array<i32>} : memref<8x128xf32, #tpu.memory_space<vmem>>, vector<1x16xf32>,
    %get3A_406 = vector.shape_cast %get3A_405 : vector<1x16xf32> to vector<16xf32>
    %mul3A_407 = arith.mulf %get3A_401, %get3A_406 : vector<16xf32>
    %get3A_408 = arith.constant 1 : i32
    %get3A_409 = arith.index_cast %get3A_408 : i32 to index
    %get3A_410 = arith.constant 32 : index
    %get3A_411 = tpu.vector_load %arg10[%get3A_409, %get3A_410] {strides = array<i32>} : memref<8x128xf32, #tpu.memory_space<vmem>>, vector<1x16xf32>,
    %get3A_412 = vector.shape_cast %get3A_411 : vector<1x16xf32> to vector<16xf32>
    %get3A_413 = arith.constant 1 : i32
    %get3A_414 = arith.index_cast %get3A_413 : i32 to index
    %get3A_415 = arith.constant 32 : index
    %get3A_416 = tpu.vector_load %arg11[%get3A_414, %get3A_415] {strides = array<i32>} : memref<8x128xf32, #tpu.memory_space<vmem>>, vector<1x16xf32>,
    %get3A_417 = vector.shape_cast %get3A_416 : vector<1x16xf32> to vector<16xf32>
    %mul3A_418 = arith.mulf %get3A_412, %get3A_417 : vector<16xf32>
    %add3A_419 = arith.addf %mul3A_407, %mul3A_418 : vector<16xf32>
    %get3A_420 = arith.constant 2 : i32
    %get3A_421 = arith.index_cast %get3A_420 : i32 to index
    %get3A_422 = arith.constant 32 : index
    %get3A_423 = tpu.vector_load %arg10[%get3A_421, %get3A_422] {strides = array<i32>} : memref<8x128xf32, #tpu.memory_space<vmem>>, vector<1x16xf32>,
    %get3A_424 = vector.shape_cast %get3A_423 : vector<1x16xf32> to vector<16xf32>
    %get3A_425 = arith.constant 2 : i32
    %get3A_426 = arith.index_cast %get3A_425 : i32 to index
    %get3A_427 = arith.constant 32 : index
    %get3A_428 = tpu.vector_load %arg11[%get3A_426, %get3A_427] {strides = array<i32>} : memref<8x128xf32, #tpu.memory_space<vmem>>, vector<1x16xf32>,
    %get3A_429 = vector.shape_cast %get3A_428 : vector<1x16xf32> to vector<16xf32>
    %mul3A_430 = arith.mulf %get3A_424, %get3A_429 : vector<16xf32>
    %add3A_431 = arith.addf %add3A_419, %mul3A_430 : vector<16xf32>
    %get3A_432 = arith.constant 3 : i32
    %get3A_433 = arith.index_cast %get3A_432 : i32 to index
    %get3A_434 = arith.constant 32 : index
    %get3A_435 = tpu.vector_load %arg10[%get3A_433, %get3A_434] {strides = array<i32>} : memref<8x128xf32, #tpu.memory_space<vmem>>, vector<1x16xf32>,
    %get3A_436 = vector.shape_cast %get3A_435 : vector<1x16xf32> to vector<16xf32>
    %get3A_437 = arith.constant 3 : i32
    %get3A_438 = arith.index_cast %get3A_437 : i32 to index
    %get3A_439 = arith.constant 32 : index
    %get3A_440 = tpu.vector_load %arg11[%get3A_438, %get3A_439] {strides = array<i32>} : memref<8x128xf32, #tpu.memory_space<vmem>>, vector<1x16xf32>,
    %get3A_441 = vector.shape_cast %get3A_440 : vector<1x16xf32> to vector<16xf32>
    %mul3A_442 = arith.mulf %get3A_436, %get3A_441 : vector<16xf32>
    %add3A_443 = arith.addf %add3A_431, %mul3A_442 : vector<16xf32>
    %get3A_444 = arith.constant 4 : i32
    %get3A_445 = arith.index_cast %get3A_444 : i32 to index
    %get3A_446 = arith.constant 32 : index
    %get3A_447 = tpu.vector_load %arg10[%get3A_445, %get3A_446] {strides = array<i32>} : memref<8x128xf32, #tpu.memory_space<vmem>>, vector<1x16xf32>,
    %get3A_448 = vector.shape_cast %get3A_447 : vector<1x16xf32> to vector<16xf32>
    %get3A_449 = arith.constant 4 : i32
    %get3A_450 = arith.index_cast %get3A_449 : i32 to index
    %get3A_451 = arith.constant 32 : index
    %get3A_452 = tpu.vector_load %arg11[%get3A_450, %get3A_451] {strides = array<i32>} : memref<8x128xf32, #tpu.memory_space<vmem>>, vector<1x16xf32>,
    %get3A_453 = vector.shape_cast %get3A_452 : vector<1x16xf32> to vector<16xf32>
    %mul3A_454 = arith.mulf %get3A_448, %get3A_453 : vector<16xf32>
    %add3A_455 = arith.addf %add3A_443, %mul3A_454 : vector<16xf32>
    %get3A_456 = arith.constant 5 : i32
    %get3A_457 = arith.index_cast %get3A_456 : i32 to index
    %get3A_458 = arith.constant 32 : index
    %get3A_459 = tpu.vector_load %arg10[%get3A_457, %get3A_458] {strides = array<i32>} : memref<8x128xf32, #tpu.memory_space<vmem>>, vector<1x16xf32>,
    %get3A_460 = vector.shape_cast %get3A_459 : vector<1x16xf32> to vector<16xf32>
    %get3A_461 = arith.constant 5 : i32
    %get3A_462 = arith.index_cast %get3A_461 : i32 to index
    %get3A_463 = arith.constant 32 : index
    %get3A_464 = tpu.vector_load %arg11[%get3A_462, %get3A_463] {strides = array<i32>} : memref<8x128xf32, #tpu.memory_space<vmem>>, vector<1x16xf32>,
    %get3A_465 = vector.shape_cast %get3A_464 : vector<1x16xf32> to vector<16xf32>
    %mul3A_466 = arith.mulf %get3A_460, %get3A_465 : vector<16xf32>
    %add3A_467 = arith.addf %add3A_455, %mul3A_466 : vector<16xf32>
    %get3A_468 = arith.constant 6 : i32
    %get3A_469 = arith.index_cast %get3A_468 : i32 to index
    %get3A_470 = arith.constant 32 : index
    %get3A_471 = tpu.vector_load %arg10[%get3A_469, %get3A_470] {strides = array<i32>} : memref<8x128xf32, #tpu.memory_space<vmem>>, vector<1x16xf32>,
    %get3A_472 = vector.shape_cast %get3A_471 : vector<1x16xf32> to vector<16xf32>
    %get3A_473 = arith.constant 6 : i32
    %get3A_474 = arith.index_cast %get3A_473 : i32 to index
    %get3A_475 = arith.constant 32 : index
    %get3A_476 = tpu.vector_load %arg11[%get3A_474, %get3A_475] {strides = array<i32>} : memref<8x128xf32, #tpu.memory_space<vmem>>, vector<1x16xf32>,
    %get3A_477 = vector.shape_cast %get3A_476 : vector<1x16xf32> to vector<16xf32>
    %mul3A_478 = arith.mulf %get3A_472, %get3A_477 : vector<16xf32>
    %add3A_479 = arith.addf %add3A_467, %mul3A_478 : vector<16xf32>
    %get3A_480 = arith.constant 7 : i32
    %get3A_481 = arith.index_cast %get3A_480 : i32 to index
    %get3A_482 = arith.constant 32 : index
    %get3A_483 = tpu.vector_load %arg10[%get3A_481, %get3A_482] {strides = array<i32>} : memref<8x128xf32, #tpu.memory_space<vmem>>, vector<1x16xf32>,
    %get3A_484 = vector.shape_cast %get3A_483 : vector<1x16xf32> to vector<16xf32>
    %get3A_485 = arith.constant 7 : i32
    %get3A_486 = arith.index_cast %get3A_485 : i32 to index
    %get3A_487 = arith.constant 32 : index
    %get3A_488 = tpu.vector_load %arg11[%get3A_486, %get3A_487] {strides = array<i32>} : memref<8x128xf32, #tpu.memory_space<vmem>>, vector<1x16xf32>,
    %get3A_489 = vector.shape_cast %get3A_488 : vector<1x16xf32> to vector<16xf32>
    %mul3A_490 = arith.mulf %get3A_484, %get3A_489 : vector<16xf32>
    %add3A_491 = arith.addf %add3A_479, %mul3A_490 : vector<16xf32>
    %swap3A_492 = arith.constant 32 : index
    %swap3A_493 = tpu.vector_load %arg12[%swap3A_492] {strides = array<i32>} : memref<128xf32, #tpu.memory_space<vmem>>, vector<16xf32>,
    %swap3A_494 = vector.shape_cast %swap3A_493 : vector<16xf32> to vector<16xf32>
    %swap3A_495 = vector.shape_cast %add3A_491 : vector<16xf32> to vector<16xf32>
    tpu.vector_store %arg12[%swap3A_492], %swap3A_495 {strides = array<i32>} : memref<128xf32, #tpu.memory_space<vmem>>, vector<16xf32>,
    %get3A_496 = arith.constant 0 : i32
    %get3A_497 = arith.index_cast %get3A_496 : i32 to index
    %get3A_498 = arith.constant 48 : index
    %get3A_499 = tpu.vector_load %arg10[%get3A_497, %get3A_498] {strides = array<i32>} : memref<8x128xf32, #tpu.memory_space<vmem>>, vector<1x16xf32>,
    %get3A_500 = vector.shape_cast %get3A_499 : vector<1x16xf32> to vector<16xf32>
    %get3A_501 = arith.constant 0 : i32
    %get3A_502 = arith.index_cast %get3A_501 : i32 to index
    %get3A_503 = arith.constant 48 : index
    %get3A_504 = tpu.vector_load %arg11[%get3A_502, %get3A_503] {strides = array<i32>} : memref<8x128xf32, #tpu.memory_space<vmem>>, vector<1x16xf32>,
    %get3A_505 = vector.shape_cast %get3A_504 : vector<1x16xf32> to vector<16xf32>
    %mul3A_506 = arith.mulf %get3A_500, %get3A_505 : vector<16xf32>
    %get3A_507 = arith.constant 1 : i32
    %get3A_508 = arith.index_cast %get3A_507 : i32 to index
    %get3A_509 = arith.constant 48 : index
    %get3A_510 = tpu.vector_load %arg10[%get3A_508, %get3A_509] {strides = array<i32>} : memref<8x128xf32, #tpu.memory_space<vmem>>, vector<1x16xf32>,
    %get3A_511 = vector.shape_cast %get3A_510 : vector<1x16xf32> to vector<16xf32>
    %get3A_512 = arith.constant 1 : i32
    %get3A_513 = arith.index_cast %get3A_512 : i32 to index
    %get3A_514 = arith.constant 48 : index
    %get3A_515 = tpu.vector_load %arg11[%get3A_513, %get3A_514] {strides = array<i32>} : memref<8x128xf32, #tpu.memory_space<vmem>>, vector<1x16xf32>,
    %get3A_516 = vector.shape_cast %get3A_515 : vector<1x16xf32> to vector<16xf32>
    %mul3A_517 = arith.mulf %get3A_511, %get3A_516 : vector<16xf32>
    %add3A_518 = arith.addf %mul3A_506, %mul3A_517 : vector<16xf32>
    %get3A_519 = arith.constant 2 : i32
    %get3A_520 = arith.index_cast %get3A_519 : i32 to index
    %get3A_521 = arith.constant 48 : index
    %get3A_522 = tpu.vector_load %arg10[%get3A_520, %get3A_521] {strides = array<i32>} : memref<8x128xf32, #tpu.memory_space<vmem>>, vector<1x16xf32>,
    %get3A_523 = vector.shape_cast %get3A_522 : vector<1x16xf32> to vector<16xf32>
    %get3A_524 = arith.constant 2 : i32
    %get3A_525 = arith.index_cast %get3A_524 : i32 to index
    %get3A_526 = arith.constant 48 : index
    %get3A_527 = tpu.vector_load %arg11[%get3A_525, %get3A_526] {strides = array<i32>} : memref<8x128xf32, #tpu.memory_space<vmem>>, vector<1x16xf32>,
    %get3A_528 = vector.shape_cast %get3A_527 : vector<1x16xf32> to vector<16xf32>
    %mul3A_529 = arith.mulf %get3A_523, %get3A_528 : vector<16xf32>
    %add3A_530 = arith.addf %add3A_518, %mul3A_529 : vector<16xf32>
    %get3A_531 = arith.constant 3 : i32
    %get3A_532 = arith.index_cast %get3A_531 : i32 to index
    %get3A_533 = arith.constant 48 : index
    %get3A_534 = tpu.vector_load %arg10[%get3A_532, %get3A_533] {strides = array<i32>} : memref<8x128xf32, #tpu.memory_space<vmem>>, vector<1x16xf32>,
    %get3A_535 = vector.shape_cast %get3A_534 : vector<1x16xf32> to vector<16xf32>
    %get3A_536 = arith.constant 3 : i32
    %get3A_537 = arith.index_cast %get3A_536 : i32 to index
    %get3A_538 = arith.constant 48 : index
    %get3A_539 = tpu.vector_load %arg11[%get3A_537, %get3A_538] {strides = array<i32>} : memref<8x128xf32, #tpu.memory_space<vmem>>, vector<1x16xf32>,
    %get3A_540 = vector.shape_cast %get3A_539 : vector<1x16xf32> to vector<16xf32>
    %mul3A_541 = arith.mulf %get3A_535, %get3A_540 : vector<16xf32>
    %add3A_542 = arith.addf %add3A_530, %mul3A_541 : vector<16xf32>
    %get3A_543 = arith.constant 4 : i32
    %get3A_544 = arith.index_cast %get3A_543 : i32 to index
    %get3A_545 = arith.constant 48 : index
    %get3A_546 = tpu.vector_load %arg10[%get3A_544, %get3A_545] {strides = array<i32>} : memref<8x128xf32, #tpu.memory_space<vmem>>, vector<1x16xf32>,
    %get3A_547 = vector.shape_cast %get3A_546 : vector<1x16xf32> to vector<16xf32>
    %get3A_548 = arith.constant 4 : i32
    %get3A_549 = arith.index_cast %get3A_548 : i32 to index
    %get3A_550 = arith.constant 48 : index
    %get3A_551 = tpu.vector_load %arg11[%get3A_549, %get3A_550] {strides = array<i32>} : memref<8x128xf32, #tpu.memory_space<vmem>>, vector<1x16xf32>,
    %get3A_552 = vector.shape_cast %get3A_551 : vector<1x16xf32> to vector<16xf32>
    %mul3A_553 = arith.mulf %get3A_547, %get3A_552 : vector<16xf32>
    %add3A_554 = arith.addf %add3A_542, %mul3A_553 : vector<16xf32>
    %get3A_555 = arith.constant 5 : i32
    %get3A_556 = arith.index_cast %get3A_555 : i32 to index
    %get3A_557 = arith.constant 48 : index
    %get3A_558 = tpu.vector_load %arg10[%get3A_556, %get3A_557] {strides = array<i32>} : memref<8x128xf32, #tpu.memory_space<vmem>>, vector<1x16xf32>,
    %get3A_559 = vector.shape_cast %get3A_558 : vector<1x16xf32> to vector<16xf32>
    %get3A_560 = arith.constant 5 : i32
    %get3A_561 = arith.index_cast %get3A_560 : i32 to index
    %get3A_562 = arith.constant 48 : index
    %get3A_563 = tpu.vector_load %arg11[%get3A_561, %get3A_562] {strides = array<i32>} : memref<8x128xf32, #tpu.memory_space<vmem>>, vector<1x16xf32>,
    %get3A_564 = vector.shape_cast %get3A_563 : vector<1x16xf32> to vector<16xf32>
    %mul3A_565 = arith.mulf %get3A_559, %get3A_564 : vector<16xf32>
    %add3A_566 = arith.addf %add3A_554, %mul3A_565 : vector<16xf32>
    %get3A_567 = arith.constant 6 : i32
    %get3A_568 = arith.index_cast %get3A_567 : i32 to index
    %get3A_569 = arith.constant 48 : index
    %get3A_570 = tpu.vector_load %arg10[%get3A_568, %get3A_569] {strides = array<i32>} : memref<8x128xf32, #tpu.memory_space<vmem>>, vector<1x16xf32>,
    %get3A_571 = vector.shape_cast %get3A_570 : vector<1x16xf32> to vector<16xf32>
    %get3A_572 = arith.constant 6 : i32
    %get3A_573 = arith.index_cast %get3A_572 : i32 to index
    %get3A_574 = arith.constant 48 : index
    %get3A_575 = tpu.vector_load %arg11[%get3A_573, %get3A_574] {strides = array<i32>} : memref<8x128xf32, #tpu.memory_space<vmem>>, vector<1x16xf32>,
    %get3A_576 = vector.shape_cast %get3A_575 : vector<1x16xf32> to vector<16xf32>
    %mul3A_577 = arith.mulf %get3A_571, %get3A_576 : vector<16xf32>
    %add3A_578 = arith.addf %add3A_566, %mul3A_577 : vector<16xf32>
    %get3A_579 = arith.constant 7 : i32
    %get3A_580 = arith.index_cast %get3A_579 : i32 to index
    %get3A_581 = arith.constant 48 : index
    %get3A_582 = tpu.vector_load %arg10[%get3A_580, %get3A_581] {strides = array<i32>} : memref<8x128xf32, #tpu.memory_space<vmem>>, vector<1x16xf32>,
    %get3A_583 = vector.shape_cast %get3A_582 : vector<1x16xf32> to vector<16xf32>
    %get3A_584 = arith.constant 7 : i32
    %get3A_585 = arith.index_cast %get3A_584 : i32 to index
    %get3A_586 = arith.constant 48 : index
    %get3A_587 = tpu.vector_load %arg11[%get3A_585, %get3A_586] {strides = array<i32>} : memref<8x128xf32, #tpu.memory_space<vmem>>, vector<1x16xf32>,
    %get3A_588 = vector.shape_cast %get3A_587 : vector<1x16xf32> to vector<16xf32>
    %mul3A_589 = arith.mulf %get3A_583, %get3A_588 : vector<16xf32>
    %add3A_590 = arith.addf %add3A_578, %mul3A_589 : vector<16xf32>
    %swap3A_591 = arith.constant 48 : index
    %swap3A_592 = tpu.vector_load %arg12[%swap3A_591] {strides = array<i32>} : memref<128xf32, #tpu.memory_space<vmem>>, vector<16xf32>,
    %swap3A_593 = vector.shape_cast %swap3A_592 : vector<16xf32> to vector<16xf32>
    %swap3A_594 = vector.shape_cast %add3A_590 : vector<16xf32> to vector<16xf32>
    tpu.vector_store %arg12[%swap3A_591], %swap3A_594 {strides = array<i32>} : memref<128xf32, #tpu.memory_space<vmem>>, vector<16xf32>,
    %get3A_595 = arith.constant 0 : i32
    %get3A_596 = arith.index_cast %get3A_595 : i32 to index
    %get3A_597 = arith.constant 64 : index
    %get3A_598 = tpu.vector_load %arg10[%get3A_596, %get3A_597] {strides = array<i32>} : memref<8x128xf32, #tpu.memory_space<vmem>>, vector<1x16xf32>,
    %get3A_599 = vector.shape_cast %get3A_598 : vector<1x16xf32> to vector<16xf32>
    %get3A_600 = arith.constant 0 : i32
    %get3A_601 = arith.index_cast %get3A_600 : i32 to index
    %get3A_602 = arith.constant 64 : index
    %get3A_603 = tpu.vector_load %arg11[%get3A_601, %get3A_602] {strides = array<i32>} : memref<8x128xf32, #tpu.memory_space<vmem>>, vector<1x16xf32>,
    %get3A_604 = vector.shape_cast %get3A_603 : vector<1x16xf32> to vector<16xf32>
    %mul3A_605 = arith.mulf %get3A_599, %get3A_604 : vector<16xf32>
    %get3A_606 = arith.constant 1 : i32
    %get3A_607 = arith.index_cast %get3A_606 : i32 to index
    %get3A_608 = arith.constant 64 : index
    %get3A_609 = tpu.vector_load %arg10[%get3A_607, %get3A_608] {strides = array<i32>} : memref<8x128xf32, #tpu.memory_space<vmem>>, vector<1x16xf32>,
    %get3A_610 = vector.shape_cast %get3A_609 : vector<1x16xf32> to vector<16xf32>
    %get3A_611 = arith.constant 1 : i32
    %get3A_612 = arith.index_cast %get3A_611 : i32 to index
    %get3A_613 = arith.constant 64 : index
    %get3A_614 = tpu.vector_load %arg11[%get3A_612, %get3A_613] {strides = array<i32>} : memref<8x128xf32, #tpu.memory_space<vmem>>, vector<1x16xf32>,
    %get3A_615 = vector.shape_cast %get3A_614 : vector<1x16xf32> to vector<16xf32>
    %mul3A_616 = arith.mulf %get3A_610, %get3A_615 : vector<16xf32>
    %add3A_617 = arith.addf %mul3A_605, %mul3A_616 : vector<16xf32>
    %get3A_618 = arith.constant 2 : i32
    %get3A_619 = arith.index_cast %get3A_618 : i32 to index
    %get3A_620 = arith.constant 64 : index
    %get3A_621 = tpu.vector_load %arg10[%get3A_619, %get3A_620] {strides = array<i32>} : memref<8x128xf32, #tpu.memory_space<vmem>>, vector<1x16xf32>,
    %get3A_622 = vector.shape_cast %get3A_621 : vector<1x16xf32> to vector<16xf32>
    %get3A_623 = arith.constant 2 : i32
    %get3A_624 = arith.index_cast %get3A_623 : i32 to index
    %get3A_625 = arith.constant 64 : index
    %get3A_626 = tpu.vector_load %arg11[%get3A_624, %get3A_625] {strides = array<i32>} : memref<8x128xf32, #tpu.memory_space<vmem>>, vector<1x16xf32>,
    %get3A_627 = vector.shape_cast %get3A_626 : vector<1x16xf32> to vector<16xf32>
    %mul3A_628 = arith.mulf %get3A_622, %get3A_627 : vector<16xf32>
    %add3A_629 = arith.addf %add3A_617, %mul3A_628 : vector<16xf32>
    %get3A_630 = arith.constant 3 : i32
    %get3A_631 = arith.index_cast %get3A_630 : i32 to index
    %get3A_632 = arith.constant 64 : index
    %get3A_633 = tpu.vector_load %arg10[%get3A_631, %get3A_632] {strides = array<i32>} : memref<8x128xf32, #tpu.memory_space<vmem>>, vector<1x16xf32>,
    %get3A_634 = vector.shape_cast %get3A_633 : vector<1x16xf32> to vector<16xf32>
    %get3A_635 = arith.constant 3 : i32
    %get3A_636 = arith.index_cast %get3A_635 : i32 to index
    %get3A_637 = arith.constant 64 : index
    %get3A_638 = tpu.vector_load %arg11[%get3A_636, %get3A_637] {strides = array<i32>} : memref<8x128xf32, #tpu.memory_space<vmem>>, vector<1x16xf32>,
    %get3A_639 = vector.shape_cast %get3A_638 : vector<1x16xf32> to vector<16xf32>
    %mul3A_640 = arith.mulf %get3A_634, %get3A_639 : vector<16xf32>
    %add3A_641 = arith.addf %add3A_629, %mul3A_640 : vector<16xf32>
    %get3A_642 = arith.constant 4 : i32
    %get3A_643 = arith.index_cast %get3A_642 : i32 to index
    %get3A_644 = arith.constant 64 : index
    %get3A_645 = tpu.vector_load %arg10[%get3A_643, %get3A_644] {strides = array<i32>} : memref<8x128xf32, #tpu.memory_space<vmem>>, vector<1x16xf32>,
    %get3A_646 = vector.shape_cast %get3A_645 : vector<1x16xf32> to vector<16xf32>
    %get3A_647 = arith.constant 4 : i32
    %get3A_648 = arith.index_cast %get3A_647 : i32 to index
    %get3A_649 = arith.constant 64 : index
    %get3A_650 = tpu.vector_load %arg11[%get3A_648, %get3A_649] {strides = array<i32>} : memref<8x128xf32, #tpu.memory_space<vmem>>, vector<1x16xf32>,
    %get3A_651 = vector.shape_cast %get3A_650 : vector<1x16xf32> to vector<16xf32>
    %mul3A_652 = arith.mulf %get3A_646, %get3A_651 : vector<16xf32>
    %add3A_653 = arith.addf %add3A_641, %mul3A_652 : vector<16xf32>
    %get3A_654 = arith.constant 5 : i32
    %get3A_655 = arith.index_cast %get3A_654 : i32 to index
    %get3A_656 = arith.constant 64 : index
    %get3A_657 = tpu.vector_load %arg10[%get3A_655, %get3A_656] {strides = array<i32>} : memref<8x128xf32, #tpu.memory_space<vmem>>, vector<1x16xf32>,
    %get3A_658 = vector.shape_cast %get3A_657 : vector<1x16xf32> to vector<16xf32>
    %get3A_659 = arith.constant 5 : i32
    %get3A_660 = arith.index_cast %get3A_659 : i32 to index
    %get3A_661 = arith.constant 64 : index
    %get3A_662 = tpu.vector_load %arg11[%get3A_660, %get3A_661] {strides = array<i32>} : memref<8x128xf32, #tpu.memory_space<vmem>>, vector<1x16xf32>,
    %get3A_663 = vector.shape_cast %get3A_662 : vector<1x16xf32> to vector<16xf32>
    %mul3A_664 = arith.mulf %get3A_658, %get3A_663 : vector<16xf32>
    %add3A_665 = arith.addf %add3A_653, %mul3A_664 : vector<16xf32>
    %get3A_666 = arith.constant 6 : i32
    %get3A_667 = arith.index_cast %get3A_666 : i32 to index
    %get3A_668 = arith.constant 64 : index
    %get3A_669 = tpu.vector_load %arg10[%get3A_667, %get3A_668] {strides = array<i32>} : memref<8x128xf32, #tpu.memory_space<vmem>>, vector<1x16xf32>,
    %get3A_670 = vector.shape_cast %get3A_669 : vector<1x16xf32> to vector<16xf32>
    %get3A_671 = arith.constant 6 : i32
    %get3A_672 = arith.index_cast %get3A_671 : i32 to index
    %get3A_673 = arith.constant 64 : index
    %get3A_674 = tpu.vector_load %arg11[%get3A_672, %get3A_673] {strides = array<i32>} : memref<8x128xf32, #tpu.memory_space<vmem>>, vector<1x16xf32>,
    %get3A_675 = vector.shape_cast %get3A_674 : vector<1x16xf32> to vector<16xf32>
    %mul3A_676 = arith.mulf %get3A_670, %get3A_675 : vector<16xf32>
    %add3A_677 = arith.addf %add3A_665, %mul3A_676 : vector<16xf32>
    %get3A_678 = arith.constant 7 : i32
    %get3A_679 = arith.index_cast %get3A_678 : i32 to index
    %get3A_680 = arith.constant 64 : index
    %get3A_681 = tpu.vector_load %arg10[%get3A_679, %get3A_680] {strides = array<i32>} : memref<8x128xf32, #tpu.memory_space<vmem>>, vector<1x16xf32>,
    %get3A_682 = vector.shape_cast %get3A_681 : vector<1x16xf32> to vector<16xf32>
    %get3A_683 = arith.constant 7 : i32
    %get3A_684 = arith.index_cast %get3A_683 : i32 to index
    %get3A_685 = arith.constant 64 : index
    %get3A_686 = tpu.vector_load %arg11[%get3A_684, %get3A_685] {strides = array<i32>} : memref<8x128xf32, #tpu.memory_space<vmem>>, vector<1x16xf32>,
    %get3A_687 = vector.shape_cast %get3A_686 : vector<1x16xf32> to vector<16xf32>
    %mul3A_688 = arith.mulf %get3A_682, %get3A_687 : vector<16xf32>
    %add3A_689 = arith.addf %add3A_677, %mul3A_688 : vector<16xf32>
    %swap3A_690 = arith.constant 64 : index
    %swap3A_691 = tpu.vector_load %arg12[%swap3A_690] {strides = array<i32>} : memref<128xf32, #tpu.memory_space<vmem>>, vector<16xf32>,
    %swap3A_692 = vector.shape_cast %swap3A_691 : vector<16xf32> to vector<16xf32>
    %swap3A_693 = vector.shape_cast %add3A_689 : vector<16xf32> to vector<16xf32>
    tpu.vector_store %arg12[%swap3A_690], %swap3A_693 {strides = array<i32>} : memref<128xf32, #tpu.memory_space<vmem>>, vector<16xf32>,
    %get3A_694 = arith.constant 0 : i32
    %get3A_695 = arith.index_cast %get3A_694 : i32 to index
    %get3A_696 = arith.constant 80 : index
    %get3A_697 = tpu.vector_load %arg10[%get3A_695, %get3A_696] {strides = array<i32>} : memref<8x128xf32, #tpu.memory_space<vmem>>, vector<1x16xf32>,
    %get3A_698 = vector.shape_cast %get3A_697 : vector<1x16xf32> to vector<16xf32>
    %get3A_699 = arith.constant 0 : i32
    %get3A_700 = arith.index_cast %get3A_699 : i32 to index
    %get3A_701 = arith.constant 80 : index
    %get3A_702 = tpu.vector_load %arg11[%get3A_700, %get3A_701] {strides = array<i32>} : memref<8x128xf32, #tpu.memory_space<vmem>>, vector<1x16xf32>,
    %get3A_703 = vector.shape_cast %get3A_702 : vector<1x16xf32> to vector<16xf32>
    %mul3A_704 = arith.mulf %get3A_698, %get3A_703 : vector<16xf32>
    %get3A_705 = arith.constant 1 : i32
    %get3A_706 = arith.index_cast %get3A_705 : i32 to index
    %get3A_707 = arith.constant 80 : index
    %get3A_708 = tpu.vector_load %arg10[%get3A_706, %get3A_707] {strides = array<i32>} : memref<8x128xf32, #tpu.memory_space<vmem>>, vector<1x16xf32>,
    %get3A_709 = vector.shape_cast %get3A_708 : vector<1x16xf32> to vector<16xf32>
    %get3A_710 = arith.constant 1 : i32
    %get3A_711 = arith.index_cast %get3A_710 : i32 to index
    %get3A_712 = arith.constant 80 : index
    %get3A_713 = tpu.vector_load %arg11[%get3A_711, %get3A_712] {strides = array<i32>} : memref<8x128xf32, #tpu.memory_space<vmem>>, vector<1x16xf32>,
    %get3A_714 = vector.shape_cast %get3A_713 : vector<1x16xf32> to vector<16xf32>
    %mul3A_715 = arith.mulf %get3A_709, %get3A_714 : vector<16xf32>
    %add3A_716 = arith.addf %mul3A_704, %mul3A_715 : vector<16xf32>
    %get3A_717 = arith.constant 2 : i32
    %get3A_718 = arith.index_cast %get3A_717 : i32 to index
    %get3A_719 = arith.constant 80 : index
    %get3A_720 = tpu.vector_load %arg10[%get3A_718, %get3A_719] {strides = array<i32>} : memref<8x128xf32, #tpu.memory_space<vmem>>, vector<1x16xf32>,
    %get3A_721 = vector.shape_cast %get3A_720 : vector<1x16xf32> to vector<16xf32>
    %get3A_722 = arith.constant 2 : i32
    %get3A_723 = arith.index_cast %get3A_722 : i32 to index
    %get3A_724 = arith.constant 80 : index
    %get3A_725 = tpu.vector_load %arg11[%get3A_723, %get3A_724] {strides = array<i32>} : memref<8x128xf32, #tpu.memory_space<vmem>>, vector<1x16xf32>,
    %get3A_726 = vector.shape_cast %get3A_725 : vector<1x16xf32> to vector<16xf32>
    %mul3A_727 = arith.mulf %get3A_721, %get3A_726 : vector<16xf32>
    %add3A_728 = arith.addf %add3A_716, %mul3A_727 : vector<16xf32>
    %get3A_729 = arith.constant 3 : i32
    %get3A_730 = arith.index_cast %get3A_729 : i32 to index
    %get3A_731 = arith.constant 80 : index
    %get3A_732 = tpu.vector_load %arg10[%get3A_730, %get3A_731] {strides = array<i32>} : memref<8x128xf32, #tpu.memory_space<vmem>>, vector<1x16xf32>,
    %get3A_733 = vector.shape_cast %get3A_732 : vector<1x16xf32> to vector<16xf32>
    %get3A_734 = arith.constant 3 : i32
    %get3A_735 = arith.index_cast %get3A_734 : i32 to index
    %get3A_736 = arith.constant 80 : index
    %get3A_737 = tpu.vector_load %arg11[%get3A_735, %get3A_736] {strides = array<i32>} : memref<8x128xf32, #tpu.memory_space<vmem>>, vector<1x16xf32>,
    %get3A_738 = vector.shape_cast %get3A_737 : vector<1x16xf32> to vector<16xf32>
    %mul3A_739 = arith.mulf %get3A_733, %get3A_738 : vector<16xf32>
    %add3A_740 = arith.addf %add3A_728, %mul3A_739 : vector<16xf32>
    %get3A_741 = arith.constant 4 : i32
    %get3A_742 = arith.index_cast %get3A_741 : i32 to index
    %get3A_743 = arith.constant 80 : index
    %get3A_744 = tpu.vector_load %arg10[%get3A_742, %get3A_743] {strides = array<i32>} : memref<8x128xf32, #tpu.memory_space<vmem>>, vector<1x16xf32>,
    %get3A_745 = vector.shape_cast %get3A_744 : vector<1x16xf32> to vector<16xf32>
    %get3A_746 = arith.constant 4 : i32
    %get3A_747 = arith.index_cast %get3A_746 : i32 to index
    %get3A_748 = arith.constant 80 : index
    %get3A_749 = tpu.vector_load %arg11[%get3A_747, %get3A_748] {strides = array<i32>} : memref<8x128xf32, #tpu.memory_space<vmem>>, vector<1x16xf32>,
    %get3A_750 = vector.shape_cast %get3A_749 : vector<1x16xf32> to vector<16xf32>
    %mul3A_751 = arith.mulf %get3A_745, %get3A_750 : vector<16xf32>
    %add3A_752 = arith.addf %add3A_740, %mul3A_751 : vector<16xf32>
    %get3A_753 = arith.constant 5 : i32
    %get3A_754 = arith.index_cast %get3A_753 : i32 to index
    %get3A_755 = arith.constant 80 : index
    %get3A_756 = tpu.vector_load %arg10[%get3A_754, %get3A_755] {strides = array<i32>} : memref<8x128xf32, #tpu.memory_space<vmem>>, vector<1x16xf32>,
    %get3A_757 = vector.shape_cast %get3A_756 : vector<1x16xf32> to vector<16xf32>
    %get3A_758 = arith.constant 5 : i32
    %get3A_759 = arith.index_cast %get3A_758 : i32 to index
    %get3A_760 = arith.constant 80 : index
    %get3A_761 = tpu.vector_load %arg11[%get3A_759, %get3A_760] {strides = array<i32>} : memref<8x128xf32, #tpu.memory_space<vmem>>, vector<1x16xf32>,
    %get3A_762 = vector.shape_cast %get3A_761 : vector<1x16xf32> to vector<16xf32>
    %mul3A_763 = arith.mulf %get3A_757, %get3A_762 : vector<16xf32>
    %add3A_764 = arith.addf %add3A_752, %mul3A_763 : vector<16xf32>
    %get3A_765 = arith.constant 6 : i32
    %get3A_766 = arith.index_cast %get3A_765 : i32 to index
    %get3A_767 = arith.constant 80 : index
    %get3A_768 = tpu.vector_load %arg10[%get3A_766, %get3A_767] {strides = array<i32>} : memref<8x128xf32, #tpu.memory_space<vmem>>, vector<1x16xf32>,
    %get3A_769 = vector.shape_cast %get3A_768 : vector<1x16xf32> to vector<16xf32>
    %get3A_770 = arith.constant 6 : i32
    %get3A_771 = arith.index_cast %get3A_770 : i32 to index
    %get3A_772 = arith.constant 80 : index
    %get3A_773 = tpu.vector_load %arg11[%get3A_771, %get3A_772] {strides = array<i32>} : memref<8x128xf32, #tpu.memory_space<vmem>>, vector<1x16xf32>,
    %get3A_774 = vector.shape_cast %get3A_773 : vector<1x16xf32> to vector<16xf32>
    %mul3A_775 = arith.mulf %get3A_769, %get3A_774 : vector<16xf32>
    %add3A_776 = arith.addf %add3A_764, %mul3A_775 : vector<16xf32>
    %get3A_777 = arith.constant 7 : i32
    %get3A_778 = arith.index_cast %get3A_777 : i32 to index
    %get3A_779 = arith.constant 80 : index
    %get3A_780 = tpu.vector_load %arg10[%get3A_778, %get3A_779] {strides = array<i32>} : memref<8x128xf32, #tpu.memory_space<vmem>>, vector<1x16xf32>,
    %get3A_781 = vector.shape_cast %get3A_780 : vector<1x16xf32> to vector<16xf32>
    %get3A_782 = arith.constant 7 : i32
    %get3A_783 = arith.index_cast %get3A_782 : i32 to index
    %get3A_784 = arith.constant 80 : index
    %get3A_785 = tpu.vector_load %arg11[%get3A_783, %get3A_784] {strides = array<i32>} : memref<8x128xf32, #tpu.memory_space<vmem>>, vector<1x16xf32>,
    %get3A_786 = vector.shape_cast %get3A_785 : vector<1x16xf32> to vector<16xf32>
    %mul3A_787 = arith.mulf %get3A_781, %get3A_786 : vector<16xf32>
    %add3A_788 = arith.addf %add3A_776, %mul3A_787 : vector<16xf32>
    %swap3A_789 = arith.constant 80 : index
    %swap3A_790 = tpu.vector_load %arg12[%swap3A_789] {strides = array<i32>} : memref<128xf32, #tpu.memory_space<vmem>>, vector<16xf32>,
    %swap3A_791 = vector.shape_cast %swap3A_790 : vector<16xf32> to vector<16xf32>
    %swap3A_792 = vector.shape_cast %add3A_788 : vector<16xf32> to vector<16xf32>
    tpu.vector_store %arg12[%swap3A_789], %swap3A_792 {strides = array<i32>} : memref<128xf32, #tpu.memory_space<vmem>>, vector<16xf32>,
    %get3A_793 = arith.constant 0 : i32
    %get3A_794 = arith.index_cast %get3A_793 : i32 to index
    %get3A_795 = arith.constant 96 : index
    %get3A_796 = tpu.vector_load %arg10[%get3A_794, %get3A_795] {strides = array<i32>} : memref<8x128xf32, #tpu.memory_space<vmem>>, vector<1x16xf32>,
    %get3A_797 = vector.shape_cast %get3A_796 : vector<1x16xf32> to vector<16xf32>
    %get3A_798 = arith.constant 0 : i32
    %get3A_799 = arith.index_cast %get3A_798 : i32 to index
    %get3A_800 = arith.constant 96 : index
    %get3A_801 = tpu.vector_load %arg11[%get3A_799, %get3A_800] {strides = array<i32>} : memref<8x128xf32, #tpu.memory_space<vmem>>, vector<1x16xf32>,
    %get3A_802 = vector.shape_cast %get3A_801 : vector<1x16xf32> to vector<16xf32>
    %mul3A_803 = arith.mulf %get3A_797, %get3A_802 : vector<16xf32>
    %get3A_804 = arith.constant 1 : i32
    %get3A_805 = arith.index_cast %get3A_804 : i32 to index
    %get3A_806 = arith.constant 96 : index
    %get3A_807 = tpu.vector_load %arg10[%get3A_805, %get3A_806] {strides = array<i32>} : memref<8x128xf32, #tpu.memory_space<vmem>>, vector<1x16xf32>,
    %get3A_808 = vector.shape_cast %get3A_807 : vector<1x16xf32> to vector<16xf32>
    %get3A_809 = arith.constant 1 : i32
    %get3A_810 = arith.index_cast %get3A_809 : i32 to index
    %get3A_811 = arith.constant 96 : index
    %get3A_812 = tpu.vector_load %arg11[%get3A_810, %get3A_811] {strides = array<i32>} : memref<8x128xf32, #tpu.memory_space<vmem>>, vector<1x16xf32>,
    %get3A_813 = vector.shape_cast %get3A_812 : vector<1x16xf32> to vector<16xf32>
    %mul3A_814 = arith.mulf %get3A_808, %get3A_813 : vector<16xf32>
    %add3A_815 = arith.addf %mul3A_803, %mul3A_814 : vector<16xf32>
    %get3A_816 = arith.constant 2 : i32
    %get3A_817 = arith.index_cast %get3A_816 : i32 to index
    %get3A_818 = arith.constant 96 : index
    %get3A_819 = tpu.vector_load %arg10[%get3A_817, %get3A_818] {strides = array<i32>} : memref<8x128xf32, #tpu.memory_space<vmem>>, vector<1x16xf32>,
    %get3A_820 = vector.shape_cast %get3A_819 : vector<1x16xf32> to vector<16xf32>
    %get3A_821 = arith.constant 2 : i32
    %get3A_822 = arith.index_cast %get3A_821 : i32 to index
    %get3A_823 = arith.constant 96 : index
    %get3A_824 = tpu.vector_load %arg11[%get3A_822, %get3A_823] {strides = array<i32>} : memref<8x128xf32, #tpu.memory_space<vmem>>, vector<1x16xf32>,
    %get3A_825 = vector.shape_cast %get3A_824 : vector<1x16xf32> to vector<16xf32>
    %mul3A_826 = arith.mulf %get3A_820, %get3A_825 : vector<16xf32>
    %add3A_827 = arith.addf %add3A_815, %mul3A_826 : vector<16xf32>
    %get3A_828 = arith.constant 3 : i32
    %get3A_829 = arith.index_cast %get3A_828 : i32 to index
    %get3A_830 = arith.constant 96 : index
    %get3A_831 = tpu.vector_load %arg10[%get3A_829, %get3A_830] {strides = array<i32>} : memref<8x128xf32, #tpu.memory_space<vmem>>, vector<1x16xf32>,
    %get3A_832 = vector.shape_cast %get3A_831 : vector<1x16xf32> to vector<16xf32>
    %get3A_833 = arith.constant 3 : i32
    %get3A_834 = arith.index_cast %get3A_833 : i32 to index
    %get3A_835 = arith.constant 96 : index
    %get3A_836 = tpu.vector_load %arg11[%get3A_834, %get3A_835] {strides = array<i32>} : memref<8x128xf32, #tpu.memory_space<vmem>>, vector<1x16xf32>,
    %get3A_837 = vector.shape_cast %get3A_836 : vector<1x16xf32> to vector<16xf32>
    %mul3A_838 = arith.mulf %get3A_832, %get3A_837 : vector<16xf32>
    %add3A_839 = arith.addf %add3A_827, %mul3A_838 : vector<16xf32>
    %get3A_840 = arith.constant 4 : i32
    %get3A_841 = arith.index_cast %get3A_840 : i32 to index
    %get3A_842 = arith.constant 96 : index
    %get3A_843 = tpu.vector_load %arg10[%get3A_841, %get3A_842] {strides = array<i32>} : memref<8x128xf32, #tpu.memory_space<vmem>>, vector<1x16xf32>,
    %get3A_844 = vector.shape_cast %get3A_843 : vector<1x16xf32> to vector<16xf32>
    %get3A_845 = arith.constant 4 : i32
    %get3A_846 = arith.index_cast %get3A_845 : i32 to index
    %get3A_847 = arith.constant 96 : index
    %get3A_848 = tpu.vector_load %arg11[%get3A_846, %get3A_847] {strides = array<i32>} : memref<8x128xf32, #tpu.memory_space<vmem>>, vector<1x16xf32>,
    %get3A_849 = vector.shape_cast %get3A_848 : vector<1x16xf32> to vector<16xf32>
    %mul3A_850 = arith.mulf %get3A_844, %get3A_849 : vector<16xf32>
    %add3A_851 = arith.addf %add3A_839, %mul3A_850 : vector<16xf32>
    %get3A_852 = arith.constant 5 : i32
    %get3A_853 = arith.index_cast %get3A_852 : i32 to index
    %get3A_854 = arith.constant 96 : index
    %get3A_855 = tpu.vector_load %arg10[%get3A_853, %get3A_854] {strides = array<i32>} : memref<8x128xf32, #tpu.memory_space<vmem>>, vector<1x16xf32>,
    %get3A_856 = vector.shape_cast %get3A_855 : vector<1x16xf32> to vector<16xf32>
    %get3A_857 = arith.constant 5 : i32
    %get3A_858 = arith.index_cast %get3A_857 : i32 to index
    %get3A_859 = arith.constant 96 : index
    %get3A_860 = tpu.vector_load %arg11[%get3A_858, %get3A_859] {strides = array<i32>} : memref<8x128xf32, #tpu.memory_space<vmem>>, vector<1x16xf32>,
    %get3A_861 = vector.shape_cast %get3A_860 : vector<1x16xf32> to vector<16xf32>
    %mul3A_862 = arith.mulf %get3A_856, %get3A_861 : vector<16xf32>
    %add3A_863 = arith.addf %add3A_851, %mul3A_862 : vector<16xf32>
    %get3A_864 = arith.constant 6 : i32
    %get3A_865 = arith.index_cast %get3A_864 : i32 to index
    %get3A_866 = arith.constant 96 : index
    %get3A_867 = tpu.vector_load %arg10[%get3A_865, %get3A_866] {strides = array<i32>} : memref<8x128xf32, #tpu.memory_space<vmem>>, vector<1x16xf32>,
    %get3A_868 = vector.shape_cast %get3A_867 : vector<1x16xf32> to vector<16xf32>
    %get3A_869 = arith.constant 6 : i32
    %get3A_870 = arith.index_cast %get3A_869 : i32 to index
    %get3A_871 = arith.constant 96 : index
    %get3A_872 = tpu.vector_load %arg11[%get3A_870, %get3A_871] {strides = array<i32>} : memref<8x128xf32, #tpu.memory_space<vmem>>, vector<1x16xf32>,
    %get3A_873 = vector.shape_cast %get3A_872 : vector<1x16xf32> to vector<16xf32>
    %mul3A_874 = arith.mulf %get3A_868, %get3A_873 : vector<16xf32>
    %add3A_875 = arith.addf %add3A_863, %mul3A_874 : vector<16xf32>
    %get3A_876 = arith.constant 7 : i32
    %get3A_877 = arith.index_cast %get3A_876 : i32 to index
    %get3A_878 = arith.constant 96 : index
    %get3A_879 = tpu.vector_load %arg10[%get3A_877, %get3A_878] {strides = array<i32>} : memref<8x128xf32, #tpu.memory_space<vmem>>, vector<1x16xf32>,
    %get3A_880 = vector.shape_cast %get3A_879 : vector<1x16xf32> to vector<16xf32>
    %get3A_881 = arith.constant 7 : i32
    %get3A_882 = arith.index_cast %get3A_881 : i32 to index
    %get3A_883 = arith.constant 96 : index
    %get3A_884 = tpu.vector_load %arg11[%get3A_882, %get3A_883] {strides = array<i32>} : memref<8x128xf32, #tpu.memory_space<vmem>>, vector<1x16xf32>,
    %get3A_885 = vector.shape_cast %get3A_884 : vector<1x16xf32> to vector<16xf32>
    %mul3A_886 = arith.mulf %get3A_880, %get3A_885 : vector<16xf32>
    %add3A_887 = arith.addf %add3A_875, %mul3A_886 : vector<16xf32>
    %swap3A_888 = arith.constant 96 : index
    %swap3A_889 = tpu.vector_load %arg12[%swap3A_888] {strides = array<i32>} : memref<128xf32, #tpu.memory_space<vmem>>, vector<16xf32>,
    %swap3A_890 = vector.shape_cast %swap3A_889 : vector<16xf32> to vector<16xf32>
    %swap3A_891 = vector.shape_cast %add3A_887 : vector<16xf32> to vector<16xf32>
    tpu.vector_store %arg12[%swap3A_888], %swap3A_891 {strides = array<i32>} : memref<128xf32, #tpu.memory_space<vmem>>, vector<16xf32>,
    %get3A_892 = arith.constant 0 : i32
    %get3A_893 = arith.index_cast %get3A_892 : i32 to index
    %get3A_894 = arith.constant 112 : index
    %get3A_895 = tpu.vector_load %arg10[%get3A_893, %get3A_894] {strides = array<i32>} : memref<8x128xf32, #tpu.memory_space<vmem>>, vector<1x16xf32>,
    %get3A_896 = vector.shape_cast %get3A_895 : vector<1x16xf32> to vector<16xf32>
    %get3A_897 = arith.constant 0 : i32
    %get3A_898 = arith.index_cast %get3A_897 : i32 to index
    %get3A_899 = arith.constant 112 : index
    %get3A_900 = tpu.vector_load %arg11[%get3A_898, %get3A_899] {strides = array<i32>} : memref<8x128xf32, #tpu.memory_space<vmem>>, vector<1x16xf32>,
    %get3A_901 = vector.shape_cast %get3A_900 : vector<1x16xf32> to vector<16xf32>
    %mul3A_902 = arith.mulf %get3A_896, %get3A_901 : vector<16xf32>
    %get3A_903 = arith.constant 1 : i32
    %get3A_904 = arith.index_cast %get3A_903 : i32 to index
    %get3A_905 = arith.constant 112 : index
    %get3A_906 = tpu.vector_load %arg10[%get3A_904, %get3A_905] {strides = array<i32>} : memref<8x128xf32, #tpu.memory_space<vmem>>, vector<1x16xf32>,
    %get3A_907 = vector.shape_cast %get3A_906 : vector<1x16xf32> to vector<16xf32>
    %get3A_908 = arith.constant 1 : i32
    %get3A_909 = arith.index_cast %get3A_908 : i32 to index
    %get3A_910 = arith.constant 112 : index
    %get3A_911 = tpu.vector_load %arg11[%get3A_909, %get3A_910] {strides = array<i32>} : memref<8x128xf32, #tpu.memory_space<vmem>>, vector<1x16xf32>,
    %get3A_912 = vector.shape_cast %get3A_911 : vector<1x16xf32> to vector<16xf32>
    %mul3A_913 = arith.mulf %get3A_907, %get3A_912 : vector<16xf32>
    %add3A_914 = arith.addf %mul3A_902, %mul3A_913 : vector<16xf32>
    %get3A_915 = arith.constant 2 : i32
    %get3A_916 = arith.index_cast %get3A_915 : i32 to index
    %get3A_917 = arith.constant 112 : index
    %get3A_918 = tpu.vector_load %arg10[%get3A_916, %get3A_917] {strides = array<i32>} : memref<8x128xf32, #tpu.memory_space<vmem>>, vector<1x16xf32>,
    %get3A_919 = vector.shape_cast %get3A_918 : vector<1x16xf32> to vector<16xf32>
    %get3A_920 = arith.constant 2 : i32
    %get3A_921 = arith.index_cast %get3A_920 : i32 to index
    %get3A_922 = arith.constant 112 : index
    %get3A_923 = tpu.vector_load %arg11[%get3A_921, %get3A_922] {strides = array<i32>} : memref<8x128xf32, #tpu.memory_space<vmem>>, vector<1x16xf32>,
    %get3A_924 = vector.shape_cast %get3A_923 : vector<1x16xf32> to vector<16xf32>
    %mul3A_925 = arith.mulf %get3A_919, %get3A_924 : vector<16xf32>
    %add3A_926 = arith.addf %add3A_914, %mul3A_925 : vector<16xf32>
    %get3A_927 = arith.constant 3 : i32
    %get3A_928 = arith.index_cast %get3A_927 : i32 to index
    %get3A_929 = arith.constant 112 : index
    %get3A_930 = tpu.vector_load %arg10[%get3A_928, %get3A_929] {strides = array<i32>} : memref<8x128xf32, #tpu.memory_space<vmem>>, vector<1x16xf32>,
    %get3A_931 = vector.shape_cast %get3A_930 : vector<1x16xf32> to vector<16xf32>
    %get3A_932 = arith.constant 3 : i32
    %get3A_933 = arith.index_cast %get3A_932 : i32 to index
    %get3A_934 = arith.constant 112 : index
    %get3A_935 = tpu.vector_load %arg11[%get3A_933, %get3A_934] {strides = array<i32>} : memref<8x128xf32, #tpu.memory_space<vmem>>, vector<1x16xf32>,
    %get3A_936 = vector.shape_cast %get3A_935 : vector<1x16xf32> to vector<16xf32>
    %mul3A_937 = arith.mulf %get3A_931, %get3A_936 : vector<16xf32>
    %add3A_938 = arith.addf %add3A_926, %mul3A_937 : vector<16xf32>
    %get3A_939 = arith.constant 4 : i32
    %get3A_940 = arith.index_cast %get3A_939 : i32 to index
    %get3A_941 = arith.constant 112 : index
    %get3A_942 = tpu.vector_load %arg10[%get3A_940, %get3A_941] {strides = array<i32>} : memref<8x128xf32, #tpu.memory_space<vmem>>, vector<1x16xf32>,
    %get3A_943 = vector.shape_cast %get3A_942 : vector<1x16xf32> to vector<16xf32>
    %get3A_944 = arith.constant 4 : i32
    %get3A_945 = arith.index_cast %get3A_944 : i32 to index
    %get3A_946 = arith.constant 112 : index
    %get3A_947 = tpu.vector_load %arg11[%get3A_945, %get3A_946] {strides = array<i32>} : memref<8x128xf32, #tpu.memory_space<vmem>>, vector<1x16xf32>,
    %get3A_948 = vector.shape_cast %get3A_947 : vector<1x16xf32> to vector<16xf32>
    %mul3A_949 = arith.mulf %get3A_943, %get3A_948 : vector<16xf32>
    %add3A_950 = arith.addf %add3A_938, %mul3A_949 : vector<16xf32>
    %get3A_951 = arith.constant 5 : i32
    %get3A_952 = arith.index_cast %get3A_951 : i32 to index
    %get3A_953 = arith.constant 112 : index
    %get3A_954 = tpu.vector_load %arg10[%get3A_952, %get3A_953] {strides = array<i32>} : memref<8x128xf32, #tpu.memory_space<vmem>>, vector<1x16xf32>,
    %get3A_955 = vector.shape_cast %get3A_954 : vector<1x16xf32> to vector<16xf32>
    %get3A_956 = arith.constant 5 : i32
    %get3A_957 = arith.index_cast %get3A_956 : i32 to index
    %get3A_958 = arith.constant 112 : index
    %get3A_959 = tpu.vector_load %arg11[%get3A_957, %get3A_958] {strides = array<i32>} : memref<8x128xf32, #tpu.memory_space<vmem>>, vector<1x16xf32>,
    %get3A_960 = vector.shape_cast %get3A_959 : vector<1x16xf32> to vector<16xf32>
    %mul3A_961 = arith.mulf %get3A_955, %get3A_960 : vector<16xf32>
    %add3A_962 = arith.addf %add3A_950, %mul3A_961 : vector<16xf32>
    %get3A_963 = arith.constant 6 : i32
    %get3A_964 = arith.index_cast %get3A_963 : i32 to index
    %get3A_965 = arith.constant 112 : index
    %get3A_966 = tpu.vector_load %arg10[%get3A_964, %get3A_965] {strides = array<i32>} : memref<8x128xf32, #tpu.memory_space<vmem>>, vector<1x16xf32>,
    %get3A_967 = vector.shape_cast %get3A_966 : vector<1x16xf32> to vector<16xf32>
    %get3A_968 = arith.constant 6 : i32
    %get3A_969 = arith.index_cast %get3A_968 : i32 to index
    %get3A_970 = arith.constant 112 : index
    %get3A_971 = tpu.vector_load %arg11[%get3A_969, %get3A_970] {strides = array<i32>} : memref<8x128xf32, #tpu.memory_space<vmem>>, vector<1x16xf32>,
    %get3A_972 = vector.shape_cast %get3A_971 : vector<1x16xf32> to vector<16xf32>
    %mul3A_973 = arith.mulf %get3A_967, %get3A_972 : vector<16xf32>
    %add3A_974 = arith.addf %add3A_962, %mul3A_973 : vector<16xf32>
    %get3A_975 = arith.constant 7 : i32
    %get3A_976 = arith.index_cast %get3A_975 : i32 to index
    %get3A_977 = arith.constant 112 : index
    %get3A_978 = tpu.vector_load %arg10[%get3A_976, %get3A_977] {strides = array<i32>} : memref<8x128xf32, #tpu.memory_space<vmem>>, vector<1x16xf32>,
    %get3A_979 = vector.shape_cast %get3A_978 : vector<1x16xf32> to vector<16xf32>
    %get3A_980 = arith.constant 7 : i32
    %get3A_981 = arith.index_cast %get3A_980 : i32 to index
    %get3A_982 = arith.constant 112 : index
    %get3A_983 = tpu.vector_load %arg11[%get3A_981, %get3A_982] {strides = array<i32>} : memref<8x128xf32, #tpu.memory_space<vmem>>, vector<1x16xf32>,
    %get3A_984 = vector.shape_cast %get3A_983 : vector<1x16xf32> to vector<16xf32>
    %mul3A_985 = arith.mulf %get3A_979, %get3A_984 : vector<16xf32>
    %add3A_986 = arith.addf %add3A_974, %mul3A_985 : vector<16xf32>
    %swap3A_987 = arith.constant 112 : index
    %swap3A_988 = tpu.vector_load %arg12[%swap3A_987] {strides = array<i32>} : memref<128xf32, #tpu.memory_space<vmem>>, vector<16xf32>,
    %swap3A_989 = vector.shape_cast %swap3A_988 : vector<16xf32> to vector<16xf32>
    %swap3A_990 = vector.shape_cast %add3A_986 : vector<16xf32> to vector<16xf32>
    tpu.vector_store %arg12[%swap3A_987], %swap3A_990 {strides = array<i32>} : memref<128xf32, #tpu.memory_space<vmem>>, vector<16xf32>,
    "tpu.region"() ({
      %run_scoped3A = tpu.sem_alloc : memref<!tpu.dma_semaphore, #tpu.memory_space<semaphore_mem>>
      %dma_start3A_991 = tpu.memref_slice %arg6[%mul3A_2] : memref<4096xf32, #tpu.memory_space<hbm>> -> memref<128xf32, #tpu.memory_space<hbm>>
      %dma_start3A_992 = tpu.memref_slice %arg6[%mul3A_2] : memref<4096xf32, #tpu.memory_space<hbm>> -> memref<128xf32, #tpu.memory_space<hbm>>
      tpu.enqueue_dma source(%arg12 : memref<128xf32, #tpu.memory_space<vmem>>) target(%dma_start3A_992 : memref<128xf32, #tpu.memory_space<hbm>>) target_semaphore(%run_scoped3A : memref<!tpu.dma_semaphore, #tpu.memory_space<semaphore_mem>>)
      %dma_wait3A_993 = tpu.memref_slice %arg6[%mul3A_2] : memref<4096xf32, #tpu.memory_space<hbm>> -> memref<128xf32, #tpu.memory_space<hbm>>
      %dma_wait3A_994 = tpu.memref_slice %arg6[%mul3A_2] : memref<4096xf32, #tpu.memory_space<hbm>> -> memref<128xf32, #tpu.memory_space<hbm>>
      tpu.wait_dma2 semaphore(%run_scoped3A : memref<!tpu.dma_semaphore, #tpu.memory_space<semaphore_mem>>) src(%arg12 : memref<128xf32, #tpu.memory_space<vmem>>) dst(%dma_wait3A_994 : memref<128xf32, #tpu.memory_space<hbm>>)
      tpu.yield
    }) : () -> ()
    return
  }
}

module attributes {stable_mosaic.version = 14 : i64} {
  func.func @_combine_body(%arg0: memref<4096xf32, #tpu.memory_space<vmem>>, %arg1: memref<4096xf32, #tpu.memory_space<vmem>>, %arg2: memref<4096xf32, #tpu.memory_space<vmem>>) attributes {dimension_semantics = [], scalar_prefetch = 0 : i64, scratch_operands = 0 : i64, tpu.core_type = #tpu.core_type<tc>} {
    %get3A = arith.constant 0 : index
    %get3A_0 = vector.load %arg0[%get3A] : memref<4096xf32, #tpu.memory_space<vmem>>, vector<4096xf32>
    %max3A = arith.constant 0.000000e+00 : f32
    %max3A_1 = vector.broadcast %max3A : f32 to vector<4096xf32>
    %max3A_2 = arith.maximumf %get3A_0, %max3A_1 : vector<4096xf32>
    %abs3A = math.absf %get3A_0 : vector<4096xf32>
    %neg3A = arith.constant 0.000000e+00 : f32
    %neg3A_3 = vector.broadcast %neg3A : f32 to vector<4096xf32>
    %neg3A_4 = arith.subf %neg3A_3, %abs3A : vector<4096xf32>
    %exp3A = math.exp %neg3A_4 : vector<4096xf32>
    %log1p3A = math.log1p %exp3A : vector<4096xf32>
    %add3A = arith.addf %max3A_2, %log1p3A : vector<4096xf32>
    %get3A_5 = arith.constant 0 : index
    %get3A_6 = vector.load %arg1[%get3A_5] : memref<4096xf32, #tpu.memory_space<vmem>>, vector<4096xf32>
    %add3A_7 = arith.addf %add3A, %get3A_6 : vector<4096xf32>
    %swap3A = arith.constant 0 : index
    %swap3A_8 = vector.load %arg2[%swap3A] : memref<4096xf32, #tpu.memory_space<vmem>>, vector<4096xf32>
    tpu.vector_store %arg2[%swap3A], %add3A_7 {strides = array<i32>} : memref<4096xf32, #tpu.memory_space<vmem>>, vector<4096xf32>,
    return
  }
}

module attributes {stable_mosaic.version = 14 : i64} {
  func.func @_tc_body(%arg0: i32, %arg1: memref<200x4096xf32, #tpu.memory_space<vmem>>, %arg2: memref<3x200x1024xf32, #tpu.memory_space<vmem>>, %arg3: memref<4096xf32, #tpu.memory_space<vmem>>, %arg4: memref<1x3xf32, #tpu.memory_space<smem>>, %arg5: memref<1xf32, #tpu.memory_space<smem>>, %arg6: memref<1x3xf32, #tpu.memory_space<smem>>, %arg7: memref<1xf32, #tpu.memory_space<smem>>, %arg8: memref<1024xf32, #tpu.memory_space<vmem>>, %arg9: memref<1xf32, #tpu.memory_space<smem>>, %arg10: memref<200x200xbf16, #tpu.memory_space<vmem>>) attributes {dimension_semantics = [#tpu.dimension_semantics<arbitrary>], iteration_bounds = array<i64: 5>, scalar_prefetch = 0 : i64, scratch_operands = 2 : i64, tpu.core_type = #tpu.core_type<tc>, window_params = [{pipeline_mode = #tpu.pipeline_mode<synchronous>, transform_indices = @transform_0, window_bounds = array<i64: 200, 4096>}, {transform_indices = @transform_1, window_bounds = array<i64: 3, 200, 1024>}, {pipeline_mode = #tpu.pipeline_mode<synchronous>, transform_indices = @transform_2, window_bounds = array<i64: 4096>}, {transform_indices = @transform_3, window_bounds = array<i64: 1, 3>}, {transform_indices = @transform_4, window_bounds = array<i64: 1>}, {transform_indices = @transform_5, window_bounds = array<i64: 1, 3>}, {transform_indices = @transform_6, window_bounds = array<i64: 1>}, {transform_indices = @transform_7, window_bounds = array<i64: 1024>}]} {
    %eq3A = arith.constant 0 : i32
    %eq3A_0 = arith.cmpi eq, %arg0, %eq3A : i32
    %convert_element_type3A = arith.extui %eq3A_0 : i1 to i32
    %cond3A = arith.constant 0 : i32
    %cond3A_1 = arith.cmpi ne, %convert_element_type3A, %cond3A : i32
    scf.if %cond3A_1 {
      %get3A = arith.constant 0 : index
      %get3A_6 = arith.constant 0 : index
      %get3A_7 = vector.load %arg1[%get3A, %get3A_6] : memref<200x4096xf32, #tpu.memory_space<vmem>>, vector<200x4096xf32>
      %get3A_8 = arith.constant 0 : index
      %get3A_9 = vector.load %arg3[%get3A_8] : memref<4096xf32, #tpu.memory_space<vmem>>, vector<4096xf32>
      %broadcast_in_dim3A = vector.shape_cast %get3A_9 : vector<4096xf32> to vector<1x4096xf32>
      %lt3A = vector.broadcast %broadcast_in_dim3A : vector<1x4096xf32> to vector<200x4096xf32>
      %lt3A_10 = arith.cmpf olt, %get3A_7, %lt3A : vector<200x4096xf32>
      %convert_element_type3A_11 = arith.extui %lt3A_10 : vector<200x4096xi1> to vector<200x4096xi32>
      %convert_element_type3A_12 = arith.sitofp %convert_element_type3A_11 : vector<200x4096xi32> to vector<200x4096xf32>
      %reduce_sum3A = arith.constant dense<0.000000e+00> : vector<4096xf32>
      %reduce_sum3A_13 = vector.multi_reduction <add>, %convert_element_type3A_12, %reduce_sum3A [0] : vector<200x4096xf32> to vector<4096xf32>
      %reduce_max3A = vector.shape_cast %reduce_sum3A_13 : vector<4096xf32> to vector<1x4096xf32>
      %reduce_max3A_14 = arith.constant dense<0xFF800000> : vector<1xf32>
      %reduce_max3A_15 = vector.multi_reduction <maximumf>, %reduce_max3A, %reduce_max3A_14 [1] : vector<1x4096xf32> to vector<1xf32>
      %reduce_max3A_16 = vector.shape_cast %reduce_max3A_15 : vector<1xf32> to vector<1x1xf32>
      %reduce_max3A_17 = vector.extract %reduce_max3A_16[0, 0] : f32 from vector<1x1xf32>
      %swap3A = arith.constant 0 : index
      %swap3A_18 = memref.load %arg9[%swap3A] : memref<1xf32, #tpu.memory_space<smem>>
      memref.store %reduce_max3A_17, %arg9[%swap3A] : memref<1xf32, #tpu.memory_space<smem>>
      %iota3A = tpu.iota {dimensions = array<i32: 0>} : vector<200x200xi32>
      %iota3A_19 = tpu.iota {dimensions = array<i32: 1>} : vector<200x200xi32>
      %le3A = arith.cmpi sle, %iota3A_19, %iota3A : vector<200x200xi32>
      %convert_element_type3A_20 = arith.extui %le3A : vector<200x200xi1> to vector<200x200xi32>
      %convert_element_type3A_21 = arith.sitofp %convert_element_type3A_20 : vector<200x200xi32> to vector<200x200xf32>
      %convert_element_type3A_22 = arith.truncf %convert_element_type3A_21 : vector<200x200xf32> to vector<200x200xbf16>
      %swap3A_23 = arith.constant 0 : index
      %swap3A_24 = arith.constant 0 : index
      %swap3A_25 = vector.load %arg10[%swap3A_23, %swap3A_24] : memref<200x200xbf16, #tpu.memory_space<vmem>>, vector<200x200xbf16>
      tpu.vector_store %arg10[%swap3A_23, %swap3A_24], %convert_element_type3A_22 {strides = array<i32>} : memref<200x200xbf16, #tpu.memory_space<vmem>>, vector<200x200xbf16>,
    } else {
    }
    %gt3A = arith.constant 0 : i32
    %gt3A_2 = arith.cmpi sgt, %arg0, %gt3A : i32
    %convert_element_type3A_3 = arith.extui %gt3A_2 : i1 to i32
    %cond3A_4 = arith.constant 0 : i32
    %cond3A_5 = arith.cmpi ne, %convert_element_type3A_3, %cond3A_4 : i32
    scf.if %cond3A_5 {
      %sub3A = arith.constant 1 : i32
      %sub3A_6 = arith.subi %arg0, %sub3A : i32
      %mul3A = arith.constant 1024 : i32
      %mul3A_7 = arith.muli %sub3A_6, %mul3A : i32
      %get3A = arith.constant 0 : index
      %get3A_8 = arith.index_cast %mul3A_7 : i32 to index
      %get3A_9 = vector.load %arg1[%get3A, %get3A_8] : memref<200x4096xf32, #tpu.memory_space<vmem>>, vector<200x1024xf32>
      %get3A_10 = arith.index_cast %mul3A_7 : i32 to index
      %get3A_11 = vector.load %arg3[%get3A_10] : memref<4096xf32, #tpu.memory_space<vmem>>, vector<1024xf32>
      %broadcast_in_dim3A = vector.shape_cast %get3A_11 : vector<1024xf32> to vector<1x1024xf32>
      %sub3A_12 = vector.broadcast %broadcast_in_dim3A : vector<1x1024xf32> to vector<200x1024xf32>
      %sub3A_13 = arith.subf %sub3A_12, %get3A_9 : vector<200x1024xf32>
      %gt3A_14 = arith.constant 0.000000e+00 : f32
      %gt3A_15 = vector.broadcast %gt3A_14 : f32 to vector<200x1024xf32>
      %gt3A_16 = arith.cmpf ogt, %sub3A_13, %gt3A_15 : vector<200x1024xf32>
      %convert_element_type3A_17 = arith.extui %gt3A_16 : vector<200x1024xi1> to vector<200x1024xi32>
      %convert_element_type3A_18 = arith.sitofp %convert_element_type3A_17 : vector<200x1024xi32> to vector<200x1024xf32>
      %convert_element_type3A_19 = arith.truncf %convert_element_type3A_18 : vector<200x1024xf32> to vector<200x1024xbf16>
      %get3A_20 = arith.constant 0 : index
      %get3A_21 = arith.constant 0 : index
      %get3A_22 = vector.load %arg10[%get3A_20, %get3A_21] : memref<200x200xbf16, #tpu.memory_space<vmem>>, vector<200x200xbf16>
      %dot_general3A = arith.constant dense<0.000000e+00> : vector<200x1024xf32>
      %dot_general3A_23 = tpu.matmul %get3A_22, %convert_element_type3A_19, %dot_general3A {dimension_numbers = #tpu.dot_dimension_numbers<[1], [0], [0], [1], [0, 0, 1, 1], [], []>, transpose_lhs_hint = false} : vector<200x200xbf16>, vector<200x1024xbf16>, vector<200x1024xf32> -> vector<200x1024xf32>
      %get3A_24 = arith.constant 0 : index
      %get3A_25 = memref.load %arg9[%get3A_24] : memref<1xf32, #tpu.memory_space<smem>>
      %sub3A_26 = arith.constant 5.000000e+01 : f32
      %sub3A_27 = arith.subf %get3A_25, %sub3A_26 : f32
      %gt3A_28 = vector.broadcast %sub3A_27 : f32 to vector<200x1024xf32>
      %gt3A_29 = arith.cmpf ogt, %dot_general3A_23, %gt3A_28 : vector<200x1024xf32>
      %and3A = arith.andi %gt3A_16, %gt3A_29 : vector<200x1024xi1>
      %get3A_30 = arith.constant 0 : index
      %get3A_31 = arith.constant 0 : index
      %get3A_32 = memref.load %arg4[%get3A_30, %get3A_31] : memref<1x3xf32, #tpu.memory_space<smem>>
      %get3A_33 = arith.constant 0 : index
      %get3A_34 = arith.constant 1 : index
      %get3A_35 = memref.load %arg4[%get3A_33, %get3A_34] : memref<1x3xf32, #tpu.memory_space<smem>>
      %get3A_36 = arith.constant 0 : index
      %get3A_37 = arith.constant 2 : index
      %get3A_38 = memref.load %arg4[%get3A_36, %get3A_37] : memref<1x3xf32, #tpu.memory_space<smem>>
      %get3A_39 = arith.constant 0 : index
      %get3A_40 = arith.constant 0 : index
      %get3A_41 = memref.load %arg6[%get3A_39, %get3A_40] : memref<1x3xf32, #tpu.memory_space<smem>>
      %get3A_42 = arith.constant 0 : index
      %get3A_43 = arith.constant 1 : index
      %get3A_44 = memref.load %arg6[%get3A_42, %get3A_43] : memref<1x3xf32, #tpu.memory_space<smem>>
      %get3A_45 = arith.constant 0 : index
      %get3A_46 = arith.constant 2 : index
      %get3A_47 = memref.load %arg6[%get3A_45, %get3A_46] : memref<1x3xf32, #tpu.memory_space<smem>>
      %get3A_48 = arith.constant 0 : index
      %get3A_49 = arith.constant 0 : index
      %get3A_50 = arith.constant 0 : index
      %get3A_51 = vector.load %arg2[%get3A_48, %get3A_49, %get3A_50] : memref<3x200x1024xf32, #tpu.memory_space<vmem>>, vector<1x200x1024xf32>
      %get3A_52 = vector.shape_cast %get3A_51 : vector<1x200x1024xf32> to vector<200x1024xf32>
      %get3A_53 = arith.constant 1 : index
      %get3A_54 = arith.constant 0 : index
      %get3A_55 = arith.constant 0 : index
      %get3A_56 = vector.load %arg2[%get3A_53, %get3A_54, %get3A_55] : memref<3x200x1024xf32, #tpu.memory_space<vmem>>, vector<1x200x1024xf32>
      %get3A_57 = vector.shape_cast %get3A_56 : vector<1x200x1024xf32> to vector<200x1024xf32>
      %get3A_58 = arith.constant 2 : index
      %get3A_59 = arith.constant 0 : index
      %get3A_60 = arith.constant 0 : index
      %get3A_61 = vector.load %arg2[%get3A_58, %get3A_59, %get3A_60] : memref<3x200x1024xf32, #tpu.memory_space<vmem>>, vector<1x200x1024xf32>
      %get3A_62 = vector.shape_cast %get3A_61 : vector<1x200x1024xf32> to vector<200x1024xf32>
      %mul3A_63 = vector.broadcast %get3A_32 : f32 to vector<200x1024xf32>
      %mul3A_64 = arith.mulf %get3A_52, %mul3A_63 : vector<200x1024xf32>
      %mul3A_65 = vector.broadcast %get3A_35 : f32 to vector<200x1024xf32>
      %mul3A_66 = arith.mulf %get3A_57, %mul3A_65 : vector<200x1024xf32>
      %add3A = arith.addf %mul3A_64, %mul3A_66 : vector<200x1024xf32>
      %mul3A_67 = vector.broadcast %get3A_38 : f32 to vector<200x1024xf32>
      %mul3A_68 = arith.mulf %get3A_62, %mul3A_67 : vector<200x1024xf32>
      %add3A_69 = arith.addf %add3A, %mul3A_68 : vector<200x1024xf32>
      %get3A_70 = arith.constant 0 : index
      %get3A_71 = memref.load %arg5[%get3A_70] : memref<1xf32, #tpu.memory_space<smem>>
      %add3A_72 = vector.broadcast %get3A_71 : f32 to vector<200x1024xf32>
      %add3A_73 = arith.addf %add3A_69, %add3A_72 : vector<200x1024xf32>
      %mul3A_74 = vector.broadcast %get3A_41 : f32 to vector<200x1024xf32>
      %mul3A_75 = arith.mulf %get3A_52, %mul3A_74 : vector<200x1024xf32>
      %mul3A_76 = vector.broadcast %get3A_44 : f32 to vector<200x1024xf32>
      %mul3A_77 = arith.mulf %get3A_57, %mul3A_76 : vector<200x1024xf32>
      %add3A_78 = arith.addf %mul3A_75, %mul3A_77 : vector<200x1024xf32>
      %mul3A_79 = vector.broadcast %get3A_47 : f32 to vector<200x1024xf32>
      %mul3A_80 = arith.mulf %get3A_62, %mul3A_79 : vector<200x1024xf32>
      %add3A_81 = arith.addf %add3A_78, %mul3A_80 : vector<200x1024xf32>
      %get3A_82 = arith.constant 0 : index
      %get3A_83 = memref.load %arg7[%get3A_82] : memref<1xf32, #tpu.memory_space<smem>>
      %add3A_84 = vector.broadcast %get3A_83 : f32 to vector<200x1024xf32>
      %add3A_85 = arith.addf %add3A_81, %add3A_84 : vector<200x1024xf32>
      %exp3A = math.exp %add3A_73 : vector<200x1024xf32>
      %log1p3A = math.log1p %exp3A : vector<200x1024xf32>
      %exp3A_86 = math.exp %add3A_85 : vector<200x1024xf32>
      %log1p3A_87 = math.log1p %exp3A_86 : vector<200x1024xf32>
      %neg3A = arith.constant 0.000000e+00 : f32
      %neg3A_88 = vector.broadcast %neg3A : f32 to vector<200x1024xf32>
      %neg3A_89 = arith.subf %neg3A_88, %log1p3A_87 : vector<200x1024xf32>
      %mul3A_90 = arith.mulf %neg3A_89, %sub3A_13 : vector<200x1024xf32>
      %exp3A_91 = math.exp %mul3A_90 : vector<200x1024xf32>
      %mul3A_92 = arith.mulf %log1p3A, %exp3A_91 : vector<200x1024xf32>
      %jit3A = arith.constant 0.000000e+00 : f32
      %broadcast_in_dim3A_93 = vector.broadcast %jit3A : f32 to vector<200x1024xf32>
      %select_n3A = arith.select %and3A, %mul3A_92, %broadcast_in_dim3A_93 : vector<200x1024xi1>, vector<200x1024xf32>
      %reduce_sum3A = arith.constant dense<0.000000e+00> : vector<1024xf32>
      %reduce_sum3A_94 = vector.multi_reduction <add>, %select_n3A, %reduce_sum3A [0] : vector<200x1024xf32> to vector<1024xf32>
      %swap3A = arith.constant 0 : index
      %swap3A_95 = vector.load %arg8[%swap3A] : memref<1024xf32, #tpu.memory_space<vmem>>, vector<1024xf32>
      tpu.vector_store %arg8[%swap3A], %reduce_sum3A_94 {strides = array<i32>} : memref<1024xf32, #tpu.memory_space<vmem>>, vector<1024xf32>,
    } else {
    }
    return
  }
  func.func @transform_0(%arg0: i32) -> (i32, i32) {
    %c0_i32 = arith.constant 0 : i32
    %c0_i32_0 = arith.constant 0 : i32
    %c0_i32_1 = arith.constant 0 : i32
    return %c0_i32, %c0_i32_0 : i32, i32
  }
  func.func @transform_1(%arg0: i32) -> (i32, i32, i32) {
    %sub3A = arith.constant 1 : i32
    %sub3A_0 = arith.subi %arg0, %sub3A : i32
    %max3A = arith.constant 0 : i32
    %max3A_1 = arith.maxsi %sub3A_0, %max3A : i32
    %c0_i32 = arith.constant 0 : i32
    %c0_i32_2 = arith.constant 0 : i32
    %c0_i32_3 = arith.constant 0 : i32
    return %c0_i32, %c0_i32_2, %max3A_1 : i32, i32, i32
  }
  func.func @transform_2(%arg0: i32) -> i32 {
    %c0_i32 = arith.constant 0 : i32
    %c0_i32_0 = arith.constant 0 : i32
    return %c0_i32 : i32
  }
  func.func @transform_3(%arg0: i32) -> (i32, i32) {
    %c0_i32 = arith.constant 0 : i32
    %c0_i32_0 = arith.constant 0 : i32
    %c0_i32_1 = arith.constant 0 : i32
    return %c0_i32, %c0_i32_0 : i32, i32
  }
  func.func @transform_4(%arg0: i32) -> i32 {
    %c0_i32 = arith.constant 0 : i32
    %c0_i32_0 = arith.constant 0 : i32
    return %c0_i32 : i32
  }
  func.func @transform_5(%arg0: i32) -> (i32, i32) {
    %c0_i32 = arith.constant 0 : i32
    %c0_i32_0 = arith.constant 0 : i32
    %c0_i32_1 = arith.constant 0 : i32
    return %c0_i32, %c0_i32_0 : i32, i32
  }
  func.func @transform_6(%arg0: i32) -> i32 {
    %c0_i32 = arith.constant 0 : i32
    %c0_i32_0 = arith.constant 0 : i32
    return %c0_i32 : i32
  }
  func.func @transform_7(%arg0: i32) -> i32 {
    %sub3A = arith.constant 1 : i32
    %sub3A_0 = arith.subi %arg0, %sub3A : i32
    %max3A = arith.constant 0 : i32
    %max3A_1 = arith.maxsi %sub3A_0, %max3A : i32
    %c0_i32 = arith.constant 0 : i32
    return %max3A_1 : i32
  }
}

</mosaic_0001>

<sc_bundles>
// kernel: kernel.5.cloned.1.call-start
scs
__scs_entry_jumppad:
0x0: {  	(pc) =	sbr.rel $0x88, $3  }
0x1: {  	(tag) =	ssettag $0x0;
	lr =	simm.s32 $0x1  }
0x2: {  	[smem:$0x3F97] =	sst lr;
	_ =	strace $0xD0000000  }
0x3: {  	_ = 	snop  }
0x4: {  	_ = 	snop  }
0x5: {  	_ = 	snop  }
0x6: {  	_ = 	snop  }
0x7: {  	_ = 	snop  }
__scs_overlays_trampoline_lowered:
0x8: {  	[smem:$0x3FA6] =	sst s0  }
0x9: {  	[smem:$0x3FA7] =	sst s1  }
0xa: {  	[smem:$0x3FA8] =	sst s2  }
0xb: {  	[smem:$0x3FA9] =	sst s3  }
0xc: {  	[smem:$0x3FAA] =	sst s4  }
0xd: {  	[smem:$0x3FAB] =	sst s5  }
0xe: {  	[smem:$0x3FAC] =	sst s6  }
0xf: {  	[smem:$0x3FAD] =	sst s7  }
0x10: {  	[smem:$0x3FAE] =	sst s8  }
0x11: {  	[smem:$0x3FAF] =	sst s9;
	s0 =	simm.s32 @!p0 $0x0  }
0x12: {  	s1 =	sld [smem:$0x3F95];
	s0 =	simm.s32 @p0 $0x1  }
0x13: {  	[smem:$0x3FB0] =	sst s0;
	s0 =	simm.s32 @!p1 $0x0  }
0x14: {  	s2 =	sld [smem:$0x3F94];
	s0 =	simm.s32 @p1 $0x1  }
0x15: {  	[smem:$0x3FB1] =	sst s0;
	s0 =	simm.s32 @!p2 $0x0  }
0x16: {  	s3 =	sld [smem:$0x3FDB];
	s0 =	simm.s32 @p2 $0x1  }
0x17: {  	s4 =	simm.s32 $0x1BF5;
	[smem:$0x3FB3] =	sst s0  }
0x18: {  	s0 =	sld [smem:$0x3F96];
	_ =	swait.ge [sflag:s4], $0x0  }
0x19: {  	s7 =	sld [smem:$0x3F97]  }
0x1a: {  	s8 =	sadd.s32 $0xFFFFE003, lr  }
0x1b: {  	s9 =	sadd.s32 $0xFFFFFEF7, lr;
	s5 =	simm.s32 $0xFFFFFFFF;
	p2 =	slt.u32 s8, $0xFFFFF086  }
0x1c: {  	p1 =	slt.u32 s9, $0xF7A;
	s5 =	simm.s32 @!p2 $0x0  }
0x1d: {  	s5 =	simm.s32 @p1 $0x1;
	p0 =	seq.s32 s7, s2  }
0x1e: {  	s7 =	smul.u32 @!p0 $0xF7A, s2;
	p2 =	seq.s32 @!p0 s5, $0x0  }
0x1f: {  	s9 =	smul.u32 $0xF7A, s1;
	s8 =	simm.s32 @!p0 $0x1BF5;
	p2 =	por !p2, p0  }
0x20: {  	[sflag:s8] =	ssyncset.s32 @!p0 $0xFFFFF086;
	s6 =	sadd.s32 @!p0 s3, s7;
	s7 =	simm.s32 @!p0 $0x108  }
0x21: {  	s3 =	sadd.s32 s3, s9;
	s6 =	sadd.s32 @!p0 $0x88, s6;
	s7 =	simm.s32 @p2 $0x1082  }
0x22: {  	[simem:s7], [sflag:s8] =	dma.local @!p0 [hbm:s6], $0xF7A  }
0x23: {  	s9 =	sor.u32 $0xD0000000, s2;
	s6 =	simm.s32 $0x108;
	_ =	swait.ge @!p0 [sflag:s8], $0x0  }
0x24: {  	s3 =	sadd.s32 $0x88, s3;
	s6 =	simm.s32 @!p1 $0x1082;
	[sflag:s4] =	ssyncset.s32 $0xFFFFF086  }
0x25: {  	[simem:s6], [sflag:s4] =	dma.local [hbm:s3], $0xF7A  }
0x26: {  	[smem:$0x3F97] =	sst s1;
	(tag) =	ssettag s2;
	_ =	strace s9  }
0x27: {  	s1 =	sld [smem:$0x3FA7]  }
0x28: {  	s2 =	sld [smem:$0x3FA8]  }
0x29: {  	s4 =	sld [smem:$0x3FAA]  }
0x2a: {  	p0 =	seq.s32 s5, $0x0;
	s5 =	sld [smem:$0x3FAB]  }
0x2b: {  	s6 =	sld [smem:$0x3FAC]  }
0x2c: {  	s7 =	sld [smem:$0x3FAD]  }
0x2d: {  	s3 =	simm.s32 $0x108;
	s8 =	sld [smem:$0x3FAE]  }
0x2e: {  	s3 =	simm.s32 @!p0 $0x1082;
	s9 =	sld [smem:$0x3FAF]  }
0x2f: {  	lr =	sadd.s32 s0, s3;
	s0 =	sld [smem:$0x3FA6]  }
0x30: {  	s3 =	sld [smem:$0x3FA9]  }
0x31: {  	[smem:$0x3FB2] =	sst s10  }
0x32: {  	s10 =	sld [smem:$0x3FB0];
	_ =	sdelay $0x3  }
0x33: {  	p0 =	seq.s32 s10, $0x1;
	s10 =	sld [smem:$0x3FB2];
	_ =	sdelay $0x3  }
0x34: {  	[smem:$0x3FB2] =	sst s10  }
0x35: {  	s10 =	sld [smem:$0x3FB1];
	_ =	sdelay $0x3  }
0x36: {  	p1 =	seq.s32 s10, $0x1;
	s10 =	sld [smem:$0x3FB2];
	_ =	sdelay $0x3  }
0x37: {  	[smem:$0x3FB2] =	sst s10  }
0x38: {  	s10 =	sld [smem:$0x3FB3]  }
0x39: {  	_ = 	snop;
	(pc) =	sbr.ind lr, $3  }
0x3a: {  	_ = 	snop  }
0x3b: {  	_ = 	snop  }
0x3c: {  	p2 =	seq.s32 s10, $0x1;
	s10 =	sld [smem:$0x3FB2]  }
0x3d: {  	_ =	shalt  }
0x3e: {  	_ =	shalt  }
0x3f: {  	_ =	shalt  }
0x40: {  	_ =	shalt  }
0x41: {  	_ =	shalt  }
0x42: {  	_ =	shalt  }
0x43: {  	_ =	shalt  }
0x44: {  	_ =	shalt  }
0x45: {  	_ =	shalt  }
0x46: {  	_ =	shalt  }
0x47: {  	_ =	shalt  }
0x48: {  	_ =	shalt  }
0x49: {  	_ =	shalt  }
0x4a: {  	_ =	shalt  }
0x4b: {  	_ =	shalt  }
0x4c: {  	_ =	shalt  }
0x4d: {  	_ =	shalt  }
0x4e: {  	_ =	shalt  }
0x4f: {  	_ =	shalt  }
0x50: {  	_ =	shalt  }
0x51: {  	_ =	shalt  }
0x52: {  	_ =	shalt  }
0x53: {  	_ =	shalt  }
0x54: {  	_ =	shalt  }
0x55: {  	_ =	shalt  }
0x56: {  	_ =	shalt  }
0x57: {  	_ =	shalt  }
0x58: {  	_ =	shalt  }
0x59: {  	_ =	shalt  }
0x5a: {  	_ =	shalt  }
0x5b: {  	_ =	shalt  }
0x5c: {  	_ =	shalt  }
0x5d: {  	_ =	shalt  }
0x5e: {  	_ =	shalt  }
0x5f: {  	_ =	shalt  }
0x60: {  	_ =	shalt  }
0x61: {  	_ =	shalt  }
0x62: {  	_ =	shalt  }
0x63: {  	_ =	shalt  }
0x64: {  	_ =	shalt  }
0x65: {  	_ =	shalt  }
0x66: {  	_ =	shalt  }
0x67: {  	_ =	shalt  }
0x68: {  	_ =	shalt  }
0x69: {  	_ =	shalt  }
0x6a: {  	_ =	shalt  }
0x6b: {  	_ =	shalt  }
0x6c: {  	_ =	shalt  }
0x6d: {  	_ =	shalt  }
0x6e: {  	_ =	shalt  }
0x6f: {  	_ =	shalt  }
0x70: {  	_ =	shalt  }
0x71: {  	_ =	shalt  }
0x72: {  	_ =	shalt  }
0x73: {  	_ =	shalt  }
0x74: {  	_ =	shalt  }
0x75: {  	_ =	shalt  }
0x76: {  	_ =	shalt  }
0x77: {  	_ =	shalt  }
0x78: {  	_ =	shalt  }
0x79: {  	_ =	shalt  }
0x7a: {  	_ =	shalt  }
0x7b: {  	_ =	shalt  }
0x7c: {  	_ =	shalt  }
0x7d: {  	_ =	shalt  }
0x7e: {  	_ =	shalt  }
0x7f: {  	_ =	shalt  }
0x80: {  	_ =	shalt  }
0x81: {  	_ =	shalt  }
0x82: {  	_ =	shalt  }
0x83: {  	_ =	shalt  }
0x84: {  	_ =	shalt  }
0x85: {  	_ =	shalt  }
0x86: {  	_ =	shalt  }
0x87: {  	_ =	shalt  }
.Lfunc_end0:
.L_simem_size_0:
called_computation_lowered:
.L_overlay_start_0:
0x88: {  	s2 =	sld [smem:$0x3FD9]  }
0x89: {  	s3 =	sld [smem:$0x3FFE];
	_ =	sdelay $0x1  }
0x8a: {  	s1 =	srdreg.scid  }
0x8b: {  	s0 =	sand.u32 $0x1, s1  }
0x8c: {  	s17 =	sshll.u32 s0, $0xA;
	s2 =	sadd.s32 s3, s2  }
0x8d: {  	s2 =	sadd.s32 s2, s17  }
0x8e: {  	[smem:$0x3FBE] =	sst s2  }
0x8f: {  	_ = 	snop  }
0x90: {  	s2 =	sld [smem:$0x3FC9]  }
0x91: {  	s18 =	sld [smem:$0x3FC8]  }
0x92: {  	s4 =	sld [smem:$0x3FC4]  }
0x93: {  	s5 =	sld [smem:$0x3FD0];
	(tm) =	ssettm $0x1  }
0x94: {  	s6 =	sld [smem:$0x3FFB];
	_ =	sdelay $0x3  }
0x95: {  	_ =	strace s6  }
0x96: {  	s6 =	sld [smem:$0x3FFC];
	_ =	sdelay $0x3  }
0x97: {  	_ =	strace s6  }
0x98: {  	s6 =	sld [smem:$0x3FFD];
	_ =	sdelay $0x3  }
0x99: {  	_ =	strace s6  }
0x9a: {  	_ =	strace $0x8FFFFFFF  }
0x9b: {  	s19 =	sld [smem:$0x3FDB];
	_ =	sdelay $0x1  }
0x9c: {  	s7 =	simm.s32 $_scs_section_size  }
0x9d: {  	s8 =	simm.s32 $_size__tile_overlayer_lowered;
	s9 =	simm.s32 $_tile_overlayer_lowered  }
0x9e: {  	s22 =	simm.s32 $0x1BFF;
	s21 =	sshll.u32 s9, $0x1;
	s6 =	sadd.s32 s7, s19  }
0x9f: {  	s10 =	simm.s32 $0x0;
	s20 =	sshll.u32 s8, $0x1;
	s8 =	sadd.s32 s21, s6  }
0xa0: {  	[timem:s10], [sflag:s22] =	dma.local [hbm:s8], s20  }
0xa1: {  	_ =	swait.ge [sflag:s22], s20  }
0xa2: {  	s7 =	ssub.s32 $0x0, s20;
	[sflag:s22] =	ssyncset.done $0x0  }
0xa3: {  	[sflag:s22] =	ssyncadd.s32 s7;
	_ =	sdelay $0x1  }
0xa4: {  	s23 =	simm.s32 $0x1B8B  }
0xa5: {  	_ =	swait.ge [sflag:s23], $0x1  }
0xa6: {  	[sflag:s23] =	ssyncset.done $0x0  }
0xa7: {  	s25 =	simm.s32 $0x1B8E;
	s24 =	sld [smem:$0x3FFE];
	[sflag:s23] =	ssyncadd.s32 $0xFFFFFFFF  }
0xa8: {  	s26 =	simm.s32 $execute0_lowered;
	[smem:$0x3FD2] =	sst s25  }
0xa9: {  	s8 =	sshll.u32 s26, $0x1;
	_ =	strace $0x80000046;
	[dreg:$0x1] =	wrdreg $0xFFFFFFFF  }
0xaa: {  	s28 =	simm.s32 $_size_execute0_lowered;
	s6 =	sadd.s32 s6, s8;
	[dreg:$0x0] =	wrdreg $0x0  }
0xab: {  	s8 =	sshll.u32 s28, $0x1;
	[dreg:$0x2] =	wrdreg s6  }
0xac: {  	[dreg:$0x3] =	wrdreg s8  }
0xad: {  	[dreg:$0x4] =	wrdreg $0xC0  }
0xae: {  	_ =	task [dreg:s10], $0x5FFFF  }
0xaf: {  	[dreg:$0x1] =	wrdreg $0xFFFFFFFF  }
0xb0: {  	[dreg:$0x0] =	wrdreg $0x60  }
0xb1: {  	[dreg:$0x2] =	wrdreg s2  }
0xb2: {  	[dreg:$0x3] =	wrdreg s18  }
0xb3: {  	[dreg:$0x4] =	wrdreg s4  }
0xb4: {  	[dreg:$0x5] =	wrdreg s24  }
0xb5: {  	[dreg:$0x6] =	wrdreg s5  }
0xb6: {  	[dreg:$0x7] =	wrdreg $0xD800  }
0xb7: {  	[dreg:$0x8] =	wrdreg $0x25F00  }
0xb8: {  	[dreg:$0x9] =	wrdreg $0x3E600  }
0xb9: {  	[dreg:$0xa] =	wrdreg $0x56D00  }
0xba: {  	[dreg:$0xb] =	wrdreg $0x6F400  }
0xbb: {  	[dreg:$0xc] =	wrdreg $0x87B00  }
0xbc: {  	[dreg:$0xd] =	wrdreg $0xA0200  }
0xbd: {  	[dreg:$0xe] =	wrdreg $0xB8900  }
0xbe: {  	[dreg:$0xf] =	wrdreg $0x9  }
0xbf: {  	_ =	task.clear_ibuf [dreg:s10], $0x10FFFF;
	_ =	strace $0x90000046  }
0xc0: {  	s29 =	simm.s32 $0x9;
	_ =	strace $0x80000048  }
0xc1: {  	_ =	swait.ge [sflag:s29], $0x1  }
0xc2: {  	[sflag:s29] =	ssyncadd.s32 $0xFFFFFFFF  }
0xc3: {  	_ =	strace $0x90000048  }
0xc4: {  	_ =	sfence  }
0xc5: {  	s30 =	sld [smem:$0x0];
	_ =	sdelay $0x2  }
0xc6: {  	s31 =	sshll.u32 s1, $0xD;
	s1 =	sshrl.u32 s1, $0x2  }
0xc7: {  	s3 =	sand.u32 $0x4000, s31;
	s1 =	sadd.s32 s1, s30  }
0xc8: {  	s0 =	sor.u32 s3, s0;
	s1 =	sshll.u32 s1, $0x11  }
0xc9: {  	s0 =	sor.u32 s1, s0  }
0xca: {  	s0 =	sadd.s32 $0x8F2B, s0  }
0xcb: {  	[sflag:s0] =	ssyncadd.remote.s32 $0x1  }
0xcc: {  	_ =	sfence.sel $0xFFFF  }
0xcd: {  	[dreg:$0x0] =	wrdreg $0xFFFFFFFF;
	(pc) =	sbr.abs _section_cstart, $3  }
0xce: {  	[dreg:$0x1] =	wrdreg $0xFFFFFFFF  }
0xcf: {  	_ =	task.clear_ibuf [dreg:s10], $0x2FFFF;
	_ =	strace $0x9FFFFFFF  }
0xd0: {  	(tm) =	ssettm $0x7FFFFFFF  }
0xd1: {  	_ =	shalt  }
tec
execute0_lowered:
.L_overlay_start_1:
0x0: {  	(tag) =	ssettag $0x1  }
0x1: {  	s2 =	rddreg [dreg:$0x0]  }
0x2: {  	s10 =	rddreg [dreg:$0x1]  }
0x3: {  	s11 =	rddreg [dreg:$0x2]  }
0x4: {  	s12 =	rddreg [dreg:$0x3]  }
0x5: {  	s15 =	rddreg [dreg:$0x4]  }
0x6: {  	s0 =	rddreg [dreg:$0x5]  }
0x7: {  	s1 =	rddreg [dreg:$0x6]  }
0x8: {  	s3 =	rddreg [dreg:$0x7]  }
0x9: {  	s4 =	rddreg [dreg:$0x8]  }
0xa: {  	s5 =	rddreg [dreg:$0x9]  }
0xb: {  	s6 =	rddreg [dreg:$0xa]  }
0xc: {  	s7 =	rddreg [dreg:$0xb]  }
0xd: {  	s8 =	rddreg [dreg:$0xc]  }
0xe: {  	s9 =	simm.s32 $0x0;
	s13 =	srdreg.scid;
	s23 =	stileid.u32  }
0xf: {  	[smem:$0x7FF] =	sst s9;
	s12 =	sadd.s32 $0x1000, s12;
	s24 =	sand.u32 $0x1, s13  }
0x10: {  	s14 =	sshll.u32 s23, $0x5;
	s18 =	smul.u32 $0x1880, s23;
	s25 =	sadd.s32 $0x16F90, s11  }
0x11: {  	s26 =	sadd.s32 $0x16FA0, s11;
	_ =	strace $0x80000047;
	[dreg:$0xe] =	wrdreg s12  }
0x12: {  	s31 =	sadd.s32 $0x16FB0, s11;
	p0 =	seq.s32 s23, $0xF;
	[dreg:$0x10] =	wrdreg s25  }
0x13: {  	s23 =	sadd.s32 $0x16F80, s4;
	s13 =	ssub.s32 $0x2, s24;
	[dreg:$0x11] =	wrdreg s26  }
0x14: {  	s12 =	sshll.u32 s24, $0x4;
	s24 =	sadd.s32 $0x16F80, s11;
	[dreg:$0x12] =	wrdreg s31  }
0x15: {  	s25 =	sadd.s32 $0x16FC0, s11;
	s26 =	sadd.s32 $0x16FD0, s11;
	s31 =	sadd.s32 $0x16FE0, s11  }
0x16: {  	s16 =	sshrl.u32 s13, $0x1;
	s17 =	sor.u32 s12, s14;
	[dreg:$0xf] =	wrdreg s24  }
0x17: {  	s14 =	sadd.s32 s11, s18;
	s19 =	sadd.s32 s18, s3;
	[dreg:$0x13] =	wrdreg s25  }
0x18: {  	s20 =	sadd.s32 s18, s4;
	s21 =	sadd.s32 s18, s5;
	[dreg:$0x14] =	wrdreg s26  }
0x19: {  	[dreg:$0x15] =	wrdreg s31;
	s11 =	sadd.s32 $0x16FF0, s11;
	s25 =	sadd.s32 $0x16F80, s0  }
0x1a: {  	s26 =	sadd.s32 $0x16F80, s1;
	[dreg:$0x16] =	wrdreg s11;
	s11 =	sshrl.u32 s25, $0x3  }
0x1b: {  	s22 =	sadd.s32 s18, s6;
	s31 =	sshrl.u32 s26, $0x3;
	[dreg:$0x17] =	wrdreg s11  }
0x1c: {  	s16 =	ssub.s32 s13, s16;
	s26 =	sshrl.u32 s23, $0x3;
	[dreg:$0x18] =	wrdreg s31  }
0x1d: {  	s12 =	sadd.s32 s2, s17;
	s19 =	sshrl.u32 s19, $0x3;
	[dreg:$0x1a] =	wrdreg s26  }
0x1e: {  	s13 =	sadd.s32 s10, s17;
	s20 =	sshrl.u32 s20, $0x3;
	[smem:$0x7E9] =	sst s19  }
0x1f: {  	s2 =	sadd.s32 s18, s0;
	s21 =	sshrl.u32 s21, $0x3;
	[smem:$0x7EA] =	sst s20  }
0x20: {  	s25 =	sadd.s32 $0x16F80, s5;
	s22 =	sshrl.u32 s22, $0x3;
	[smem:$0x7EB] =	sst s21  }
0x21: {  	s23 =	sadd.s32 $0x16F80, s7;
	s31 =	sshrl.u32 s25, $0x3;
	[smem:$0x7EC] =	sst s22  }
0x22: {  	s15 =	sadd.s32 s15, s17;
	s26 =	sshrl.u32 s23, $0x3;
	[dreg:$0x1b] =	wrdreg s31  }
0x23: {  	s17 =	sadd.s32 s18, s7;
	s2 =	sshrl.u32 s2, $0x3;
	[dreg:$0x1d] =	wrdreg s26  }
0x24: {  	s23 =	sshrl.u32 s17, $0x3;
	[dreg:$0x1f] =	wrdreg s2  }
0x25: {  	s17 =	sadd.s32 $0x60, s14;
	[smem:$0x7ED] =	sst s23  }
0x26: {  	s28 =	simm.s32 $0x80;
	s19 =	sadd.s32 $0x18680, s0;
	[smem:$0x7F4] =	sst s17  }
0x27: {  	s10 =	sadd.s32 s18, s1;
	s20 =	sadd.s32 $0x18680, s1;
	[smem:$0x7F6] =	sst s19  }
0x28: {  	s24 =	smax.u32 s16, $0x1;
	s21 =	sadd.s32 $0x18680, s3;
	[smem:$0x7F7] =	sst s20  }
0x29: {  	s16 =	sadd.s32 $0x16F80, s3;
	s22 =	sadd.s32 $0x18680, s4;
	[smem:$0x7F8] =	sst s21  }
0x2a: {  	s25 =	sadd.s32 $0x16F80, s8;
	s11 =	sshrl.u32 s16, $0x3;
	[smem:$0x7F9] =	sst s22  }
0x2b: {  	s18 =	sadd.s32 s18, s8;
	s31 =	sshrl.u32 s25, $0x3;
	[dreg:$0x19] =	wrdreg s11  }
0x2c: {  	s29 =	simm.s32 $0x1FC1;
	s25 =	sshrl.u32 s18, $0x3;
	[dreg:$0x1e] =	wrdreg s31  }
0x2d: {  	s30 =	simm.s32 $0x2;
	s26 =	sadd.s32 $0x10, s14;
	[smem:$0x7EE] =	sst s25  }
0x2e: {  	s16 =	sadd.s32 $0x16F80, s6;
	s18 =	sadd.s32 $0x70, s14;
	[smem:$0x7EF] =	sst s26  }
0x2f: {  	s23 =	sadd.s32 $0x18680, s5;
	s21 =	simm.s32 $0x400;
	[smem:$0x7F5] =	sst s18  }
0x30: {  	s22 =	simm.s32 $0x3;
	s11 =	sshrl.u32 s16, $0x3;
	[smem:$0x7FA] =	sst s23  }
0x31: {  	s17 =	simm.s32 $0x880;
	s16 =	sshrl.u32 s10, $0x3;
	[dreg:$0x1c] =	wrdreg s11  }
0x32: {  	s19 =	simm.s32 $0xD00;
	s31 =	sadd.s32 $0x20, s14;
	[smem:$0x7E8] =	sst s16  }
0x33: {  	s10 =	sadd.s32 $0x30, s14;
	s25 =	sadd.s32 $0x18680, s6;
	[smem:$0x7F0] =	sst s31  }
0x34: {  	s26 =	sadd.s32 $0x18680, s7;
	s23 =	simm.s32 $0x480;
	[smem:$0x7F1] =	sst s10  }
.Ltmp0:
0x35: {  	s18 =	simm.s32 $0xC80;
	[smem:$0x7FB] =	sst s25;
	(pc) =	sbr.rel .LBB2_1-.Ltmp0, $4  }
0x36: {  	s11 =	sadd.s32 $0x40, s14;
	s16 =	sadd.s32 $0x50, s14;
	[smem:$0x7FC] =	sst s26  }
0x37: {  	s31 =	sadd.s32 $0x18680, s8;
	s25 =	simm.s32 $0x1;
	[smem:$0x7F2] =	sst s11  }
0x38: {  	s26 =	simm.s32 $0x10;
	s10 =	simm.s32 $0xB80;
	[smem:$0x7F3] =	sst s16  }
0x39: {  	[smem:$0x7FD] =	sst s31;
	s11 =	simm.s32 $0x800;
	s16 =	simm.s32 $0xC00  }
.LBB2_3:
0x3a: {  	s20 =	rddreg [dreg:$0xe]  }
0x3b: {  	s2 =	rddreg [dreg:$0xf]  }
0x3c: {  	s31 =	rddreg [dreg:$0x17]  }
0x3d: {  	[tilespmem:s9], [sflag:$0x2] =	stream.linear.gather [hbm4b:s20+s9], $0x400, $0x38;
	[tilespmem:$0xD100] =	vst v63  }
0x3e: {  	[spmem:s31@s26], [sflag:s29] =	dma.strided [hbm:s2@s28], $0x2E0, s25, $0x10   }
0x3f: {  	s20 =	rddreg [dreg:$0x10]  }
0x40: {  	s31 =	rddreg [dreg:$0x18]  }
0x41: {  	[spmem:s31@s26], [sflag:s29] =	dma.strided [hbm:s20@s28], $0x2E0, s25, $0x10   }
0x42: {  	s20 =	rddreg [dreg:$0x11]  }
0x43: {  	s31 =	rddreg [dreg:$0x19]  }
0x44: {  	[spmem:s31@s26], [sflag:s29] =	dma.strided [hbm:s20@s28], $0x2E0, s25, $0x10   }
0x45: {  	s20 =	rddreg [dreg:$0x12]  }
0x46: {  	s31 =	rddreg [dreg:$0x1a]  }
0x47: {  	[spmem:s31@s26], [sflag:s29] =	dma.strided [hbm:s20@s28], $0x2E0, s25, $0x10   }
0x48: {  	s20 =	rddreg [dreg:$0x13]  }
0x49: {  	s31 =	rddreg [dreg:$0x1b]  }
0x4a: {  	[spmem:s31@s26], [sflag:s29] =	dma.strided [hbm:s20@s28], $0x2E0, s25, $0x10   }
0x4b: {  	s20 =	rddreg [dreg:$0x14]  }
0x4c: {  	s31 =	rddreg [dreg:$0x1c]  }
0x4d: {  	[spmem:s31@s26], [sflag:s29] =	dma.strided [hbm:s20@s28], $0x2E0, s25, $0x10   }
0x4e: {  	s20 =	rddreg [dreg:$0x15]  }
0x4f: {  	s31 =	rddreg [dreg:$0x1d]  }
0x50: {  	[spmem:s31@s26], [sflag:s29] =	dma.strided [hbm:s20@s28], $0x2E0, s25, $0x10   }
0x51: {  	s20 =	rddreg [dreg:$0x16]  }
0x52: {  	s31 =	rddreg [dreg:$0x1e]  }
0x53: {  	[spmem:s31@s26], [sflag:s29] =	dma.strided [hbm:s20@s28], $0x2E0, s25, $0x10   }
0x54: {  	_ =	swait.ge [sflag:s30], $0x400  }
0x55: {  	s2 =	sld [smem:$0x7F6]  }
0x56: {  	[sflag:s30] =	ssyncset.done $0x0  }
0x57: {  	s31 =	sld [smem:$0x7F7];
	[sflag:s30] =	ssyncadd.s32 $0xFFFFFC00  }
0x58: {  	[spmem:s2] =	stream.linear.scatter [tilespmem:s9], [sflag:$0x2], $0x80, $0x38;
	[tilespmem:$0xD100] =	vst v63  }
0x59: {  	s20 =	sld [smem:$0x7F8]  }
0x5a: {  	[spmem:s31] =	stream.linear.scatter [tilespmem:s28], [sflag:$0x2], $0x80, $0x38;
	[tilespmem:$0xD100] =	vst v63  }
0x5b: {  	s31 =	simm.s32 $0x100  }
0x5c: {  	[spmem:s20] =	stream.linear.scatter [tilespmem:s31], [sflag:$0x2], $0x80, $0x38;
	[tilespmem:$0xD100] =	vst v63  }
0x5d: {  	s20 =	sld [smem:$0x7F9];
	_ =	sdelay $0x1  }
0x5e: {  	s31 =	simm.s32 $0x180  }
0x5f: {  	[spmem:s20] =	stream.linear.scatter [tilespmem:s31], [sflag:$0x2], $0x80, $0x38;
	[tilespmem:$0xD100] =	vst v63  }
0x60: {  	s20 =	sld [smem:$0x7FA];
	_ =	sdelay $0x1  }
0x61: {  	s31 =	simm.s32 $0x200  }
0x62: {  	[spmem:s20] =	stream.linear.scatter [tilespmem:s31], [sflag:$0x2], $0x80, $0x38;
	[tilespmem:$0xD100] =	vst v63  }
0x63: {  	s20 =	sld [smem:$0x7FB];
	_ =	sdelay $0x1  }
0x64: {  	s31 =	simm.s32 $0x280  }
0x65: {  	[spmem:s20] =	stream.linear.scatter [tilespmem:s31], [sflag:$0x2], $0x80, $0x38;
	[tilespmem:$0xD100] =	vst v63  }
0x66: {  	s20 =	sld [smem:$0x7FC];
	_ =	sdelay $0x1  }
0x67: {  	s31 =	simm.s32 $0x300  }
0x68: {  	[spmem:s20] =	stream.linear.scatter [tilespmem:s31], [sflag:$0x2], $0x80, $0x38;
	[tilespmem:$0xD100] =	vst v63  }
0x69: {  	s20 =	sld [smem:$0x7FD];
	_ =	sdelay $0x1  }
0x6a: {  	s31 =	simm.s32 $0x380  }
0x6b: {  	[spmem:s20] =	stream.linear.scatter [tilespmem:s31], [sflag:$0x2], $0x80, $0x38;
	[tilespmem:$0xD100] =	vst v63  }
0x6c: {  	_ =	swait.ge [sflag:s25], $0x2E0  }
0x6d: {  	[sflag:s25] =	ssyncset.done $0x0  }
0x6e: {  	[sflag:s25] =	ssyncadd.s32 $0xFFFFFD20  }
0x6f: {  	_ =	swait.ge [sflag:s30], $0x80  }
0x70: {  	[sflag:s30] =	ssyncset.done $0x0  }
0x71: {  	[sflag:s30] =	ssyncadd.s32 $0xFFFFFF80  }
0x72: {  	_ =	swait.ge [sflag:s25], $0x2E0  }
0x73: {  	[sflag:s25] =	ssyncset.done $0x0  }
0x74: {  	[sflag:s25] =	ssyncadd.s32 $0xFFFFFD20  }
0x75: {  	_ =	swait.ge [sflag:s30], $0x80  }
0x76: {  	[sflag:s30] =	ssyncset.done $0x0  }
0x77: {  	[sflag:s30] =	ssyncadd.s32 $0xFFFFFF80  }
0x78: {  	_ =	swait.ge [sflag:s25], $0x2E0  }
0x79: {  	[sflag:s25] =	ssyncset.done $0x0  }
0x7a: {  	[sflag:s25] =	ssyncadd.s32 $0xFFFFFD20  }
0x7b: {  	_ =	swait.ge [sflag:s30], $0x80  }
0x7c: {  	[sflag:s30] =	ssyncset.done $0x0  }
0x7d: {  	[sflag:s30] =	ssyncadd.s32 $0xFFFFFF80  }
0x7e: {  	_ =	swait.ge [sflag:s25], $0x2E0  }
0x7f: {  	[sflag:s25] =	ssyncset.done $0x0  }
0x80: {  	[sflag:s25] =	ssyncadd.s32 $0xFFFFFD20  }
0x81: {  	_ =	swait.ge [sflag:s30], $0x80  }
0x82: {  	[sflag:s30] =	ssyncset.done $0x0  }
0x83: {  	[sflag:s30] =	ssyncadd.s32 $0xFFFFFF80  }
0x84: {  	_ =	swait.ge [sflag:s25], $0x2E0  }
0x85: {  	[sflag:s25] =	ssyncset.done $0x0  }
0x86: {  	[sflag:s25] =	ssyncadd.s32 $0xFFFFFD20  }
0x87: {  	_ =	swait.ge [sflag:s30], $0x80  }
0x88: {  	[sflag:s30] =	ssyncset.done $0x0  }
0x89: {  	[sflag:s30] =	ssyncadd.s32 $0xFFFFFF80  }
0x8a: {  	_ =	swait.ge [sflag:s25], $0x2E0  }
0x8b: {  	[sflag:s25] =	ssyncset.done $0x0  }
0x8c: {  	[sflag:s25] =	ssyncadd.s32 $0xFFFFFD20  }
0x8d: {  	_ =	swait.ge [sflag:s30], $0x80  }
0x8e: {  	[sflag:s30] =	ssyncset.done $0x0  }
0x8f: {  	[sflag:s30] =	ssyncadd.s32 $0xFFFFFF80  }
0x90: {  	_ =	swait.ge [sflag:s25], $0x2E0  }
0x91: {  	[sflag:s25] =	ssyncset.done $0x0  }
0x92: {  	[sflag:s25] =	ssyncadd.s32 $0xFFFFFD20  }
0x93: {  	_ =	swait.ge [sflag:s30], $0x80  }
0x94: {  	[sflag:s30] =	ssyncset.done $0x0  }
0x95: {  	[sflag:s30] =	ssyncadd.s32 $0xFFFFFF80  }
0x96: {  	_ =	swait.ge [sflag:s25], $0x2E0  }
0x97: {  	[sflag:s25] =	ssyncset.done $0x0  }
0x98: {  	[sflag:s25] =	ssyncadd.s32 $0xFFFFFD20  }
0x99: {  	_ =	swait.ge [sflag:s30], $0x80  }
0x9a: {  	[sflag:s30] =	ssyncset.done $0x0  }
0x9b: {  	[sflag:s30] =	ssyncadd.s32 $0xFFFFFF80  }
.LBB2_4:
0x9c: {  	[bflag:$0x0] =	sbarrier.arrive $0xFFFF;
	s2 =	simm.s32 $0x500  }
0x9d: {  	[tilespmem:s2], [sflag:$0x1] =	stream.indirect.gather [spmem:s0], $0x1, s21, s28, $0xb8;
	[tilespmem:$0xD100] =	vst v63  }
0x9e: {  	s20 =	simm.s32 $0x900  }
0x9f: {  	[tilespmem:s20], [sflag:$0x2] =	stream.indirect.gather [spmem:s0], $0x1, s23, s28, $0xb8;
	[tilespmem:$0xD100] =	vst v63  }
0xa0: {  	s31 =	simm.s32 $0x580  }
0xa1: {  	[tilespmem:s31], [sflag:$0x1] =	stream.indirect.gather [spmem:s1], $0x1, s21, s28, $0xb8;
	[tilespmem:$0xD100] =	vst v63  }
0xa2: {  	s20 =	simm.s32 $0x980  }
0xa3: {  	[tilespmem:s20], [sflag:$0x2] =	stream.indirect.gather [spmem:s1], $0x1, s23, s28, $0xb8;
	[tilespmem:$0xD100] =	vst v63  }
0xa4: {  	s31 =	simm.s32 $0x600  }
0xa5: {  	[tilespmem:s31], [sflag:$0x1] =	stream.indirect.gather [spmem:s3], $0x1, s21, s28, $0xb8;
	[tilespmem:$0xD100] =	vst v63  }
0xa6: {  	s20 =	simm.s32 $0xA00  }
0xa7: {  	[tilespmem:s20], [sflag:$0x2] =	stream.indirect.gather [spmem:s3], $0x1, s23, s28, $0xb8;
	[tilespmem:$0xD100] =	vst v63  }
0xa8: {  	s31 =	simm.s32 $0x680  }
0xa9: {  	[tilespmem:s31], [sflag:$0x1] =	stream.indirect.gather [spmem:s4], $0x1, s21, s28, $0xb8;
	[tilespmem:$0xD100] =	vst v63  }
0xaa: {  	s20 =	simm.s32 $0xA80  }
0xab: {  	[tilespmem:s20], [sflag:$0x2] =	stream.indirect.gather [spmem:s4], $0x1, s23, s28, $0xb8;
	[tilespmem:$0xD100] =	vst v63  }
0xac: {  	s31 =	simm.s32 $0x700  }
0xad: {  	[tilespmem:s31], [sflag:$0x1] =	stream.indirect.gather [spmem:s5], $0x1, s21, s28, $0xb8;
	[tilespmem:$0xD100] =	vst v63  }
0xae: {  	s20 =	simm.s32 $0xB00  }
0xaf: {  	[tilespmem:s20], [sflag:$0x2] =	stream.indirect.gather [spmem:s5], $0x1, s23, s28, $0xb8;
	[tilespmem:$0xD100] =	vst v63  }
0xb0: {  	s31 =	simm.s32 $0x780  }
0xb1: {  	[tilespmem:s31], [sflag:$0x1] =	stream.indirect.gather [spmem:s6], $0x1, s21, s28, $0xb8;
	[tilespmem:$0xD100] =	vst v63  }
0xb2: {  	_ = 	snop  }
0xb3: {  	[tilespmem:s10], [sflag:$0x2] =	stream.indirect.gather [spmem:s6], $0x1, s23, s28, $0xb8;
	[tilespmem:$0xD100] =	vst v63  }
0xb4: {  	_ = 	snop  }
0xb5: {  	[tilespmem:s11], [sflag:$0x1] =	stream.indirect.gather [spmem:s7], $0x1, s21, s28, $0xb8;
	[tilespmem:$0xD100] =	vst v63  }
0xb6: {  	_ = 	snop  }
0xb7: {  	[tilespmem:s16], [sflag:$0x2] =	stream.indirect.gather [spmem:s7], $0x1, s23, s28, $0xb8;
	[tilespmem:$0xD100] =	vst v63  }
0xb8: {  	_ = 	snop  }
0xb9: {  	[tilespmem:s17], [sflag:$0x1] =	stream.indirect.gather [spmem:s8], $0x1, s21, s28, $0xb8;
	[tilespmem:$0xD100] =	vst v63  }
0xba: {  	_ = 	snop  }
0xbb: {  	[tilespmem:s18], [sflag:$0x2] =	stream.indirect.gather [spmem:s8], $0x1, s23, s28, $0xb8;
	[tilespmem:$0xD100] =	vst v63  }
0xbc: {  	_ =	swait.ge [sflag:s25], $0x80  }
0xbd: {  	[sflag:s25] =	ssyncset.done $0x0  }
0xbe: {  	[sflag:s25] =	ssyncadd.s32 $0xFFFFFF80  }
0xbf: {  	_ =	swait.ge [sflag:s30], $0x80  }
0xc0: {  	[sflag:s30] =	ssyncset.done $0x0  }
0xc1: {  	[sflag:s30] =	ssyncadd.s32 $0xFFFFFF80  }
0xc2: {  	_ =	swait.ge [sflag:s25], $0x80  }
0xc3: {  	[sflag:s25] =	ssyncset.done $0x0  }
0xc4: {  	[sflag:s25] =	ssyncadd.s32 $0xFFFFFF80  }
0xc5: {  	_ =	swait.ge [sflag:s30], $0x80  }
0xc6: {  	[sflag:s30] =	ssyncset.done $0x0  }
0xc7: {  	[sflag:s30] =	ssyncadd.s32 $0xFFFFFF80  }
0xc8: {  	_ =	swait.ge [sflag:s25], $0x80  }
0xc9: {  	[sflag:s25] =	ssyncset.done $0x0  }
0xca: {  	[sflag:s25] =	ssyncadd.s32 $0xFFFFFF80  }
0xcb: {  	_ =	swait.ge [sflag:s30], $0x80  }
0xcc: {  	[sflag:s30] =	ssyncset.done $0x0  }
0xcd: {  	[sflag:s30] =	ssyncadd.s32 $0xFFFFFF80  }
0xce: {  	_ =	swait.ge [sflag:s25], $0x80  }
0xcf: {  	[sflag:s25] =	ssyncset.done $0x0  }
0xd0: {  	[sflag:s25] =	ssyncadd.s32 $0xFFFFFF80  }
0xd1: {  	_ =	swait.ge [sflag:s30], $0x80  }
0xd2: {  	[sflag:s30] =	ssyncset.done $0x0  }
0xd3: {  	[sflag:s30] =	ssyncadd.s32 $0xFFFFFF80  }
0xd4: {  	_ =	swait.ge [sflag:s25], $0x80  }
0xd5: {  	[sflag:s25] =	ssyncset.done $0x0  }
0xd6: {  	[sflag:s25] =	ssyncadd.s32 $0xFFFFFF80  }
0xd7: {  	_ =	swait.ge [sflag:s30], $0x80  }
0xd8: {  	[sflag:s30] =	ssyncset.done $0x0  }
0xd9: {  	[sflag:s30] =	ssyncadd.s32 $0xFFFFFF80  }
0xda: {  	_ =	swait.ge [sflag:s25], $0x80  }
0xdb: {  	[sflag:s25] =	ssyncset.done $0x0  }
0xdc: {  	[sflag:s25] =	ssyncadd.s32 $0xFFFFFF80  }
0xdd: {  	_ =	swait.ge [sflag:s30], $0x80  }
0xde: {  	[sflag:s30] =	ssyncset.done $0x0  }
0xdf: {  	[sflag:s30] =	ssyncadd.s32 $0xFFFFFF80  }
0xe0: {  	_ =	swait.ge [sflag:s25], $0x80  }
0xe1: {  	[sflag:s25] =	ssyncset.done $0x0  }
0xe2: {  	[sflag:s25] =	ssyncadd.s32 $0xFFFFFF80  }
0xe3: {  	_ =	swait.ge [sflag:s30], $0x80  }
0xe4: {  	[sflag:s30] =	ssyncset.done $0x0  }
0xe5: {  	[sflag:s30] =	ssyncadd.s32 $0xFFFFFF80  }
0xe6: {  	_ =	swait.ge [sflag:s25], $0x80  }
0xe7: {  	[sflag:s25] =	ssyncset.done $0x0  }
0xe8: {  	[sflag:s25] =	ssyncadd.s32 $0xFFFFFF80  }
0xe9: {  	_ =	swait.ge [sflag:s30], $0x80  }
0xea: {  	[sflag:s30] =	ssyncset.done $0x0  }
0xeb: {  	[sflag:s30] =	ssyncadd.s32 $0xFFFFFF80  }
0xec: {  	v2 =	vld [tilespmem:$0x500]  }
0xed: {  	v3 =	vld [tilespmem:$0x900]  }
0xee: {  	v5 =	vld [tilespmem:$0x580]  }
0xef: {  	v7 =	vld [tilespmem:$0x980]  }
0xf0: {  	v8 =	vld [tilespmem:$0x600]  }
0xf1: {  	v9 =	vld [tilespmem:$0xA00]  }
0xf2: {  	v14 =	vld [tilespmem:$0x680]  }
0xf3: {  	v11 =	vld [tilespmem:$0xA80]  }
0xf4: {  	v19 =	vld [tilespmem:$0x700]  }
0xf5: {  	v18 =	vld [tilespmem:$0xB00]  }
0xf6: {  	v44 =	vld [tilespmem:$0x780]  }
0xf7: {  	v34 =	vld [tilespmem:$0xB80]  }
0xf8: {  	v45 =	vld [tilespmem:$0x800]  }
0xf9: {  	v35 =	vld [tilespmem:$0xC00]  }
0xfa: {  	v50 =	vld [tilespmem:$0x880]  }
0xfb: {  	v48 =	vld [tilespmem:$0xC80]  }
0xfc: {  	v20 =	vld [tilespmem:$0x510]  }
0xfd: {  	v21 =	vld [tilespmem:$0x910]  }
0xfe: {  	v22 =	vld [tilespmem:$0x590]  }
0xff: {  	v23 =	vld [tilespmem:$0x990]  }
0x100: {  	v24 =	vld [tilespmem:$0x610]  }
0x101: {  	v25 =	vld [tilespmem:$0xA10]  }
0x102: {  	v26 =	vld [tilespmem:$0x690]  }
0x103: {  	v27 =	vld [tilespmem:$0xA90]  }
0x104: {  	v28 =	vld [tilespmem:$0x710]  }
0x105: {  	v29 =	vld [tilespmem:$0xB10]  }
0x106: {  	v30 =	vld [tilespmem:$0x790]  }
0x107: {  	v31 =	vld [tilespmem:$0xB90]  }
0x108: {  	v0 =	vld [tilespmem:$0x810]  }
0x109: {  	v57 =	vld [tilespmem:$0xC10]  }
0x10a: {  	v58 =	vld [tilespmem:$0x890]  }
0x10b: {  	v59 =	vld [tilespmem:$0xC90]  }
0x10c: {  	v36 =	vld [tilespmem:$0x520]  }
0x10d: {  	v37 =	vld [tilespmem:$0x920]  }
0x10e: {  	v38 =	vld [tilespmem:$0x5A0]  }
0x10f: {  	v39 =	vld [tilespmem:$0x9A0]  }
0x110: {  	v40 =	vld [tilespmem:$0x620]  }
0x111: {  	v41 =	vld [tilespmem:$0xA20]  }
0x112: {  	v47 =	vld [tilespmem:$0x6A0]  }
0x113: {  	v43 =	vld [tilespmem:$0xAA0]  }
0x114: {  	v60 =	vld [tilespmem:$0x720]  }
0x115: {  	v61 =	vld [tilespmem:$0xB20]  }
0x116: {  	v62 =	vld [tilespmem:$0x7A0]  }
0x117: {  	v63 =	vld [tilespmem:$0xBA0]  }
0x118: {  	v4 =	vld [tilespmem:$0x820]  }
0x119: {  	v6 =	vld [tilespmem:$0xC20]  }
0x11a: {  	v10 =	vld [tilespmem:$0x8A0]  }
0x11b: {  	v12 =	vld [tilespmem:$0xCA0]  }
0x11c: {  	v52 =	vld [tilespmem:$0x530]  }
0x11d: {  	v53 =	vld [tilespmem:$0x930]  }
0x11e: {  	v54 =	vld [tilespmem:$0x5B0]  }
0x11f: {  	v55 =	vld [tilespmem:$0x9B0]  }
0x120: {  	v56 =	vld [tilespmem:$0x630]  }
0x121: {  	v13 =	vld [tilespmem:$0x830]  }
0x122: {  	v15 =	vld [tilespmem:$0xC30]  }
0x123: {  	v16 =	vld [tilespmem:$0x8B0]  }
0x124: {  	v17 =	vld [tilespmem:$0xCB0]  }
0x125: {  	v1 =	vld [tilespmem:$0x5C0]  }
0x126: {  	v46 =	vld [tilespmem:$0x6C0]  }
0x127: {  	v42 =	vld [tilespmem:$0xAC0]  }
0x128: {  	v32 =	vld [tilespmem:$0xB40]  }
0x129: {  	v33 =	vld [tilespmem:$0x7C0]  }
0x12a: {  	v49 =	vld [tilespmem:$0xBC0]  }
0x12b: {  	v51 =	vld [tilespmem:$0x840]  }
0x12c: {  	[tilespmem:$0x1FE70] =	vst v57;
	v57 =	vld [tilespmem:$0xA30]  }
0x12d: {  	[tilespmem:$0x1FE80] =	vst v58;
	v58 =	vld [tilespmem:$0x6B0]  }
0x12e: {  	[tilespmem:$0x1FE90] =	vst v59;
	v59 =	vld [tilespmem:$0xAB0]  }
0x12f: {  	[tilespmem:$0x1FEA0] =	vst v60;
	v60 =	vld [tilespmem:$0x730]  }
0x130: {  	[tilespmem:$0x1FEB0] =	vst v61;
	v61 =	vld [tilespmem:$0xB30]  }
0x131: {  	[tilespmem:$0x1FEC0] =	vst v62;
	v62 =	vld [tilespmem:$0x7B0]  }
0x132: {  	[tilespmem:$0x1FED0] =	vst v63;
	v63 =	vld [tilespmem:$0xBB0]  }
0x133: {  	[tilespmem:$0x1FEF0] =	vst v6;
	v6 =	vld [tilespmem:$0x540]  }
0x134: {  	[tilespmem:$0x1FEE0] =	vst v4;
	v4 =	vld [tilespmem:$0x940]  }
0x135: {  	[tilespmem:$0x1FE60] =	vst v0;
	v0 =	vld [tilespmem:$0x9C0]  }
0x136: {  	[tilespmem:$0x1FF70] =	vst v17;
	v17 =	vld [tilespmem:$0x640]  }
0x137: {  	[tilespmem:$0x1FF60] =	vst v16;
	v16 =	vld [tilespmem:$0xA40]  }
0x138: {  	[tilespmem:$0x1FF00] =	vst v10;
	v10 =	vld [tilespmem:$0x740]  }
0x139: {  	[tilespmem:$0x1FF10] =	vst v12;
	v12 =	vld [tilespmem:$0xC40]  }
0x13a: {  	[tilespmem:$0x1FF20] =	vst v13;
	v13 =	vld [tilespmem:$0x8C0]  }
0x13b: {  	[tilespmem:$0x1FF30] =	vst v15;
	v15 =	vld [tilespmem:$0xCC0]  }
0x13c: {  	[tilespmem:$0x1FF80] =	vst v33;
	v33 =	vld [tilespmem:$0x650]  }
0x13d: {  	[tilespmem:$0x1FF50] =	vst v32;
	v32 =	vld [tilespmem:$0xA50]  }
0x13e: {  	[tilespmem:$0x1FF90] =	vst v49;
	v49 =	vld [tilespmem:$0x6D0]  }
0x13f: {  	[tilespmem:$0x1FFC0] =	vst v51;
	v51 =	vld [tilespmem:$0xAD0]  }
0x140: {  	v2 =	vmul.f32 v3, v2;
	v3 =	vmul.f32 v7, v5;
	v7 =	vld [tilespmem:$0x7D0]  }
0x141: {  	v5 =	vld [tilespmem:$0xBD0]  }
0x142: {  	v18 =	vmul.f32 v18, v19;
	v19 =	vld [tilespmem:$0x560]  }
0x143: {  	v25 =	vmul.f32 v25, v24;
	v24 =	vld [tilespmem:$0x9E0]  }
0x144: {  	v27 =	vmul.f32 v27, v26;
	v34 =	vmul.f32 v34, v44;
	v26 =	vld [tilespmem:$0x660]  }
0x145: {  	v44 =	vmul.f32 v35, v45;
	v45 =	vmul.f32 v29, v28;
	v28 =	vld [tilespmem:$0xA60]  }
0x146: {  	v48 =	vmul.f32 v48, v50;
	v50 =	vmul.f32 v31, v30;
	v30 =	vld [tilespmem:$0x6E0]  }
0x147: {  	v35 =	vmul.f32 v39, v38;
	v39 =	vld [tilespmem:$0x1FE60]  }
0x148: {  	v38 =	vmul.f32 v41, v40;
	v40 =	vld [tilespmem:$0x1FE70]  }
0x149: {  	v2 =	vadd.f32 v3, v2;
	v3 =	vmul.f32 v9, v8;
	v8 =	vld [tilespmem:$0x850]  }
0x14a: {  	v9 =	vmul.f32 v21, v20;
	v21 =	vld [tilespmem:$0xC50]  }
0x14b: {  	v20 =	vmul.f32 v23, v22;
	v22 =	vadd.f32 v3, v2;
	v2 =	vld [tilespmem:$0x8D0]  }
0x14c: {  	v3 =	vld [tilespmem:$0xCD0]  }
0x14d: {  	v9 =	vadd.f32 v20, v9;
	v20 =	vld [tilespmem:$0x960]  }
0x14e: {  	[tilespmem:$0x1FFF0] =	vst v15;
	v15 =	vld [tilespmem:$0x550]  }
0x14f: {  	[tilespmem:$0x1FFD0] =	vst v12;
	v12 =	vld [tilespmem:$0x950]  }
0x150: {  	[tilespmem:$0x1FFE0] =	vst v13;
	v13 =	vld [tilespmem:$0x5D0]  }
0x151: {  	[tilespmem:$0x1FF40] =	vst v10;
	v10 =	vld [tilespmem:$0x9D0]  }
0x152: {  	[tilespmem:$0x1FFA0] =	vst v49;
	v49 =	vld [tilespmem:$0x750]  }
0x153: {  	v11 =	vmul.f32 v11, v14;
	v0 =	vmul.f32 v0, v1;
	v1 =	vld [tilespmem:$0xC60]  }
0x154: {  	v41 =	vmul.f32 v57, v56;
	v57 =	vmul.f32 v63, v62;
	v62 =	vld [tilespmem:$0x1FF10]  }
0x155: {  	v63 =	vld [tilespmem:$0x570]  }
0x156: {  	v11 =	vadd.f32 v11, v22;
	v22 =	vld [tilespmem:$0x5E0]  }
0x157: {  	v9 =	vadd.f32 v25, v9;
	v25 =	vld [tilespmem:$0xB60]  }
0x158: {  	v31 =	vmul.f32 v40, v39;
	v40 =	vld [tilespmem:$0x1FF20]  }
0x159: {  	v39 =	vld [tilespmem:$0xB70]  }
0x15a: {  	v11 =	vadd.f32 v18, v11;
	v9 =	vadd.f32 v27, v9;
	v27 =	vld [tilespmem:$0xAE0]  }
0x15b: {  	[tilespmem:$0x1FFB0] =	vst v49;
	v49 =	vld [tilespmem:$0xB50]  }
0x15c: {  	v11 =	vadd.f32 v34, v11;
	v34 =	vmul.f32 v37, v36;
	v36 =	vmul.f32 v53, v52;
	v52 =	vld [tilespmem:$0x1FEB0]  }
0x15d: {  	v53 =	vld [tilespmem:$0x1FEC0]  }
0x15e: {  	v37 =	vmul.f32 v55, v54;
	v54 =	vld [tilespmem:$0x1FED0]  }
0x15f: {  	v9 =	vadd.f32 v45, v9;
	v45 =	vmul.f32 v59, v58;
	v58 =	vmul.f32 v16, v17;
	v16 =	vld [tilespmem:$0xCE0]  }
0x160: {  	v59 =	vld [tilespmem:$0x1FEE0]  }
0x161: {  	v55 =	vmul.f32 v61, v60;
	v60 =	vld [tilespmem:$0x1FEF0]  }
0x162: {  	v61 =	vld [tilespmem:$0x1FF00]  }
0x163: {  	v14 =	vadd.f32 v35, v34;
	v34 =	vld [tilespmem:$0x760]  }
0x164: {  	v4 =	vmul.f32 v4, v6;
	v11 =	vadd.f32 v44, v11;
	v44 =	vmul.f32 v43, v47;
	v47 =	vld [tilespmem:$0x1FE80]  }
0x165: {  	v9 =	vadd.f32 v50, v9;
	v50 =	vld [tilespmem:$0x1FEA0]  }
0x166: {  	v0 =	vadd.f32 v0, v4;
	v23 =	vadd.f32 v37, v36;
	v36 =	vld [tilespmem:$0xBE0]  }
0x167: {  	v43 =	vmul.f32 v42, v46;
	v46 =	vld [tilespmem:$0x1FF40]  }
0x168: {  	v0 =	vadd.f32 v58, v0;
	v58 =	vld [tilespmem:$0x1FFA0]  }
0x169: {  	v9 =	vadd.f32 v31, v9;
	v31 =	vld [tilespmem:$0x7E0]  }
0x16a: {  	v11 =	vadd.f32 v48, v11;
	v48 =	vld [tilespmem:$0x1FE90]  }
0x16b: {  	v14 =	vadd.f32 v38, v14;
	v38 =	vld [tilespmem:$0x860]  }
0x16c: {  	v23 =	vadd.f32 v41, v23;
	v41 =	vld [tilespmem:$0x1FF30]  }
0x16d: {  	v0 =	vadd.f32 v43, v0;
	v43 =	vld [tilespmem:$0x7F0]  }
0x16e: {  	v37 =	vmul.f32 v54, v53;
	v54 =	vld [tilespmem:$0x670]  }
0x16f: {  	v17 =	vmul.f32 v60, v59;
	v59 =	vld [tilespmem:$0x6F0]  }
0x170: {  	v29 =	vmul.f32 v62, v61;
	v62 =	vld [tilespmem:$0xAF0]  }
0x171: {  	v53 =	vmul.f32 v32, v33;
	v33 =	vld [tilespmem:$0x770]  }
0x172: {  	v14 =	vadd.f32 v44, v14;
	v44 =	vld [tilespmem:$0x970]  }
0x173: {  	v23 =	vadd.f32 v45, v23;
	v45 =	vld [tilespmem:$0x5F0]  }
0x174: {  	v18 =	vmul.f32 v52, v50;
	v50 =	vld [tilespmem:$0x1FF60]  }
0x175: {  	v52 =	vld [tilespmem:$0x1FF70]  }
0x176: {  	v12 =	vmul.f32 v12, v15;
	v10 =	vmul.f32 v10, v13;
	v56 =	vadd.f32 v55, v23;
	v55 =	vld [tilespmem:$0x1FF80]  }
0x177: {  	v5 =	vmul.f32 v5, v7;
	v35 =	vmul.f32 v48, v47;
	v47 =	vld [tilespmem:$0x1FF50]  }
0x178: {  	v8 =	vmul.f32 v21, v8;
	v10 =	vadd.f32 v10, v12;
	v14 =	vadd.f32 v18, v14;
	v48 =	vld [tilespmem:$0x9F0]  }
0x179: {  	v2 =	vmul.f32 v3, v2;
	v6 =	vadd.f32 v35, v9;
	v9 =	vadd.f32 v57, v56;
	v56 =	vld [tilespmem:$0x1FF90]  }
0x17a: {  	v60 =	vmul.f32 v20, v19;
	v10 =	vadd.f32 v53, v10;
	v12 =	vmul.f32 v51, v58;
	v57 =	vld [tilespmem:$0xA70]  }
0x17b: {  	v61 =	vmul.f32 v24, v22;
	v14 =	vadd.f32 v37, v14;
	v35 =	vmul.f32 v41, v40;
	v40 =	vld [tilespmem:$0x1FFC0]  }
0x17c: {  	v10 =	vadd.f32 v12, v10;
	v63 =	vmul.f32 v44, v63;
	v41 =	vld [tilespmem:$0x1FFD0];
	v4 =	vmul.f32 v47, v46  }
0x17d: {  	v14 =	vadd.f32 v17, v14;
	v9 =	vadd.f32 v35, v9;
	v35 =	vld [tilespmem:$0x1FFB0];
	v13 =	vmul.f32 v48, v45  }
0x17e: {  	v17 =	vmul.f32 v52, v50;
	v50 =	vld [tilespmem:$0xC70];
	v0 =	vadd.f32 v4, v0;
	v4 =	vmul.f32 v56, v55  }
0x17f: {  	v53 =	vmul.f32 v36, v31;
	v45 =	vld [tilespmem:$0xBF0];
	v12 =	vadd.f32 v13, v63;
	v42 =	vmul.f32 v57, v54  }
0x180: {  	v37 =	vmul.f32 v28, v26;
	v48 =	vld [tilespmem:$0x870];
	v0 =	vadd.f32 v4, v0;
	v4 =	vadd.f32 v61, v60  }
0x181: {  	v44 =	vmul.f32 v27, v30;
	v47 =	vmul.f32 v62, v59;
	v55 =	vld [tilespmem:$0x1FFE0];
	v46 =	vadd.f32 v42, v12  }
0x182: {  	v14 =	vadd.f32 v29, v14;
	v56 =	vld [tilespmem:$0x1FFF0];
	v18 =	vmul.f32 v49, v35;
	v4 =	vadd.f32 v37, v4  }
0x183: {  	v51 =	vmul.f32 v39, v33;
	v52 =	vld [tilespmem:$0x8F0];
	v9 =	vadd.f32 v17, v9;
	v7 =	vadd.f32 v47, v46  }
0x184: {  	v54 =	vld [tilespmem:$0xCF0];
	v49 =	vmul.f32 v25, v34;
	v10 =	vadd.f32 v18, v10;
	v4 =	vadd.f32 v44, v4  }
0x185: {  	v23 =	vld [tilespmem:$0x8E0];
	v24 =	vmul.f32 v41, v40;
	v57 =	vmul.f32 v45, v43;
	v7 =	vadd.f32 v51, v7  }
0x186: {  	v59 =	vmul.f32 v50, v48;
	v5 =	vadd.f32 v5, v10;
	v4 =	vadd.f32 v49, v4  }
0x187: {  	[tilespmem:$0xD00] =	vst v11;
	v0 =	vadd.f32 v24, v0;
	v20 =	vmul.f32 v56, v55;
	v58 =	vadd.f32 v57, v7  }
0x188: {  	v1 =	vmul.f32 v1, v38;
	[tilespmem:$0xD10] =	vst v6;
	v5 =	vadd.f32 v8, v5;
	v4 =	vadd.f32 v53, v4  }
0x189: {  	[tilespmem:$0xD20] =	vst v14;
	v61 =	vmul.f32 v54, v52;
	v0 =	vadd.f32 v20, v0;
	v3 =	vadd.f32 v59, v58  }
0x18a: {  	[tilespmem:$0xD30] =	vst v9;
	v60 =	vmul.f32 v16, v23;
	v2 =	vadd.f32 v2, v5;
	v1 =	vadd.f32 v1, v4  }
0x18b: {  	[tilespmem:$0xD40] =	vst v0;
	v63 =	vadd.f32 v61, v3  }
0x18c: {  	s24 =	sadd.s32 $0xFFFFFFFF, s24;
	[tilespmem:$0xD50] =	vst v2;
	v62 =	vadd.f32 v60, v1  }
0x18d: {  	p1 =	sne.s32 s24, $0x0;
	[tilespmem:$0xD70] =	vst v63  }
.Ltmp1:
0x18e: {  	[tilespmem:$0xD60] =	vst v62;
	(pc) =	sbr.rel @!p1 .LBB2_5-.Ltmp1, $4  }
0x18f: {  	[hbm4b:s15+s9] =	stream.linear.scatter [tilespmem:s19], [sflag:$0x3], $0x80, $0x38;
	[tilespmem:$0xD100] =	vst v63  }
0x190: {  	_ =	swait.ge [sflag:s22], $0x80  }
0x191: {  	[sflag:s22] =	ssyncset.done $0x0  }
0x192: {  	[sflag:s22] =	ssyncadd.s32 $0xFFFFFF80  }
.LBB2_1:
0x193: {  	[tilespmem:s21], [sflag:$0x3] =	stream.linear.gather [hbm4b:s12+s9], $0x80, $0x38;
	[tilespmem:$0xD100] =	vst v63  }
0x194: {  	_ =	swait.ge [sflag:s22], $0x80  }
0x195: {  	[sflag:s22] =	ssyncset.done $0x0  }
.Ltmp2:
0x196: {  	[sflag:s22] =	ssyncadd.s32 $0xFFFFFF80;
	(pc) =	sbr.rel @p0 .LBB2_3-.Ltmp2, $4  }
0x197: {  	[tilespmem:s23], [sflag:$0x3] =	stream.linear.gather [hbm4b:s13+s9], $0x80, $0x38;
	[tilespmem:$0xD100] =	vst v63  }
0x198: {  	_ =	swait.ge [sflag:s22], $0x80  }
0x199: {  	[sflag:s22] =	ssyncset.done $0x0  }
0x19a: {  	[sflag:s22] =	ssyncadd.s32 $0xFFFFFF80  }
0x19b: {  	s20 =	stileid.u32  }
0x19c: {  	s20 =	sshll.u32 s20, $0x6  }
0x19d: {  	s31 =	rddreg [dreg:$0x1f];
	s20 =	sor.u32 $0x1C01, s20  }
0x19e: {  	[spmem:s31@s26], [sflag:s20] =	dma.strided [hbm:s14@s28], $0x310, s25, $0x10   }
0x19f: {  	s31 =	sld [smem:$0x7E8]  }
0x1a0: {  	s2 =	sld [smem:$0x7EF];
	_ =	sdelay $0x2  }
0x1a1: {  	[spmem:s31@s26], [sflag:s20] =	dma.strided [hbm:s2@s28], $0x310, s25, $0x10   }
0x1a2: {  	s31 =	sld [smem:$0x7E9]  }
0x1a3: {  	s2 =	sld [smem:$0x7F0];
	_ =	sdelay $0x2  }
0x1a4: {  	[spmem:s31@s26], [sflag:s20] =	dma.strided [hbm:s2@s28], $0x310, s25, $0x10   }
0x1a5: {  	s31 =	sld [smem:$0x7EA]  }
0x1a6: {  	s2 =	sld [smem:$0x7F1];
	_ =	sdelay $0x2  }
0x1a7: {  	[spmem:s31@s26], [sflag:s20] =	dma.strided [hbm:s2@s28], $0x310, s25, $0x10   }
0x1a8: {  	s31 =	sld [smem:$0x7EB]  }
0x1a9: {  	s2 =	sld [smem:$0x7F2];
	_ =	sdelay $0x2  }
0x1aa: {  	[spmem:s31@s26], [sflag:s20] =	dma.strided [hbm:s2@s28], $0x310, s25, $0x10   }
0x1ab: {  	s31 =	sld [smem:$0x7EC]  }
0x1ac: {  	s2 =	sld [smem:$0x7F3];
	_ =	sdelay $0x2  }
0x1ad: {  	[spmem:s31@s26], [sflag:s20] =	dma.strided [hbm:s2@s28], $0x310, s25, $0x10   }
0x1ae: {  	s31 =	sld [smem:$0x7ED]  }
0x1af: {  	s2 =	sld [smem:$0x7F4];
	_ =	sdelay $0x2  }
0x1b0: {  	[spmem:s31@s26], [sflag:s20] =	dma.strided [hbm:s2@s28], $0x310, s25, $0x10   }
0x1b1: {  	s31 =	sld [smem:$0x7EE]  }
0x1b2: {  	s2 =	sld [smem:$0x7F5];
	_ =	sdelay $0x2  }
0x1b3: {  	[spmem:s31@s26], [sflag:s20] =	dma.strided [hbm:s2@s28], $0x310, s25, $0x10   }
0x1b4: {  	_ =	swait.ge [sflag:s25], $0x310  }
0x1b5: {  	[sflag:s25] =	ssyncset.done $0x0  }
0x1b6: {  	[sflag:s25] =	ssyncadd.s32 $0xFFFFFCF0  }
0x1b7: {  	_ =	swait.ge [sflag:s25], $0x310  }
0x1b8: {  	[sflag:s25] =	ssyncset.done $0x0  }
0x1b9: {  	[sflag:s25] =	ssyncadd.s32 $0xFFFFFCF0  }
0x1ba: {  	_ =	swait.ge [sflag:s25], $0x310  }
0x1bb: {  	[sflag:s25] =	ssyncset.done $0x0  }
0x1bc: {  	[sflag:s25] =	ssyncadd.s32 $0xFFFFFCF0  }
0x1bd: {  	_ =	swait.ge [sflag:s25], $0x310  }
0x1be: {  	[sflag:s25] =	ssyncset.done $0x0  }
0x1bf: {  	[sflag:s25] =	ssyncadd.s32 $0xFFFFFCF0  }
0x1c0: {  	_ =	swait.ge [sflag:s25], $0x310  }
0x1c1: {  	[sflag:s25] =	ssyncset.done $0x0  }
0x1c2: {  	[sflag:s25] =	ssyncadd.s32 $0xFFFFFCF0  }
0x1c3: {  	_ =	swait.ge [sflag:s25], $0x310  }
0x1c4: {  	[sflag:s25] =	ssyncset.done $0x0  }
0x1c5: {  	[sflag:s25] =	ssyncadd.s32 $0xFFFFFCF0  }
0x1c6: {  	_ =	swait.ge [sflag:s25], $0x310  }
.Ltmp3:
0x1c7: {  	[sflag:s25] =	ssyncset.done $0x0;
	(pc) =	sbr.rel .LBB2_4-.Ltmp3, $4  }
0x1c8: {  	[sflag:s25] =	ssyncadd.s32 $0xFFFFFCF0  }
0x1c9: {  	_ =	swait.ge [sflag:s25], $0x310  }
0x1ca: {  	[sflag:s25] =	ssyncset.done $0x0  }
0x1cb: {  	[sflag:s25] =	ssyncadd.s32 $0xFFFFFCF0  }
.LBB2_5:
0x1cc: {  	_ =	sfence.sel $0x180000  }
0x1cd: {  	[bflag:$0x0] =	sbarrier.arrive $0xFFFF  }
0x1ce: {  	_ =	strace $0x90000047  }
0x1cf: {  	s0 =	stileid.u32;
	[bflag:$0x2] =	sbarrier.arrive $0xFFFF  }
0x1d0: {  	p0 =	sne.s32 s0, $0x0;
	s0 =	rddreg [dreg:$0xd]  }
0x1d1: {  	s0 =	sadd.s32 @!p0 $0x100000, s0  }
0x1d2: {  	[sflag:s0] =	ssyncadd.tile.s32 @!p0 $0x1;
	_ =	shalt  }
.Lfunc_end2:
_tile_overlayer_lowered:
.L_overlay_start_2:
0x1d3: {  	(tag) =	ssettag $0x2  }
0x1d4: {  	s0 =	rddreg [dreg:$0x0];
	s2 =	stileid.u32  }
0x1d5: {  	s1 =	rddreg [dreg:$0x1];
	p0 =	sne.s32 s2, $0x0  }
0x1d6: {  	s3 =	rddreg [dreg:$0x2];
	[bflag:$0x3] =	sbarrier.arrive $0xFFFF;
	s2 =	simm.s32 @!p0 $0x1C03  }
0x1d7: {  	[timem:s3], [sflag:s2] =	dma.local @!p0 [hbm:s0], s1  }
0x1d8: {  	s0 =	simm.s32 @!p0 $0x3  }
0x1d9: {  	_ =	swait.ge @!p0 [sflag:s0], s1  }
0x1da: {  	s1 =	ssub.s32 @!p0 $0x0, s1;
	[sflag:s0] =	ssyncset.done @!p0 $0x0  }
0x1db: {  	[sflag:s0] =	ssyncadd.s32 @!p0 s1  }
0x1dc: {  	[bflag:$0x3] =	sbarrier.arrive $0xFFFF  }
0x1dd: {  	_ =	shalt  }

</sc_bundles>
